<compile_context>
chip_gen: v7x
topology: tpu7x:2x2x1
jax: 0.10.2.dev20260603
libtpu: 0.0.44.dev20260713+nightly
codegen_flags: <defaults>
</compile_context>

<pallas_src>
import functools

import jax
import jax.numpy as jnp
from jax import lax
from jax.experimental import pallas as pl
from jax.experimental.pallas import tpu as pltpu
from jax.experimental.pallas import tpu_sc as plsc

N_NODES = 10000
N_EDGES = 320000
D_FEAT = 128
D_HID = 16
N_CLS = 7
F = 16

NC = 2
NS = 16
NW = NC * NS
NPAD = 10240
ROWS_PER_TILE = NPAD // NS
CHUNK = 128
NCHUNKS = N_EDGES // CHUNK
CHUNKS_BASE = NCHUNKS // NW
CHUNKS_EXTRA = NCHUNKS - CHUNKS_BASE * NW
RING = 8
NGROUPS = CHUNKS_BASE // RING
NEPI = CHUNKS_BASE - RING * NGROUPS

_MESH = plsc.VectorSubcoreMesh(
    core_axis_name="c", subcore_axis_name="s", num_cores=NC, num_subcores=NS
)


@functools.partial(
    pl.kernel,
    out_type=jax.ShapeDtypeStruct((NC, NPAD), jnp.float32),
    mesh=_MESH,
    scratch_types=[
        pltpu.VMEM((CHUNKS_BASE, CHUNK), jnp.int32),
        pltpu.VMEM((CHUNK,), jnp.int32),
        pltpu.VMEM((CHUNK,), jnp.float32),
        pltpu.VMEM((80,), jnp.float32),
        pltpu.VMEM_SHARED((NPAD,), jnp.float32),
        pltpu.SemaphoreType.DMA,
        [pltpu.SemaphoreType.DMA for _ in range(4)],
    ],
    compiler_params=pltpu.CompilerParams(use_tc_tiling_on_sc=False),
)
def _deg_kernel(dst2_hbm, degp_hbm, didx2, idx_x, ones_v, zero_v, deg_sh, sem, dsem):
    c = lax.axis_index("c")
    s = lax.axis_index("s")
    wid = c * NS + s

    pltpu.async_copy(dst2_hbm.at[pl.ds(wid * CHUNKS_BASE, CHUNKS_BASE)], didx2, sem)

    for k in range(CHUNK // 16):
        ones_v[pl.ds(k * 16, 16)] = jnp.ones((16,), jnp.float32)
    for k in range(80 // 16):
        zero_v[pl.ds(k * 16, 16)] = jnp.zeros((16,), jnp.float32)

    def zb(k, carry):
        pltpu.sync_copy(zero_v, deg_sh.at[pl.ds(s * ROWS_PER_TILE + k * 80, 80)])
        return carry

    lax.fori_loop(0, ROWS_PER_TILE // 80, zb, 0)
    pltpu.make_async_copy(
        dst2_hbm.at[pl.ds(wid * CHUNKS_BASE, CHUNKS_BASE)], didx2, sem
    ).wait()
    plsc.subcore_barrier()

    def body(g, carry):
        for b in range(4):
            j = 4 * g + b

            @pl.when(g > 0)
            def _():
                pltpu.make_async_copy(
                    ones_v, deg_sh.at[didx2.at[j - 4]], dsem[b]
                ).wait()

            pltpu.async_copy(ones_v, deg_sh.at[didx2.at[j]], dsem[b], add=True)
        return carry

    lax.fori_loop(0, CHUNKS_BASE // 4, body, 0)
    for k in range(CHUNKS_BASE - 4 * (CHUNKS_BASE // 4)):
        pltpu.sync_copy(ones_v, deg_sh.at[didx2.at[4 * (CHUNKS_BASE // 4) + k]], add=True)
    for b in range(4):
        pltpu.make_async_copy(
            ones_v, deg_sh.at[didx2.at[4 * ((CHUNKS_BASE // 4) - 1) + b]], dsem[b]
        ).wait()

    @pl.when(wid < CHUNKS_EXTRA)
    def _():
        pltpu.sync_copy(dst2_hbm.at[NW * CHUNKS_BASE + wid], idx_x)
        pltpu.sync_copy(ones_v, deg_sh.at[idx_x], add=True)

    plsc.subcore_barrier()

    r0 = s * ROWS_PER_TILE
    pltpu.sync_copy(
        deg_sh.at[pl.ds(r0, ROWS_PER_TILE)], degp_hbm.at[c, pl.ds(r0, ROWS_PER_TILE)]
    )


@functools.partial(
    pl.kernel,
    out_type=jax.ShapeDtypeStruct((NC, NPAD, F), jnp.float32),
    mesh=_MESH,
    scratch_types=[
        pltpu.VMEM((CHUNKS_BASE, CHUNK), jnp.int32),
        pltpu.VMEM((CHUNKS_BASE, CHUNK), jnp.int32),
        pltpu.VMEM((CHUNK,), jnp.int32),
        pltpu.VMEM((CHUNK,), jnp.int32),
        [pltpu.VMEM((CHUNK, F), jnp.float32) for _ in range(RING)],
        pltpu.VMEM((128, F), jnp.float32),
        pltpu.VMEM_SHARED((NPAD, F), jnp.float32),
        pltpu.VMEM_SHARED((NPAD, F), jnp.float32),
        pltpu.SemaphoreType.DMA,
        [pltpu.SemaphoreType.DMA for _ in range(RING)],
        [pltpu.SemaphoreType.DMA for _ in range(RING)],
    ],
    compiler_params=pltpu.CompilerParams(use_tc_tiling_on_sc=False),
)
def _prop_kernel(
    u_hbm, src2_hbm, dst2_hbm, outp_hbm,
    sidx2, didx2, sidx_x, didx_x, msg, zero_v, acc_sh, u_sh, isem, gsem, ssem,
):
    c = lax.axis_index("c")
    s = lax.axis_index("s")
    wid = c * NS + s

    pltpu.async_copy(src2_hbm.at[pl.ds(wid * CHUNKS_BASE, CHUNKS_BASE)], sidx2, isem)
    pltpu.async_copy(dst2_hbm.at[pl.ds(wid * CHUNKS_BASE, CHUNKS_BASE)], didx2, isem)

    @pl.when(s < NS - 1)
    def _():
        pltpu.async_copy(
            u_hbm.at[pl.ds(s * ROWS_PER_TILE, ROWS_PER_TILE)],
            u_sh.at[pl.ds(s * ROWS_PER_TILE, ROWS_PER_TILE)],
            isem,
        )

    @pl.when(s == NS - 1)
    def _():
        pltpu.async_copy(
            u_hbm.at[pl.ds((NS - 1) * ROWS_PER_TILE, N_NODES - (NS - 1) * ROWS_PER_TILE)],
            u_sh.at[pl.ds((NS - 1) * ROWS_PER_TILE, N_NODES - (NS - 1) * ROWS_PER_TILE)],
            isem,
        )

    def zr(r, carry):
        zero_v[r, :] = jnp.zeros((F,), jnp.float32)
        return carry

    lax.fori_loop(0, 128, zr, 0)

    def zb(k, carry):
        pltpu.sync_copy(zero_v, acc_sh.at[pl.ds(s * ROWS_PER_TILE + k * 128, 128)])
        return carry

    lax.fori_loop(0, ROWS_PER_TILE // 128, zb, 0)
    pltpu.make_async_copy(
        src2_hbm.at[pl.ds(wid * CHUNKS_BASE, CHUNKS_BASE)], sidx2, isem
    ).wait()
    pltpu.make_async_copy(
        dst2_hbm.at[pl.ds(wid * CHUNKS_BASE, CHUNKS_BASE)], didx2, isem
    ).wait()

    @pl.when(s < NS - 1)
    def _():
        pltpu.make_async_copy(
            u_hbm.at[pl.ds(s * ROWS_PER_TILE, ROWS_PER_TILE)],
            u_sh.at[pl.ds(s * ROWS_PER_TILE, ROWS_PER_TILE)],
            isem,
        ).wait()

    @pl.when(s == NS - 1)
    def _():
        pltpu.make_async_copy(
            u_hbm.at[pl.ds((NS - 1) * ROWS_PER_TILE, N_NODES - (NS - 1) * ROWS_PER_TILE)],
            u_sh.at[pl.ds((NS - 1) * ROWS_PER_TILE, N_NODES - (NS - 1) * ROWS_PER_TILE)],
            isem,
        ).wait()

    plsc.subcore_barrier()

    def _gather(j, b):
        return pltpu.async_copy(u_sh.at[sidx2.at[j]], msg[b], gsem[b])

    def _gather_wait(j, b):
        pltpu.make_async_copy(u_sh.at[sidx2.at[j]], msg[b], gsem[b]).wait()

    def _scatter(j, b):
        return pltpu.async_copy(msg[b], acc_sh.at[didx2.at[j]], ssem[b], add=True)

    def _scatter_wait(j, b):
        pltpu.make_async_copy(msg[b], acc_sh.at[didx2.at[j]], ssem[b]).wait()

    for b in range(RING - 1):
        _gather(b, b)

    def grp(g, carry):
        for b in range(RING):
            j = RING * g + b
            _gather_wait(j, b)
            _scatter(j, b)
            bp = (b + RING - 1) % RING

            if b == 0:
                @pl.when(g > 0)
                def _():
                    _scatter_wait(j - 1, bp)
            else:
                _scatter_wait(j - 1, bp)

            if b <= NEPI:
                _gather(j + RING - 1, bp)
            else:
                @pl.when(j + RING - 1 < CHUNKS_BASE)
                def _():
                    _gather(j + RING - 1, bp)

        return carry

    lax.fori_loop(0, NGROUPS, grp, 0)

    for k in range(NEPI):
        j = RING * NGROUPS + k
        b = j % RING
        _gather_wait(j, b)
        pltpu.sync_copy(msg[b], acc_sh.at[didx2.at[j]], add=True)

    _scatter_wait(RING * NGROUPS - 1, (RING * NGROUPS - 1) % RING)

    @pl.when(wid < CHUNKS_EXTRA)
    def _():
        pltpu.sync_copy(src2_hbm.at[NW * CHUNKS_BASE + wid], sidx_x)
        pltpu.sync_copy(dst2_hbm.at[NW * CHUNKS_BASE + wid], didx_x)
        pltpu.async_copy(u_sh.at[sidx_x], msg[0], gsem[0]).wait()
        pltpu.sync_copy(msg[0], acc_sh.at[didx_x], add=True)

    plsc.subcore_barrier()

    r0 = s * ROWS_PER_TILE
    pltpu.sync_copy(
        acc_sh.at[pl.ds(r0, ROWS_PER_TILE)], outp_hbm.at[c, pl.ds(r0, ROWS_PER_TILE)]
    )


def _tc1_body(x_ref, w1_ref, degp_ref, dis_ref, u1_ref):
    deg = 1.0 + degp_ref[0, :N_NODES] + degp_ref[1, :N_NODES]
    dis = lax.rsqrt(deg)
    z = jnp.dot(x_ref[...], w1_ref[...], preferred_element_type=jnp.float32)
    dis_ref[...] = dis
    u1_ref[...] = z * dis[:, None]


def _tc2_body(dis_ref, u1_ref, s1_ref, b1_ref, w2p_ref, u2_ref):
    dis = dis_ref[...]
    ssum = s1_ref[0, :N_NODES, :] + s1_ref[1, :N_NODES, :]
    y1 = (ssum + u1_ref[...]) * dis[:, None] + b1_ref[...][None, :]
    h = jnp.maximum(y1, 0.0)
    z2 = jnp.dot(h, w2p_ref[...], preferred_element_type=jnp.float32)
    u2_ref[...] = z2 * dis[:, None]


def _tc3_body(dis_ref, u2_ref, s2_ref, b2p_ref, out_ref):
    dis = dis_ref[...]
    ssum = s2_ref[0, :N_NODES, :] + s2_ref[1, :N_NODES, :]
    y = (ssum + u2_ref[...]) * dis[:, None] + b2p_ref[...][None, :]
    col = lax.broadcasted_iota(jnp.int32, (N_NODES, F), 1)
    y = jnp.where(col < N_CLS, y, -1e30)
    m = jnp.max(y, axis=1, keepdims=True)
    lse = jnp.log(jnp.sum(jnp.exp(y - m), axis=1, keepdims=True))
    ls = y - m - lse
    out_ref[...] = ls[:, :N_CLS]


_tc1 = pl.pallas_call(
    _tc1_body,
    out_shape=[
        jax.ShapeDtypeStruct((N_NODES,), jnp.float32),
        jax.ShapeDtypeStruct((N_NODES, F), jnp.float32),
    ],
)

_tc2 = pl.pallas_call(
    _tc2_body,
    out_shape=jax.ShapeDtypeStruct((N_NODES, F), jnp.float32),
)

_tc3 = pl.pallas_call(
    _tc3_body,
    out_shape=jax.ShapeDtypeStruct((N_NODES, N_CLS), jnp.float32),
)


def kernel(x, edge_index, W1, b1, W2, b2):
    src2 = edge_index[0].astype(jnp.int32).reshape(NCHUNKS, CHUNK)
    dst2 = edge_index[1].astype(jnp.int32).reshape(NCHUNKS, CHUNK)
    w2p = jnp.pad(W2, ((0, 0), (0, F - N_CLS)))
    b2p = jnp.pad(b2, (0, F - N_CLS))

    degp = _deg_kernel(dst2)
    dis, u1 = _tc1(x, W1, degp)
    s1 = _prop_kernel(u1, src2, dst2)
    u2 = _tc2(dis, u1, s1, b1, w2p)
    s2 = _prop_kernel(u2, src2, dst2)
    return _tc3(dis, u2, s2, b2p)

# --- scband reference (transcript-rebuilt; emitter-appended) ---
"""Pipeline reference for scband-net-40733469836115 (READ-ONLY COPY).

The authoritative reference and input builder live on the scoring server;
editing this copy changes nothing except your own understanding.
"""

import jax, jax.numpy as jnp
import numpy as np

N_NODES = 10000
N_EDGES = 320000
D_FEAT = 128
D_HID = 16
N_CLASSES = 7


def setup_inputs(seed: int = 0) -> dict:
    key = jax.random.key(seed)
    k1, k2, k3, k4, k5, k6 = jax.random.split(key, 6)
    x = jax.random.normal(k1, (N_NODES, D_FEAT), dtype=jnp.float32)
    edge_index = jax.random.randint(k2, (2, N_EDGES), 0, N_NODES, dtype=jnp.int64)
    W1 = jax.random.normal(k3, (D_FEAT, D_HID), dtype=jnp.float32) * (1.0 / np.sqrt(D_FEAT))
    b1 = jnp.zeros((D_HID,), dtype=jnp.float32)
    W2 = jax.random.normal(k4, (D_HID, N_CLASSES), dtype=jnp.float32) * (1.0 / np.sqrt(D_HID))
    b2 = jnp.zeros((N_CLASSES,), dtype=jnp.float32)
    return {"x": x, "edge_index": edge_index, "W1": W1, "b1": b1, "W2": W2, "b2": b2}


def gcn_conv(x, src, dst, W, b, n_nodes):
    # GCNConv: x' = D^{-1/2} (A + I) D^{-1/2} X W + b, edge weight 1, with self loops
    h = x @ W
    loop = jnp.arange(n_nodes, dtype=src.dtype)
    s = jnp.concatenate([src, loop])
    d = jnp.concatenate([dst, loop])
    deg = jnp.zeros((n_nodes,), dtype=h.dtype).at[d].add(1.0)
    deg_inv_sqrt = jnp.where(deg > 0, 1.0 / jnp.sqrt(deg), 0.0)
    norm = deg_inv_sqrt[s] * deg_inv_sqrt[d]
    msg = h[s] * norm[:, None]
    out = jnp.zeros((n_nodes, h.shape[1]), dtype=h.dtype).at[d].add(msg)
    return out + b


def reference(x, edge_index, W1, b1, W2, b2):
    src = edge_index[0]
    dst = edge_index[1]
    n = x.shape[0]
    h = gcn_conv(x, src, dst, W1, b1, n)
    h = jax.nn.relu(h)
    # dropout inactive in eval mode (training=False)
    h = gcn_conv(h, src, dst, W2, b2, n)
    return jax.nn.log_softmax(h, axis=1)

if __name__ == "__main__":
    import jax
    _d = setup_inputs()
    print(jax.jit(kernel)(*tuple(_d.values())))

</pallas_src>

<mosaic_0001>
#map = affine_map<(d0, d1) -> (0, 0)>
#map1 = affine_map<(d0, d1) -> (0, 0, 0)>
module attributes {stable_mosaic.version = 14 : i64} {
  func.func @_prop_kernel(%arg0: i32, %arg1: i32, %arg2: memref<10000x16xf32, #tpu.memory_space<hbm>>, %arg3: memref<2500x128xi32, #tpu.memory_space<hbm>>, %arg4: memref<2500x128xi32, #tpu.memory_space<hbm>>, %arg5: memref<2x10240x16xf32, #tpu.memory_space<hbm>>, %arg6: memref<78x128xi32, #tpu.memory_space<vmem>>, %arg7: memref<78x128xi32, #tpu.memory_space<vmem>>, %arg8: memref<128xi32, #tpu.memory_space<vmem>>, %arg9: memref<128xi32, #tpu.memory_space<vmem>>, %arg10: memref<128x16xf32, #tpu.memory_space<vmem>>, %arg11: memref<128x16xf32, #tpu.memory_space<vmem>>, %arg12: memref<128x16xf32, #tpu.memory_space<vmem>>, %arg13: memref<128x16xf32, #tpu.memory_space<vmem>>, %arg14: memref<128x16xf32, #tpu.memory_space<vmem>>, %arg15: memref<128x16xf32, #tpu.memory_space<vmem>>, %arg16: memref<128x16xf32, #tpu.memory_space<vmem>>, %arg17: memref<128x16xf32, #tpu.memory_space<vmem>>, %arg18: memref<128x16xf32, #tpu.memory_space<vmem>>, %arg19: memref<10240x16xf32, #tpu.memory_space<vmem_shared>>, %arg20: memref<10240x16xf32, #tpu.memory_space<vmem_shared>>, %arg21: memref<!tpu.dma_semaphore, #tpu.memory_space<semaphore_mem>>, %arg22: memref<!tpu.dma_semaphore, #tpu.memory_space<semaphore_mem>>, %arg23: memref<!tpu.dma_semaphore, #tpu.memory_space<semaphore_mem>>, %arg24: memref<!tpu.dma_semaphore, #tpu.memory_space<semaphore_mem>>, %arg25: memref<!tpu.dma_semaphore, #tpu.memory_space<semaphore_mem>>, %arg26: memref<!tpu.dma_semaphore, #tpu.memory_space<semaphore_mem>>, %arg27: memref<!tpu.dma_semaphore, #tpu.memory_space<semaphore_mem>>, %arg28: memref<!tpu.dma_semaphore, #tpu.memory_space<semaphore_mem>>, %arg29: memref<!tpu.dma_semaphore, #tpu.memory_space<semaphore_mem>>, %arg30: memref<!tpu.dma_semaphore, #tpu.memory_space<semaphore_mem>>, %arg31: memref<!tpu.dma_semaphore, #tpu.memory_space<semaphore_mem>>, %arg32: memref<!tpu.dma_semaphore, #tpu.memory_space<semaphore_mem>>, %arg33: memref<!tpu.dma_semaphore, #tpu.memory_space<semaphore_mem>>, %arg34: memref<!tpu.dma_semaphore, #tpu.memory_space<semaphore_mem>>, %arg35: memref<!tpu.dma_semaphore, #tpu.memory_space<semaphore_mem>>, %arg36: memref<!tpu.dma_semaphore, #tpu.memory_space<semaphore_mem>>, %arg37: memref<!tpu.dma_semaphore, #tpu.memory_space<semaphore_mem>>) attributes {dimension_semantics = [#tpu.dimension_semantics<core_parallel>, #tpu.dimension_semantics<subcore_parallel>], iteration_bounds = array<i64: 2, 16>, scalar_prefetch = 0 : i64, scratch_operands = 32 : i64, tpu.core_type = #tpu.core_type<sc_vector_subcore>, window_params = [{transform_indices = #map}, {transform_indices = #map}, {transform_indices = #map}, {transform_indices = #map1}]} {
    %mul3A = arith.constant 16 : i32
    %mul3A_0 = arith.muli %arg0, %mul3A : i32
    %add3A = arith.addi %mul3A_0, %arg1 : i32
    %mul3A_1 = arith.constant 78 : i32
    %mul3A_2 = arith.muli %add3A, %mul3A_1 : i32
    %dma_start3A = arith.constant 0 : i32
    %dma_start3A_3 = tpu.memref_slice %arg3[%mul3A_2, %dma_start3A] : memref<2500x128xi32, #tpu.memory_space<hbm>> -> memref<78x128xi32, #tpu.memory_space<hbm>>
    %dma_start3A_4 = arith.constant 0 : i32
    %dma_start3A_5 = tpu.memref_slice %arg3[%mul3A_2, %dma_start3A_4] : memref<2500x128xi32, #tpu.memory_space<hbm>> -> memref<78x128xi32, #tpu.memory_space<hbm>>
    tpu.enqueue_dma source(%dma_start3A_5 : memref<78x128xi32, #tpu.memory_space<hbm>>) target(%arg6 : memref<78x128xi32, #tpu.memory_space<vmem>>) target_semaphore(%arg21 : memref<!tpu.dma_semaphore, #tpu.memory_space<semaphore_mem>>)
    %mul3A_6 = arith.constant 78 : i32
    %mul3A_7 = arith.muli %add3A, %mul3A_6 : i32
    %dma_start3A_8 = arith.constant 0 : i32
    %dma_start3A_9 = tpu.memref_slice %arg4[%mul3A_7, %dma_start3A_8] : memref<2500x128xi32, #tpu.memory_space<hbm>> -> memref<78x128xi32, #tpu.memory_space<hbm>>
    %dma_start3A_10 = arith.constant 0 : i32
    %dma_start3A_11 = tpu.memref_slice %arg4[%mul3A_7, %dma_start3A_10] : memref<2500x128xi32, #tpu.memory_space<hbm>> -> memref<78x128xi32, #tpu.memory_space<hbm>>
    tpu.enqueue_dma source(%dma_start3A_11 : memref<78x128xi32, #tpu.memory_space<hbm>>) target(%arg7 : memref<78x128xi32, #tpu.memory_space<vmem>>) target_semaphore(%arg21 : memref<!tpu.dma_semaphore, #tpu.memory_space<semaphore_mem>>)
    %lt3A = arith.constant 15 : i32
    %lt3A_12 = arith.cmpi slt, %arg1, %lt3A : i32
    %convert_element_type3A = arith.extui %lt3A_12 : i1 to i32
    %cond3A = arith.constant 0 : i32
    %cond3A_13 = arith.cmpi ne, %convert_element_type3A, %cond3A : i32
    scf.if %cond3A_13 {
      %mul3A_167 = arith.constant 640 : i32
      %mul3A_168 = arith.muli %arg1, %mul3A_167 : i32
      %mul3A_169 = arith.constant 640 : i32
      %mul3A_170 = arith.muli %arg1, %mul3A_169 : i32
      %dma_start3A_171 = arith.constant 0 : i32
      %dma_start3A_172 = tpu.memref_slice %arg20[%mul3A_170, %dma_start3A_171] : memref<10240x16xf32, #tpu.memory_space<vmem_shared>> -> memref<640x16xf32, #tpu.memory_space<vmem_shared>>
      %dma_start3A_173 = arith.constant 0 : i32
      %dma_start3A_174 = tpu.memref_slice %arg2[%mul3A_168, %dma_start3A_173] : memref<10000x16xf32, #tpu.memory_space<hbm>> -> memref<640x16xf32, #tpu.memory_space<hbm>>
      tpu.enqueue_dma source(%dma_start3A_174 : memref<640x16xf32, #tpu.memory_space<hbm>>) target(%dma_start3A_172 : memref<640x16xf32, #tpu.memory_space<vmem_shared>>) target_semaphore(%arg21 : memref<!tpu.dma_semaphore, #tpu.memory_space<semaphore_mem>>)
    } else {
    }
    %eq3A = arith.constant 15 : i32
    %eq3A_14 = arith.cmpi eq, %arg1, %eq3A : i32
    %convert_element_type3A_15 = arith.extui %eq3A_14 : i1 to i32
    %cond3A_16 = arith.constant 0 : i32
    %cond3A_17 = arith.cmpi ne, %convert_element_type3A_15, %cond3A_16 : i32
    scf.if %cond3A_17 {
      %dma_start3A_167 = arith.constant 9600 : i32
      %dma_start3A_168 = arith.constant 0 : i32
      %dma_start3A_169 = tpu.memref_slice %arg20[%dma_start3A_167, %dma_start3A_168] : memref<10240x16xf32, #tpu.memory_space<vmem_shared>> -> memref<400x16xf32, #tpu.memory_space<vmem_shared>>
      %dma_start3A_170 = arith.constant 9600 : i32
      %dma_start3A_171 = arith.constant 0 : i32
      %dma_start3A_172 = tpu.memref_slice %arg2[%dma_start3A_170, %dma_start3A_171] : memref<10000x16xf32, #tpu.memory_space<hbm>> -> memref<400x16xf32, #tpu.memory_space<hbm>>
      tpu.enqueue_dma source(%dma_start3A_172 : memref<400x16xf32, #tpu.memory_space<hbm>>) target(%dma_start3A_169 : memref<400x16xf32, #tpu.memory_space<vmem_shared>>) target_semaphore(%arg21 : memref<!tpu.dma_semaphore, #tpu.memory_space<semaphore_mem>>)
    } else {
    }
    %scan3A = arith.constant 0 : i32
    %scan3A_18 = arith.constant 0 : i32
    %scan3A_19 = arith.constant 128 : i32
    %scan3A_20 = arith.addi %scan3A_18, %scan3A_19 : i32
    %scan3A_21 = arith.constant 1 : i32
    scf.for %scan3A_167 = %scan3A_18 to %scan3A_20 step %scan3A_21  : i32 {
      %broadcast_in_dim3A = arith.constant 0.000000e+00 : f32
      %broadcast_in_dim3A_168 = vector.broadcast %broadcast_in_dim3A : f32 to vector<16xf32>
      %swap3A = arith.index_cast %scan3A_167 : i32 to index
      %swap3A_169 = arith.constant 0 : index
      %swap3A_170 = tpu.vector_load %arg18[%swap3A, %swap3A_169] {strides = array<i32>} : memref<128x16xf32, #tpu.memory_space<vmem>>, vector<1x16xf32>,
      %swap3A_171 = vector.shape_cast %swap3A_170 : vector<1x16xf32> to vector<16xf32>
      %swap3A_172 = vector.shape_cast %broadcast_in_dim3A_168 : vector<16xf32> to vector<1x16xf32>
      tpu.vector_store %arg18[%swap3A, %swap3A_169], %swap3A_172 {strides = array<i32>} : memref<128x16xf32, #tpu.memory_space<vmem>>, vector<1x16xf32>,
    }
    %scan3A_22 = arith.constant 128 : i32
    %scan3A_23 = arith.constant 0 : i32
    %scan3A_24 = arith.constant 0 : i32
    %scan3A_25 = arith.constant 5 : i32
    %scan3A_26 = arith.addi %scan3A_24, %scan3A_25 : i32
    %scan3A_27 = arith.constant 1 : i32
    scf.for %scan3A_167 = %scan3A_24 to %scan3A_26 step %scan3A_27  : i32 {
      %mul3A_168 = arith.constant 640 : i32
      %mul3A_169 = arith.muli %arg1, %mul3A_168 : i32
      %mul3A_170 = arith.constant 128 : i32
      %mul3A_171 = arith.muli %scan3A_167, %mul3A_170 : i32
      %add3A_172 = arith.addi %mul3A_169, %mul3A_171 : i32
      "tpu.region"() ({
        %run_scoped3A_173 = tpu.sem_alloc : memref<!tpu.dma_semaphore, #tpu.memory_space<semaphore_mem>>
        %dma_start3A_174 = arith.constant 0 : i32
        %dma_start3A_175 = tpu.memref_slice %arg19[%add3A_172, %dma_start3A_174] : memref<10240x16xf32, #tpu.memory_space<vmem_shared>> -> memref<128x16xf32, #tpu.memory_space<vmem_shared>>
        %dma_start3A_176 = arith.constant 0 : i32
        %dma_start3A_177 = tpu.memref_slice %arg19[%add3A_172, %dma_start3A_176] : memref<10240x16xf32, #tpu.memory_space<vmem_shared>> -> memref<128x16xf32, #tpu.memory_space<vmem_shared>>
        tpu.enqueue_dma source(%arg18 : memref<128x16xf32, #tpu.memory_space<vmem>>) target(%dma_start3A_177 : memref<128x16xf32, #tpu.memory_space<vmem_shared>>) target_semaphore(%run_scoped3A_173 : memref<!tpu.dma_semaphore, #tpu.memory_space<semaphore_mem>>)
        %dma_wait3A_178 = arith.constant 0 : i32
        %dma_wait3A_179 = tpu.memref_slice %arg19[%add3A_172, %dma_wait3A_178] : memref<10240x16xf32, #tpu.memory_space<vmem_shared>> -> memref<128x16xf32, #tpu.memory_space<vmem_shared>>
        %dma_wait3A_180 = arith.constant 0 : i32
        %dma_wait3A_181 = tpu.memref_slice %arg19[%add3A_172, %dma_wait3A_180] : memref<10240x16xf32, #tpu.memory_space<vmem_shared>> -> memref<128x16xf32, #tpu.memory_space<vmem_shared>>
        tpu.wait_dma2 semaphore(%run_scoped3A_173 : memref<!tpu.dma_semaphore, #tpu.memory_space<semaphore_mem>>) src(%arg18 : memref<128x16xf32, #tpu.memory_space<vmem>>) dst(%dma_wait3A_181 : memref<128x16xf32, #tpu.memory_space<vmem_shared>>)
        tpu.yield
      }) : () -> ()
    }
    %scan3A_28 = arith.constant 5 : i32
    %mul3A_29 = arith.constant 78 : i32
    %mul3A_30 = arith.muli %add3A, %mul3A_29 : i32
    %dma_wait3A = arith.constant 0 : i32
    %dma_wait3A_31 = tpu.memref_slice %arg3[%mul3A_30, %dma_wait3A] : memref<2500x128xi32, #tpu.memory_space<hbm>> -> memref<78x128xi32, #tpu.memory_space<hbm>>
    %dma_wait3A_32 = arith.constant 0 : i32
    %dma_wait3A_33 = tpu.memref_slice %arg3[%mul3A_30, %dma_wait3A_32] : memref<2500x128xi32, #tpu.memory_space<hbm>> -> memref<78x128xi32, #tpu.memory_space<hbm>>
    tpu.wait_dma2 semaphore(%arg21 : memref<!tpu.dma_semaphore, #tpu.memory_space<semaphore_mem>>) src(%dma_wait3A_33 : memref<78x128xi32, #tpu.memory_space<hbm>>) dst(%arg6 : memref<78x128xi32, #tpu.memory_space<vmem>>)
    %mul3A_34 = arith.constant 78 : i32
    %mul3A_35 = arith.muli %add3A, %mul3A_34 : i32
    %dma_wait3A_36 = arith.constant 0 : i32
    %dma_wait3A_37 = tpu.memref_slice %arg4[%mul3A_35, %dma_wait3A_36] : memref<2500x128xi32, #tpu.memory_space<hbm>> -> memref<78x128xi32, #tpu.memory_space<hbm>>
    %dma_wait3A_38 = arith.constant 0 : i32
    %dma_wait3A_39 = tpu.memref_slice %arg4[%mul3A_35, %dma_wait3A_38] : memref<2500x128xi32, #tpu.memory_space<hbm>> -> memref<78x128xi32, #tpu.memory_space<hbm>>
    tpu.wait_dma2 semaphore(%arg21 : memref<!tpu.dma_semaphore, #tpu.memory_space<semaphore_mem>>) src(%dma_wait3A_39 : memref<78x128xi32, #tpu.memory_space<hbm>>) dst(%arg7 : memref<78x128xi32, #tpu.memory_space<vmem>>)
    %lt3A_40 = arith.constant 15 : i32
    %lt3A_41 = arith.cmpi slt, %arg1, %lt3A_40 : i32
    %convert_element_type3A_42 = arith.extui %lt3A_41 : i1 to i32
    %cond3A_43 = arith.constant 0 : i32
    %cond3A_44 = arith.cmpi ne, %convert_element_type3A_42, %cond3A_43 : i32
    scf.if %cond3A_44 {
      %mul3A_167 = arith.constant 640 : i32
      %mul3A_168 = arith.muli %arg1, %mul3A_167 : i32
      %mul3A_169 = arith.constant 640 : i32
      %mul3A_170 = arith.muli %arg1, %mul3A_169 : i32
      %dma_wait3A_171 = arith.constant 0 : i32
      %dma_wait3A_172 = tpu.memref_slice %arg20[%mul3A_170, %dma_wait3A_171] : memref<10240x16xf32, #tpu.memory_space<vmem_shared>> -> memref<640x16xf32, #tpu.memory_space<vmem_shared>>
      %dma_wait3A_173 = arith.constant 0 : i32
      %dma_wait3A_174 = tpu.memref_slice %arg2[%mul3A_168, %dma_wait3A_173] : memref<10000x16xf32, #tpu.memory_space<hbm>> -> memref<640x16xf32, #tpu.memory_space<hbm>>
      tpu.wait_dma2 semaphore(%arg21 : memref<!tpu.dma_semaphore, #tpu.memory_space<semaphore_mem>>) src(%dma_wait3A_174 : memref<640x16xf32, #tpu.memory_space<hbm>>) dst(%dma_wait3A_172 : memref<640x16xf32, #tpu.memory_space<vmem_shared>>)
    } else {
    }
    %eq3A_45 = arith.constant 15 : i32
    %eq3A_46 = arith.cmpi eq, %arg1, %eq3A_45 : i32
    %convert_element_type3A_47 = arith.extui %eq3A_46 : i1 to i32
    %cond3A_48 = arith.constant 0 : i32
    %cond3A_49 = arith.cmpi ne, %convert_element_type3A_47, %cond3A_48 : i32
    scf.if %cond3A_49 {
      %dma_wait3A_167 = arith.constant 9600 : i32
      %dma_wait3A_168 = arith.constant 0 : i32
      %dma_wait3A_169 = tpu.memref_slice %arg20[%dma_wait3A_167, %dma_wait3A_168] : memref<10240x16xf32, #tpu.memory_space<vmem_shared>> -> memref<400x16xf32, #tpu.memory_space<vmem_shared>>
      %dma_wait3A_170 = arith.constant 9600 : i32
      %dma_wait3A_171 = arith.constant 0 : i32
      %dma_wait3A_172 = tpu.memref_slice %arg2[%dma_wait3A_170, %dma_wait3A_171] : memref<10000x16xf32, #tpu.memory_space<hbm>> -> memref<400x16xf32, #tpu.memory_space<hbm>>
      tpu.wait_dma2 semaphore(%arg21 : memref<!tpu.dma_semaphore, #tpu.memory_space<semaphore_mem>>) src(%dma_wait3A_172 : memref<400x16xf32, #tpu.memory_space<hbm>>) dst(%dma_wait3A_169 : memref<400x16xf32, #tpu.memory_space<vmem_shared>>)
    } else {
    }
    %barrier3A = arith.constant 0 : index
    tpu.barrier barrier_id(%barrier3A)
    %dma_start3A_50 = arith.constant 0 : i32
    %dma_start3A_51 = arith.constant 0 : i32
    %dma_start3A_52 = tpu.memref_slice %arg6[%dma_start3A_50, %dma_start3A_51] : memref<78x128xi32, #tpu.memory_space<vmem>> -> memref<1x128xi32, #tpu.memory_space<vmem>>
    %dma_start3A_53 = tpu.memref_squeeze %dma_start3A_52 : memref<1x128xi32, #tpu.memory_space<vmem>> -> memref<128xi32, #tpu.memory_space<vmem>>
    %dma_start3A_54 = arith.constant 0 : i32
    %dma_start3A_55 = arith.constant 0 : i32
    %dma_start3A_56 = tpu.memref_slice %arg20[%dma_start3A_54, %dma_start3A_55] : memref<10240x16xf32, #tpu.memory_space<vmem_shared>> -> memref<10240x16xf32, #tpu.memory_space<vmem_shared>>
    tpu.enqueue_indirect_dma source(%dma_start3A_56 : memref<10240x16xf32, #tpu.memory_space<vmem_shared>>) target(%arg10 : memref<128x16xf32, #tpu.memory_space<vmem>>) offsets(%dma_start3A_53 : memref<128xi32, #tpu.memory_space<vmem>>) semaphore(%arg22 : memref<!tpu.dma_semaphore, #tpu.memory_space<semaphore_mem>>)
    %dma_start3A_57 = arith.constant 1 : i32
    %dma_start3A_58 = arith.constant 0 : i32
    %dma_start3A_59 = tpu.memref_slice %arg6[%dma_start3A_57, %dma_start3A_58] : memref<78x128xi32, #tpu.memory_space<vmem>> -> memref<1x128xi32, #tpu.memory_space<vmem>>
    %dma_start3A_60 = tpu.memref_squeeze %dma_start3A_59 : memref<1x128xi32, #tpu.memory_space<vmem>> -> memref<128xi32, #tpu.memory_space<vmem>>
    %dma_start3A_61 = arith.constant 0 : i32
    %dma_start3A_62 = arith.constant 0 : i32
    %dma_start3A_63 = tpu.memref_slice %arg20[%dma_start3A_61, %dma_start3A_62] : memref<10240x16xf32, #tpu.memory_space<vmem_shared>> -> memref<10240x16xf32, #tpu.memory_space<vmem_shared>>
    tpu.enqueue_indirect_dma source(%dma_start3A_63 : memref<10240x16xf32, #tpu.memory_space<vmem_shared>>) target(%arg11 : memref<128x16xf32, #tpu.memory_space<vmem>>) offsets(%dma_start3A_60 : memref<128xi32, #tpu.memory_space<vmem>>) semaphore(%arg23 : memref<!tpu.dma_semaphore, #tpu.memory_space<semaphore_mem>>)
    %dma_start3A_64 = arith.constant 2 : i32
    %dma_start3A_65 = arith.constant 0 : i32
    %dma_start3A_66 = tpu.memref_slice %arg6[%dma_start3A_64, %dma_start3A_65] : memref<78x128xi32, #tpu.memory_space<vmem>> -> memref<1x128xi32, #tpu.memory_space<vmem>>
    %dma_start3A_67 = tpu.memref_squeeze %dma_start3A_66 : memref<1x128xi32, #tpu.memory_space<vmem>> -> memref<128xi32, #tpu.memory_space<vmem>>
    %dma_start3A_68 = arith.constant 0 : i32
    %dma_start3A_69 = arith.constant 0 : i32
    %dma_start3A_70 = tpu.memref_slice %arg20[%dma_start3A_68, %dma_start3A_69] : memref<10240x16xf32, #tpu.memory_space<vmem_shared>> -> memref<10240x16xf32, #tpu.memory_space<vmem_shared>>
    tpu.enqueue_indirect_dma source(%dma_start3A_70 : memref<10240x16xf32, #tpu.memory_space<vmem_shared>>) target(%arg12 : memref<128x16xf32, #tpu.memory_space<vmem>>) offsets(%dma_start3A_67 : memref<128xi32, #tpu.memory_space<vmem>>) semaphore(%arg24 : memref<!tpu.dma_semaphore, #tpu.memory_space<semaphore_mem>>)
    %dma_start3A_71 = arith.constant 3 : i32
    %dma_start3A_72 = arith.constant 0 : i32
    %dma_start3A_73 = tpu.memref_slice %arg6[%dma_start3A_71, %dma_start3A_72] : memref<78x128xi32, #tpu.memory_space<vmem>> -> memref<1x128xi32, #tpu.memory_space<vmem>>
    %dma_start3A_74 = tpu.memref_squeeze %dma_start3A_73 : memref<1x128xi32, #tpu.memory_space<vmem>> -> memref<128xi32, #tpu.memory_space<vmem>>
    %dma_start3A_75 = arith.constant 0 : i32
    %dma_start3A_76 = arith.constant 0 : i32
    %dma_start3A_77 = tpu.memref_slice %arg20[%dma_start3A_75, %dma_start3A_76] : memref<10240x16xf32, #tpu.memory_space<vmem_shared>> -> memref<10240x16xf32, #tpu.memory_space<vmem_shared>>
    tpu.enqueue_indirect_dma source(%dma_start3A_77 : memref<10240x16xf32, #tpu.memory_space<vmem_shared>>) target(%arg13 : memref<128x16xf32, #tpu.memory_space<vmem>>) offsets(%dma_start3A_74 : memref<128xi32, #tpu.memory_space<vmem>>) semaphore(%arg25 : memref<!tpu.dma_semaphore, #tpu.memory_space<semaphore_mem>>)
    %dma_start3A_78 = arith.constant 4 : i32
    %dma_start3A_79 = arith.constant 0 : i32
    %dma_start3A_80 = tpu.memref_slice %arg6[%dma_start3A_78, %dma_start3A_79] : memref<78x128xi32, #tpu.memory_space<vmem>> -> memref<1x128xi32, #tpu.memory_space<vmem>>
    %dma_start3A_81 = tpu.memref_squeeze %dma_start3A_80 : memref<1x128xi32, #tpu.memory_space<vmem>> -> memref<128xi32, #tpu.memory_space<vmem>>
    %dma_start3A_82 = arith.constant 0 : i32
    %dma_start3A_83 = arith.constant 0 : i32
    %dma_start3A_84 = tpu.memref_slice %arg20[%dma_start3A_82, %dma_start3A_83] : memref<10240x16xf32, #tpu.memory_space<vmem_shared>> -> memref<10240x16xf32, #tpu.memory_space<vmem_shared>>
    tpu.enqueue_indirect_dma source(%dma_start3A_84 : memref<10240x16xf32, #tpu.memory_space<vmem_shared>>) target(%arg14 : memref<128x16xf32, #tpu.memory_space<vmem>>) offsets(%dma_start3A_81 : memref<128xi32, #tpu.memory_space<vmem>>) semaphore(%arg26 : memref<!tpu.dma_semaphore, #tpu.memory_space<semaphore_mem>>)
    %dma_start3A_85 = arith.constant 5 : i32
    %dma_start3A_86 = arith.constant 0 : i32
    %dma_start3A_87 = tpu.memref_slice %arg6[%dma_start3A_85, %dma_start3A_86] : memref<78x128xi32, #tpu.memory_space<vmem>> -> memref<1x128xi32, #tpu.memory_space<vmem>>
    %dma_start3A_88 = tpu.memref_squeeze %dma_start3A_87 : memref<1x128xi32, #tpu.memory_space<vmem>> -> memref<128xi32, #tpu.memory_space<vmem>>
    %dma_start3A_89 = arith.constant 0 : i32
    %dma_start3A_90 = arith.constant 0 : i32
    %dma_start3A_91 = tpu.memref_slice %arg20[%dma_start3A_89, %dma_start3A_90] : memref<10240x16xf32, #tpu.memory_space<vmem_shared>> -> memref<10240x16xf32, #tpu.memory_space<vmem_shared>>
    tpu.enqueue_indirect_dma source(%dma_start3A_91 : memref<10240x16xf32, #tpu.memory_space<vmem_shared>>) target(%arg15 : memref<128x16xf32, #tpu.memory_space<vmem>>) offsets(%dma_start3A_88 : memref<128xi32, #tpu.memory_space<vmem>>) semaphore(%arg27 : memref<!tpu.dma_semaphore, #tpu.memory_space<semaphore_mem>>)
    %dma_start3A_92 = arith.constant 6 : i32
    %dma_start3A_93 = arith.constant 0 : i32
    %dma_start3A_94 = tpu.memref_slice %arg6[%dma_start3A_92, %dma_start3A_93] : memref<78x128xi32, #tpu.memory_space<vmem>> -> memref<1x128xi32, #tpu.memory_space<vmem>>
    %dma_start3A_95 = tpu.memref_squeeze %dma_start3A_94 : memref<1x128xi32, #tpu.memory_space<vmem>> -> memref<128xi32, #tpu.memory_space<vmem>>
    %dma_start3A_96 = arith.constant 0 : i32
    %dma_start3A_97 = arith.constant 0 : i32
    %dma_start3A_98 = tpu.memref_slice %arg20[%dma_start3A_96, %dma_start3A_97] : memref<10240x16xf32, #tpu.memory_space<vmem_shared>> -> memref<10240x16xf32, #tpu.memory_space<vmem_shared>>
    tpu.enqueue_indirect_dma source(%dma_start3A_98 : memref<10240x16xf32, #tpu.memory_space<vmem_shared>>) target(%arg16 : memref<128x16xf32, #tpu.memory_space<vmem>>) offsets(%dma_start3A_95 : memref<128xi32, #tpu.memory_space<vmem>>) semaphore(%arg28 : memref<!tpu.dma_semaphore, #tpu.memory_space<semaphore_mem>>)
    %scan3A_99 = arith.constant 0 : i32
    %scan3A_100 = arith.constant 0 : i32
    %scan3A_101 = arith.constant 9 : i32
    %scan3A_102 = arith.addi %scan3A_100, %scan3A_101 : i32
    %scan3A_103 = arith.constant 1 : i32
    scf.for %scan3A_167 = %scan3A_100 to %scan3A_102 step %scan3A_103  : i32 {
      %mul3A_168 = arith.constant 8 : i32
      %mul3A_169 = arith.muli %mul3A_168, %scan3A_167 : i32
      %add3A_170 = arith.constant 0 : i32
      %add3A_171 = arith.addi %mul3A_169, %add3A_170 : i32
      %dma_wait3A_172 = arith.constant 0 : i32
      %dma_wait3A_173 = tpu.memref_slice %arg6[%add3A_171, %dma_wait3A_172] : memref<78x128xi32, #tpu.memory_space<vmem>> -> memref<1x128xi32, #tpu.memory_space<vmem>>
      %dma_wait3A_174 = tpu.memref_squeeze %dma_wait3A_173 : memref<1x128xi32, #tpu.memory_space<vmem>> -> memref<128xi32, #tpu.memory_space<vmem>>
      %dma_wait3A_175 = arith.constant 0 : i32
      %dma_wait3A_176 = arith.constant 0 : i32
      %dma_wait3A_177 = tpu.memref_slice %arg20[%dma_wait3A_175, %dma_wait3A_176] : memref<10240x16xf32, #tpu.memory_space<vmem_shared>> -> memref<10240x16xf32, #tpu.memory_space<vmem_shared>>
      tpu.wait_indirect_dma semaphore(%arg22 : memref<!tpu.dma_semaphore, #tpu.memory_space<semaphore_mem>>) src(%dma_wait3A_177 : memref<10240x16xf32, #tpu.memory_space<vmem_shared>>) dst(%arg10 : memref<128x16xf32, #tpu.memory_space<vmem>>)
      %dma_start3A_178 = arith.constant 0 : i32
      %dma_start3A_179 = tpu.memref_slice %arg7[%add3A_171, %dma_start3A_178] : memref<78x128xi32, #tpu.memory_space<vmem>> -> memref<1x128xi32, #tpu.memory_space<vmem>>
      %dma_start3A_180 = tpu.memref_squeeze %dma_start3A_179 : memref<1x128xi32, #tpu.memory_space<vmem>> -> memref<128xi32, #tpu.memory_space<vmem>>
      %dma_start3A_181 = arith.constant 0 : i32
      %dma_start3A_182 = arith.constant 0 : i32
      %dma_start3A_183 = tpu.memref_slice %arg19[%dma_start3A_181, %dma_start3A_182] : memref<10240x16xf32, #tpu.memory_space<vmem_shared>> -> memref<10240x16xf32, #tpu.memory_space<vmem_shared>>
      tpu.enqueue_indirect_dma source(%arg10 : memref<128x16xf32, #tpu.memory_space<vmem>>) target(%dma_start3A_183 : memref<10240x16xf32, #tpu.memory_space<vmem_shared>>) offsets(%dma_start3A_180 : memref<128xi32, #tpu.memory_space<vmem>>) semaphore(%arg30 : memref<!tpu.dma_semaphore, #tpu.memory_space<semaphore_mem>>) {add = true}
      %gt3A = arith.constant 0 : i32
      %gt3A_184 = arith.cmpi sgt, %scan3A_167, %gt3A : i32
      %convert_element_type3A_185 = arith.extui %gt3A_184 : i1 to i32
      %cond3A_186 = arith.constant 0 : i32
      %cond3A_187 = arith.cmpi ne, %convert_element_type3A_185, %cond3A_186 : i32
      scf.if %cond3A_187 {
        %sub3A_434 = arith.constant 1 : i32
        %sub3A_435 = arith.subi %add3A_171, %sub3A_434 : i32
        %dma_wait3A_436 = arith.constant 0 : i32
        %dma_wait3A_437 = tpu.memref_slice %arg7[%sub3A_435, %dma_wait3A_436] : memref<78x128xi32, #tpu.memory_space<vmem>> -> memref<1x128xi32, #tpu.memory_space<vmem>>
        %dma_wait3A_438 = tpu.memref_squeeze %dma_wait3A_437 : memref<1x128xi32, #tpu.memory_space<vmem>> -> memref<128xi32, #tpu.memory_space<vmem>>
        %dma_wait3A_439 = arith.constant 0 : i32
        %dma_wait3A_440 = arith.constant 0 : i32
        %dma_wait3A_441 = tpu.memref_slice %arg19[%dma_wait3A_439, %dma_wait3A_440] : memref<10240x16xf32, #tpu.memory_space<vmem_shared>> -> memref<10240x16xf32, #tpu.memory_space<vmem_shared>>
        tpu.wait_indirect_dma semaphore(%arg37 : memref<!tpu.dma_semaphore, #tpu.memory_space<semaphore_mem>>) src(%arg17 : memref<128x16xf32, #tpu.memory_space<vmem>>) dst(%dma_wait3A_441 : memref<10240x16xf32, #tpu.memory_space<vmem_shared>>)
      } else {
      }
      %add3A_188 = arith.constant 8 : i32
      %add3A_189 = arith.addi %add3A_171, %add3A_188 : i32
      %sub3A = arith.constant 1 : i32
      %sub3A_190 = arith.subi %add3A_189, %sub3A : i32
      %dma_start3A_191 = arith.constant 0 : i32
      %dma_start3A_192 = tpu.memref_slice %arg6[%sub3A_190, %dma_start3A_191] : memref<78x128xi32, #tpu.memory_space<vmem>> -> memref<1x128xi32, #tpu.memory_space<vmem>>
      %dma_start3A_193 = tpu.memref_squeeze %dma_start3A_192 : memref<1x128xi32, #tpu.memory_space<vmem>> -> memref<128xi32, #tpu.memory_space<vmem>>
      %dma_start3A_194 = arith.constant 0 : i32
      %dma_start3A_195 = arith.constant 0 : i32
      %dma_start3A_196 = tpu.memref_slice %arg20[%dma_start3A_194, %dma_start3A_195] : memref<10240x16xf32, #tpu.memory_space<vmem_shared>> -> memref<10240x16xf32, #tpu.memory_space<vmem_shared>>
      tpu.enqueue_indirect_dma source(%dma_start3A_196 : memref<10240x16xf32, #tpu.memory_space<vmem_shared>>) target(%arg17 : memref<128x16xf32, #tpu.memory_space<vmem>>) offsets(%dma_start3A_193 : memref<128xi32, #tpu.memory_space<vmem>>) semaphore(%arg29 : memref<!tpu.dma_semaphore, #tpu.memory_space<semaphore_mem>>)
      %mul3A_197 = arith.constant 8 : i32
      %mul3A_198 = arith.muli %mul3A_197, %scan3A_167 : i32
      %add3A_199 = arith.constant 1 : i32
      %add3A_200 = arith.addi %mul3A_198, %add3A_199 : i32
      %dma_wait3A_201 = arith.constant 0 : i32
      %dma_wait3A_202 = tpu.memref_slice %arg6[%add3A_200, %dma_wait3A_201] : memref<78x128xi32, #tpu.memory_space<vmem>> -> memref<1x128xi32, #tpu.memory_space<vmem>>
      %dma_wait3A_203 = tpu.memref_squeeze %dma_wait3A_202 : memref<1x128xi32, #tpu.memory_space<vmem>> -> memref<128xi32, #tpu.memory_space<vmem>>
      %dma_wait3A_204 = arith.constant 0 : i32
      %dma_wait3A_205 = arith.constant 0 : i32
      %dma_wait3A_206 = tpu.memref_slice %arg20[%dma_wait3A_204, %dma_wait3A_205] : memref<10240x16xf32, #tpu.memory_space<vmem_shared>> -> memref<10240x16xf32, #tpu.memory_space<vmem_shared>>
      tpu.wait_indirect_dma semaphore(%arg23 : memref<!tpu.dma_semaphore, #tpu.memory_space<semaphore_mem>>) src(%dma_wait3A_206 : memref<10240x16xf32, #tpu.memory_space<vmem_shared>>) dst(%arg11 : memref<128x16xf32, #tpu.memory_space<vmem>>)
      %dma_start3A_207 = arith.constant 0 : i32
      %dma_start3A_208 = tpu.memref_slice %arg7[%add3A_200, %dma_start3A_207] : memref<78x128xi32, #tpu.memory_space<vmem>> -> memref<1x128xi32, #tpu.memory_space<vmem>>
      %dma_start3A_209 = tpu.memref_squeeze %dma_start3A_208 : memref<1x128xi32, #tpu.memory_space<vmem>> -> memref<128xi32, #tpu.memory_space<vmem>>
      %dma_start3A_210 = arith.constant 0 : i32
      %dma_start3A_211 = arith.constant 0 : i32
      %dma_start3A_212 = tpu.memref_slice %arg19[%dma_start3A_210, %dma_start3A_211] : memref<10240x16xf32, #tpu.memory_space<vmem_shared>> -> memref<10240x16xf32, #tpu.memory_space<vmem_shared>>
      tpu.enqueue_indirect_dma source(%arg11 : memref<128x16xf32, #tpu.memory_space<vmem>>) target(%dma_start3A_212 : memref<10240x16xf32, #tpu.memory_space<vmem_shared>>) offsets(%dma_start3A_209 : memref<128xi32, #tpu.memory_space<vmem>>) semaphore(%arg31 : memref<!tpu.dma_semaphore, #tpu.memory_space<semaphore_mem>>) {add = true}
      %sub3A_213 = arith.constant 1 : i32
      %sub3A_214 = arith.subi %add3A_200, %sub3A_213 : i32
      %dma_wait3A_215 = arith.constant 0 : i32
      %dma_wait3A_216 = tpu.memref_slice %arg7[%sub3A_214, %dma_wait3A_215] : memref<78x128xi32, #tpu.memory_space<vmem>> -> memref<1x128xi32, #tpu.memory_space<vmem>>
      %dma_wait3A_217 = tpu.memref_squeeze %dma_wait3A_216 : memref<1x128xi32, #tpu.memory_space<vmem>> -> memref<128xi32, #tpu.memory_space<vmem>>
      %dma_wait3A_218 = arith.constant 0 : i32
      %dma_wait3A_219 = arith.constant 0 : i32
      %dma_wait3A_220 = tpu.memref_slice %arg19[%dma_wait3A_218, %dma_wait3A_219] : memref<10240x16xf32, #tpu.memory_space<vmem_shared>> -> memref<10240x16xf32, #tpu.memory_space<vmem_shared>>
      tpu.wait_indirect_dma semaphore(%arg30 : memref<!tpu.dma_semaphore, #tpu.memory_space<semaphore_mem>>) src(%arg10 : memref<128x16xf32, #tpu.memory_space<vmem>>) dst(%dma_wait3A_220 : memref<10240x16xf32, #tpu.memory_space<vmem_shared>>)
      %add3A_221 = arith.constant 8 : i32
      %add3A_222 = arith.addi %add3A_200, %add3A_221 : i32
      %sub3A_223 = arith.constant 1 : i32
      %sub3A_224 = arith.subi %add3A_222, %sub3A_223 : i32
      %dma_start3A_225 = arith.constant 0 : i32
      %dma_start3A_226 = tpu.memref_slice %arg6[%sub3A_224, %dma_start3A_225] : memref<78x128xi32, #tpu.memory_space<vmem>> -> memref<1x128xi32, #tpu.memory_space<vmem>>
      %dma_start3A_227 = tpu.memref_squeeze %dma_start3A_226 : memref<1x128xi32, #tpu.memory_space<vmem>> -> memref<128xi32, #tpu.memory_space<vmem>>
      %dma_start3A_228 = arith.constant 0 : i32
      %dma_start3A_229 = arith.constant 0 : i32
      %dma_start3A_230 = tpu.memref_slice %arg20[%dma_start3A_228, %dma_start3A_229] : memref<10240x16xf32, #tpu.memory_space<vmem_shared>> -> memref<10240x16xf32, #tpu.memory_space<vmem_shared>>
      tpu.enqueue_indirect_dma source(%dma_start3A_230 : memref<10240x16xf32, #tpu.memory_space<vmem_shared>>) target(%arg10 : memref<128x16xf32, #tpu.memory_space<vmem>>) offsets(%dma_start3A_227 : memref<128xi32, #tpu.memory_space<vmem>>) semaphore(%arg22 : memref<!tpu.dma_semaphore, #tpu.memory_space<semaphore_mem>>)
      %mul3A_231 = arith.constant 8 : i32
      %mul3A_232 = arith.muli %mul3A_231, %scan3A_167 : i32
      %add3A_233 = arith.constant 2 : i32
      %add3A_234 = arith.addi %mul3A_232, %add3A_233 : i32
      %dma_wait3A_235 = arith.constant 0 : i32
      %dma_wait3A_236 = tpu.memref_slice %arg6[%add3A_234, %dma_wait3A_235] : memref<78x128xi32, #tpu.memory_space<vmem>> -> memref<1x128xi32, #tpu.memory_space<vmem>>
      %dma_wait3A_237 = tpu.memref_squeeze %dma_wait3A_236 : memref<1x128xi32, #tpu.memory_space<vmem>> -> memref<128xi32, #tpu.memory_space<vmem>>
      %dma_wait3A_238 = arith.constant 0 : i32
      %dma_wait3A_239 = arith.constant 0 : i32
      %dma_wait3A_240 = tpu.memref_slice %arg20[%dma_wait3A_238, %dma_wait3A_239] : memref<10240x16xf32, #tpu.memory_space<vmem_shared>> -> memref<10240x16xf32, #tpu.memory_space<vmem_shared>>
      tpu.wait_indirect_dma semaphore(%arg24 : memref<!tpu.dma_semaphore, #tpu.memory_space<semaphore_mem>>) src(%dma_wait3A_240 : memref<10240x16xf32, #tpu.memory_space<vmem_shared>>) dst(%arg12 : memref<128x16xf32, #tpu.memory_space<vmem>>)
      %dma_start3A_241 = arith.constant 0 : i32
      %dma_start3A_242 = tpu.memref_slice %arg7[%add3A_234, %dma_start3A_241] : memref<78x128xi32, #tpu.memory_space<vmem>> -> memref<1x128xi32, #tpu.memory_space<vmem>>
      %dma_start3A_243 = tpu.memref_squeeze %dma_start3A_242 : memref<1x128xi32, #tpu.memory_space<vmem>> -> memref<128xi32, #tpu.memory_space<vmem>>
      %dma_start3A_244 = arith.constant 0 : i32
      %dma_start3A_245 = arith.constant 0 : i32
      %dma_start3A_246 = tpu.memref_slice %arg19[%dma_start3A_244, %dma_start3A_245] : memref<10240x16xf32, #tpu.memory_space<vmem_shared>> -> memref<10240x16xf32, #tpu.memory_space<vmem_shared>>
      tpu.enqueue_indirect_dma source(%arg12 : memref<128x16xf32, #tpu.memory_space<vmem>>) target(%dma_start3A_246 : memref<10240x16xf32, #tpu.memory_space<vmem_shared>>) offsets(%dma_start3A_243 : memref<128xi32, #tpu.memory_space<vmem>>) semaphore(%arg32 : memref<!tpu.dma_semaphore, #tpu.memory_space<semaphore_mem>>) {add = true}
      %sub3A_247 = arith.constant 1 : i32
      %sub3A_248 = arith.subi %add3A_234, %sub3A_247 : i32
      %dma_wait3A_249 = arith.constant 0 : i32
      %dma_wait3A_250 = tpu.memref_slice %arg7[%sub3A_248, %dma_wait3A_249] : memref<78x128xi32, #tpu.memory_space<vmem>> -> memref<1x128xi32, #tpu.memory_space<vmem>>
      %dma_wait3A_251 = tpu.memref_squeeze %dma_wait3A_250 : memref<1x128xi32, #tpu.memory_space<vmem>> -> memref<128xi32, #tpu.memory_space<vmem>>
      %dma_wait3A_252 = arith.constant 0 : i32
      %dma_wait3A_253 = arith.constant 0 : i32
      %dma_wait3A_254 = tpu.memref_slice %arg19[%dma_wait3A_252, %dma_wait3A_253] : memref<10240x16xf32, #tpu.memory_space<vmem_shared>> -> memref<10240x16xf32, #tpu.memory_space<vmem_shared>>
      tpu.wait_indirect_dma semaphore(%arg31 : memref<!tpu.dma_semaphore, #tpu.memory_space<semaphore_mem>>) src(%arg11 : memref<128x16xf32, #tpu.memory_space<vmem>>) dst(%dma_wait3A_254 : memref<10240x16xf32, #tpu.memory_space<vmem_shared>>)
      %add3A_255 = arith.constant 8 : i32
      %add3A_256 = arith.addi %add3A_234, %add3A_255 : i32
      %sub3A_257 = arith.constant 1 : i32
      %sub3A_258 = arith.subi %add3A_256, %sub3A_257 : i32
      %dma_start3A_259 = arith.constant 0 : i32
      %dma_start3A_260 = tpu.memref_slice %arg6[%sub3A_258, %dma_start3A_259] : memref<78x128xi32, #tpu.memory_space<vmem>> -> memref<1x128xi32, #tpu.memory_space<vmem>>
      %dma_start3A_261 = tpu.memref_squeeze %dma_start3A_260 : memref<1x128xi32, #tpu.memory_space<vmem>> -> memref<128xi32, #tpu.memory_space<vmem>>
      %dma_start3A_262 = arith.constant 0 : i32
      %dma_start3A_263 = arith.constant 0 : i32
      %dma_start3A_264 = tpu.memref_slice %arg20[%dma_start3A_262, %dma_start3A_263] : memref<10240x16xf32, #tpu.memory_space<vmem_shared>> -> memref<10240x16xf32, #tpu.memory_space<vmem_shared>>
      tpu.enqueue_indirect_dma source(%dma_start3A_264 : memref<10240x16xf32, #tpu.memory_space<vmem_shared>>) target(%arg11 : memref<128x16xf32, #tpu.memory_space<vmem>>) offsets(%dma_start3A_261 : memref<128xi32, #tpu.memory_space<vmem>>) semaphore(%arg23 : memref<!tpu.dma_semaphore, #tpu.memory_space<semaphore_mem>>)
      %mul3A_265 = arith.constant 8 : i32
      %mul3A_266 = arith.muli %mul3A_265, %scan3A_167 : i32
      %add3A_267 = arith.constant 3 : i32
      %add3A_268 = arith.addi %mul3A_266, %add3A_267 : i32
      %dma_wait3A_269 = arith.constant 0 : i32
      %dma_wait3A_270 = tpu.memref_slice %arg6[%add3A_268, %dma_wait3A_269] : memref<78x128xi32, #tpu.memory_space<vmem>> -> memref<1x128xi32, #tpu.memory_space<vmem>>
      %dma_wait3A_271 = tpu.memref_squeeze %dma_wait3A_270 : memref<1x128xi32, #tpu.memory_space<vmem>> -> memref<128xi32, #tpu.memory_space<vmem>>
      %dma_wait3A_272 = arith.constant 0 : i32
      %dma_wait3A_273 = arith.constant 0 : i32
      %dma_wait3A_274 = tpu.memref_slice %arg20[%dma_wait3A_272, %dma_wait3A_273] : memref<10240x16xf32, #tpu.memory_space<vmem_shared>> -> memref<10240x16xf32, #tpu.memory_space<vmem_shared>>
      tpu.wait_indirect_dma semaphore(%arg25 : memref<!tpu.dma_semaphore, #tpu.memory_space<semaphore_mem>>) src(%dma_wait3A_274 : memref<10240x16xf32, #tpu.memory_space<vmem_shared>>) dst(%arg13 : memref<128x16xf32, #tpu.memory_space<vmem>>)
      %dma_start3A_275 = arith.constant 0 : i32
      %dma_start3A_276 = tpu.memref_slice %arg7[%add3A_268, %dma_start3A_275] : memref<78x128xi32, #tpu.memory_space<vmem>> -> memref<1x128xi32, #tpu.memory_space<vmem>>
      %dma_start3A_277 = tpu.memref_squeeze %dma_start3A_276 : memref<1x128xi32, #tpu.memory_space<vmem>> -> memref<128xi32, #tpu.memory_space<vmem>>
      %dma_start3A_278 = arith.constant 0 : i32
      %dma_start3A_279 = arith.constant 0 : i32
      %dma_start3A_280 = tpu.memref_slice %arg19[%dma_start3A_278, %dma_start3A_279] : memref<10240x16xf32, #tpu.memory_space<vmem_shared>> -> memref<10240x16xf32, #tpu.memory_space<vmem_shared>>
      tpu.enqueue_indirect_dma source(%arg13 : memref<128x16xf32, #tpu.memory_space<vmem>>) target(%dma_start3A_280 : memref<10240x16xf32, #tpu.memory_space<vmem_shared>>) offsets(%dma_start3A_277 : memref<128xi32, #tpu.memory_space<vmem>>) semaphore(%arg33 : memref<!tpu.dma_semaphore, #tpu.memory_space<semaphore_mem>>) {add = true}
      %sub3A_281 = arith.constant 1 : i32
      %sub3A_282 = arith.subi %add3A_268, %sub3A_281 : i32
      %dma_wait3A_283 = arith.constant 0 : i32
      %dma_wait3A_284 = tpu.memref_slice %arg7[%sub3A_282, %dma_wait3A_283] : memref<78x128xi32, #tpu.memory_space<vmem>> -> memref<1x128xi32, #tpu.memory_space<vmem>>
      %dma_wait3A_285 = tpu.memref_squeeze %dma_wait3A_284 : memref<1x128xi32, #tpu.memory_space<vmem>> -> memref<128xi32, #tpu.memory_space<vmem>>
      %dma_wait3A_286 = arith.constant 0 : i32
      %dma_wait3A_287 = arith.constant 0 : i32
      %dma_wait3A_288 = tpu.memref_slice %arg19[%dma_wait3A_286, %dma_wait3A_287] : memref<10240x16xf32, #tpu.memory_space<vmem_shared>> -> memref<10240x16xf32, #tpu.memory_space<vmem_shared>>
      tpu.wait_indirect_dma semaphore(%arg32 : memref<!tpu.dma_semaphore, #tpu.memory_space<semaphore_mem>>) src(%arg12 : memref<128x16xf32, #tpu.memory_space<vmem>>) dst(%dma_wait3A_288 : memref<10240x16xf32, #tpu.memory_space<vmem_shared>>)
      %add3A_289 = arith.constant 8 : i32
      %add3A_290 = arith.addi %add3A_268, %add3A_289 : i32
      %sub3A_291 = arith.constant 1 : i32
      %sub3A_292 = arith.subi %add3A_290, %sub3A_291 : i32
      %dma_start3A_293 = arith.constant 0 : i32
      %dma_start3A_294 = tpu.memref_slice %arg6[%sub3A_292, %dma_start3A_293] : memref<78x128xi32, #tpu.memory_space<vmem>> -> memref<1x128xi32, #tpu.memory_space<vmem>>
      %dma_start3A_295 = tpu.memref_squeeze %dma_start3A_294 : memref<1x128xi32, #tpu.memory_space<vmem>> -> memref<128xi32, #tpu.memory_space<vmem>>
      %dma_start3A_296 = arith.constant 0 : i32
      %dma_start3A_297 = arith.constant 0 : i32
      %dma_start3A_298 = tpu.memref_slice %arg20[%dma_start3A_296, %dma_start3A_297] : memref<10240x16xf32, #tpu.memory_space<vmem_shared>> -> memref<10240x16xf32, #tpu.memory_space<vmem_shared>>
      tpu.enqueue_indirect_dma source(%dma_start3A_298 : memref<10240x16xf32, #tpu.memory_space<vmem_shared>>) target(%arg12 : memref<128x16xf32, #tpu.memory_space<vmem>>) offsets(%dma_start3A_295 : memref<128xi32, #tpu.memory_space<vmem>>) semaphore(%arg24 : memref<!tpu.dma_semaphore, #tpu.memory_space<semaphore_mem>>)
      %mul3A_299 = arith.constant 8 : i32
      %mul3A_300 = arith.muli %mul3A_299, %scan3A_167 : i32
      %add3A_301 = arith.constant 4 : i32
      %add3A_302 = arith.addi %mul3A_300, %add3A_301 : i32
      %dma_wait3A_303 = arith.constant 0 : i32
      %dma_wait3A_304 = tpu.memref_slice %arg6[%add3A_302, %dma_wait3A_303] : memref<78x128xi32, #tpu.memory_space<vmem>> -> memref<1x128xi32, #tpu.memory_space<vmem>>
      %dma_wait3A_305 = tpu.memref_squeeze %dma_wait3A_304 : memref<1x128xi32, #tpu.memory_space<vmem>> -> memref<128xi32, #tpu.memory_space<vmem>>
      %dma_wait3A_306 = arith.constant 0 : i32
      %dma_wait3A_307 = arith.constant 0 : i32
      %dma_wait3A_308 = tpu.memref_slice %arg20[%dma_wait3A_306, %dma_wait3A_307] : memref<10240x16xf32, #tpu.memory_space<vmem_shared>> -> memref<10240x16xf32, #tpu.memory_space<vmem_shared>>
      tpu.wait_indirect_dma semaphore(%arg26 : memref<!tpu.dma_semaphore, #tpu.memory_space<semaphore_mem>>) src(%dma_wait3A_308 : memref<10240x16xf32, #tpu.memory_space<vmem_shared>>) dst(%arg14 : memref<128x16xf32, #tpu.memory_space<vmem>>)
      %dma_start3A_309 = arith.constant 0 : i32
      %dma_start3A_310 = tpu.memref_slice %arg7[%add3A_302, %dma_start3A_309] : memref<78x128xi32, #tpu.memory_space<vmem>> -> memref<1x128xi32, #tpu.memory_space<vmem>>
      %dma_start3A_311 = tpu.memref_squeeze %dma_start3A_310 : memref<1x128xi32, #tpu.memory_space<vmem>> -> memref<128xi32, #tpu.memory_space<vmem>>
      %dma_start3A_312 = arith.constant 0 : i32
      %dma_start3A_313 = arith.constant 0 : i32
      %dma_start3A_314 = tpu.memref_slice %arg19[%dma_start3A_312, %dma_start3A_313] : memref<10240x16xf32, #tpu.memory_space<vmem_shared>> -> memref<10240x16xf32, #tpu.memory_space<vmem_shared>>
      tpu.enqueue_indirect_dma source(%arg14 : memref<128x16xf32, #tpu.memory_space<vmem>>) target(%dma_start3A_314 : memref<10240x16xf32, #tpu.memory_space<vmem_shared>>) offsets(%dma_start3A_311 : memref<128xi32, #tpu.memory_space<vmem>>) semaphore(%arg34 : memref<!tpu.dma_semaphore, #tpu.memory_space<semaphore_mem>>) {add = true}
      %sub3A_315 = arith.constant 1 : i32
      %sub3A_316 = arith.subi %add3A_302, %sub3A_315 : i32
      %dma_wait3A_317 = arith.constant 0 : i32
      %dma_wait3A_318 = tpu.memref_slice %arg7[%sub3A_316, %dma_wait3A_317] : memref<78x128xi32, #tpu.memory_space<vmem>> -> memref<1x128xi32, #tpu.memory_space<vmem>>
      %dma_wait3A_319 = tpu.memref_squeeze %dma_wait3A_318 : memref<1x128xi32, #tpu.memory_space<vmem>> -> memref<128xi32, #tpu.memory_space<vmem>>
      %dma_wait3A_320 = arith.constant 0 : i32
      %dma_wait3A_321 = arith.constant 0 : i32
      %dma_wait3A_322 = tpu.memref_slice %arg19[%dma_wait3A_320, %dma_wait3A_321] : memref<10240x16xf32, #tpu.memory_space<vmem_shared>> -> memref<10240x16xf32, #tpu.memory_space<vmem_shared>>
      tpu.wait_indirect_dma semaphore(%arg33 : memref<!tpu.dma_semaphore, #tpu.memory_space<semaphore_mem>>) src(%arg13 : memref<128x16xf32, #tpu.memory_space<vmem>>) dst(%dma_wait3A_322 : memref<10240x16xf32, #tpu.memory_space<vmem_shared>>)
      %add3A_323 = arith.constant 8 : i32
      %add3A_324 = arith.addi %add3A_302, %add3A_323 : i32
      %sub3A_325 = arith.constant 1 : i32
      %sub3A_326 = arith.subi %add3A_324, %sub3A_325 : i32
      %dma_start3A_327 = arith.constant 0 : i32
      %dma_start3A_328 = tpu.memref_slice %arg6[%sub3A_326, %dma_start3A_327] : memref<78x128xi32, #tpu.memory_space<vmem>> -> memref<1x128xi32, #tpu.memory_space<vmem>>
      %dma_start3A_329 = tpu.memref_squeeze %dma_start3A_328 : memref<1x128xi32, #tpu.memory_space<vmem>> -> memref<128xi32, #tpu.memory_space<vmem>>
      %dma_start3A_330 = arith.constant 0 : i32
      %dma_start3A_331 = arith.constant 0 : i32
      %dma_start3A_332 = tpu.memref_slice %arg20[%dma_start3A_330, %dma_start3A_331] : memref<10240x16xf32, #tpu.memory_space<vmem_shared>> -> memref<10240x16xf32, #tpu.memory_space<vmem_shared>>
      tpu.enqueue_indirect_dma source(%dma_start3A_332 : memref<10240x16xf32, #tpu.memory_space<vmem_shared>>) target(%arg13 : memref<128x16xf32, #tpu.memory_space<vmem>>) offsets(%dma_start3A_329 : memref<128xi32, #tpu.memory_space<vmem>>) semaphore(%arg25 : memref<!tpu.dma_semaphore, #tpu.memory_space<semaphore_mem>>)
      %mul3A_333 = arith.constant 8 : i32
      %mul3A_334 = arith.muli %mul3A_333, %scan3A_167 : i32
      %add3A_335 = arith.constant 5 : i32
      %add3A_336 = arith.addi %mul3A_334, %add3A_335 : i32
      %dma_wait3A_337 = arith.constant 0 : i32
      %dma_wait3A_338 = tpu.memref_slice %arg6[%add3A_336, %dma_wait3A_337] : memref<78x128xi32, #tpu.memory_space<vmem>> -> memref<1x128xi32, #tpu.memory_space<vmem>>
      %dma_wait3A_339 = tpu.memref_squeeze %dma_wait3A_338 : memref<1x128xi32, #tpu.memory_space<vmem>> -> memref<128xi32, #tpu.memory_space<vmem>>
      %dma_wait3A_340 = arith.constant 0 : i32
      %dma_wait3A_341 = arith.constant 0 : i32
      %dma_wait3A_342 = tpu.memref_slice %arg20[%dma_wait3A_340, %dma_wait3A_341] : memref<10240x16xf32, #tpu.memory_space<vmem_shared>> -> memref<10240x16xf32, #tpu.memory_space<vmem_shared>>
      tpu.wait_indirect_dma semaphore(%arg27 : memref<!tpu.dma_semaphore, #tpu.memory_space<semaphore_mem>>) src(%dma_wait3A_342 : memref<10240x16xf32, #tpu.memory_space<vmem_shared>>) dst(%arg15 : memref<128x16xf32, #tpu.memory_space<vmem>>)
      %dma_start3A_343 = arith.constant 0 : i32
      %dma_start3A_344 = tpu.memref_slice %arg7[%add3A_336, %dma_start3A_343] : memref<78x128xi32, #tpu.memory_space<vmem>> -> memref<1x128xi32, #tpu.memory_space<vmem>>
      %dma_start3A_345 = tpu.memref_squeeze %dma_start3A_344 : memref<1x128xi32, #tpu.memory_space<vmem>> -> memref<128xi32, #tpu.memory_space<vmem>>
      %dma_start3A_346 = arith.constant 0 : i32
      %dma_start3A_347 = arith.constant 0 : i32
      %dma_start3A_348 = tpu.memref_slice %arg19[%dma_start3A_346, %dma_start3A_347] : memref<10240x16xf32, #tpu.memory_space<vmem_shared>> -> memref<10240x16xf32, #tpu.memory_space<vmem_shared>>
      tpu.enqueue_indirect_dma source(%arg15 : memref<128x16xf32, #tpu.memory_space<vmem>>) target(%dma_start3A_348 : memref<10240x16xf32, #tpu.memory_space<vmem_shared>>) offsets(%dma_start3A_345 : memref<128xi32, #tpu.memory_space<vmem>>) semaphore(%arg35 : memref<!tpu.dma_semaphore, #tpu.memory_space<semaphore_mem>>) {add = true}
      %sub3A_349 = arith.constant 1 : i32
      %sub3A_350 = arith.subi %add3A_336, %sub3A_349 : i32
      %dma_wait3A_351 = arith.constant 0 : i32
      %dma_wait3A_352 = tpu.memref_slice %arg7[%sub3A_350, %dma_wait3A_351] : memref<78x128xi32, #tpu.memory_space<vmem>> -> memref<1x128xi32, #tpu.memory_space<vmem>>
      %dma_wait3A_353 = tpu.memref_squeeze %dma_wait3A_352 : memref<1x128xi32, #tpu.memory_space<vmem>> -> memref<128xi32, #tpu.memory_space<vmem>>
      %dma_wait3A_354 = arith.constant 0 : i32
      %dma_wait3A_355 = arith.constant 0 : i32
      %dma_wait3A_356 = tpu.memref_slice %arg19[%dma_wait3A_354, %dma_wait3A_355] : memref<10240x16xf32, #tpu.memory_space<vmem_shared>> -> memref<10240x16xf32, #tpu.memory_space<vmem_shared>>
      tpu.wait_indirect_dma semaphore(%arg34 : memref<!tpu.dma_semaphore, #tpu.memory_space<semaphore_mem>>) src(%arg14 : memref<128x16xf32, #tpu.memory_space<vmem>>) dst(%dma_wait3A_356 : memref<10240x16xf32, #tpu.memory_space<vmem_shared>>)
      %add3A_357 = arith.constant 8 : i32
      %add3A_358 = arith.addi %add3A_336, %add3A_357 : i32
      %sub3A_359 = arith.constant 1 : i32
      %sub3A_360 = arith.subi %add3A_358, %sub3A_359 : i32
      %dma_start3A_361 = arith.constant 0 : i32
      %dma_start3A_362 = tpu.memref_slice %arg6[%sub3A_360, %dma_start3A_361] : memref<78x128xi32, #tpu.memory_space<vmem>> -> memref<1x128xi32, #tpu.memory_space<vmem>>
      %dma_start3A_363 = tpu.memref_squeeze %dma_start3A_362 : memref<1x128xi32, #tpu.memory_space<vmem>> -> memref<128xi32, #tpu.memory_space<vmem>>
      %dma_start3A_364 = arith.constant 0 : i32
      %dma_start3A_365 = arith.constant 0 : i32
      %dma_start3A_366 = tpu.memref_slice %arg20[%dma_start3A_364, %dma_start3A_365] : memref<10240x16xf32, #tpu.memory_space<vmem_shared>> -> memref<10240x16xf32, #tpu.memory_space<vmem_shared>>
      tpu.enqueue_indirect_dma source(%dma_start3A_366 : memref<10240x16xf32, #tpu.memory_space<vmem_shared>>) target(%arg14 : memref<128x16xf32, #tpu.memory_space<vmem>>) offsets(%dma_start3A_363 : memref<128xi32, #tpu.memory_space<vmem>>) semaphore(%arg26 : memref<!tpu.dma_semaphore, #tpu.memory_space<semaphore_mem>>)
      %mul3A_367 = arith.constant 8 : i32
      %mul3A_368 = arith.muli %mul3A_367, %scan3A_167 : i32
      %add3A_369 = arith.constant 6 : i32
      %add3A_370 = arith.addi %mul3A_368, %add3A_369 : i32
      %dma_wait3A_371 = arith.constant 0 : i32
      %dma_wait3A_372 = tpu.memref_slice %arg6[%add3A_370, %dma_wait3A_371] : memref<78x128xi32, #tpu.memory_space<vmem>> -> memref<1x128xi32, #tpu.memory_space<vmem>>
      %dma_wait3A_373 = tpu.memref_squeeze %dma_wait3A_372 : memref<1x128xi32, #tpu.memory_space<vmem>> -> memref<128xi32, #tpu.memory_space<vmem>>
      %dma_wait3A_374 = arith.constant 0 : i32
      %dma_wait3A_375 = arith.constant 0 : i32
      %dma_wait3A_376 = tpu.memref_slice %arg20[%dma_wait3A_374, %dma_wait3A_375] : memref<10240x16xf32, #tpu.memory_space<vmem_shared>> -> memref<10240x16xf32, #tpu.memory_space<vmem_shared>>
      tpu.wait_indirect_dma semaphore(%arg28 : memref<!tpu.dma_semaphore, #tpu.memory_space<semaphore_mem>>) src(%dma_wait3A_376 : memref<10240x16xf32, #tpu.memory_space<vmem_shared>>) dst(%arg16 : memref<128x16xf32, #tpu.memory_space<vmem>>)
      %dma_start3A_377 = arith.constant 0 : i32
      %dma_start3A_378 = tpu.memref_slice %arg7[%add3A_370, %dma_start3A_377] : memref<78x128xi32, #tpu.memory_space<vmem>> -> memref<1x128xi32, #tpu.memory_space<vmem>>
      %dma_start3A_379 = tpu.memref_squeeze %dma_start3A_378 : memref<1x128xi32, #tpu.memory_space<vmem>> -> memref<128xi32, #tpu.memory_space<vmem>>
      %dma_start3A_380 = arith.constant 0 : i32
      %dma_start3A_381 = arith.constant 0 : i32
      %dma_start3A_382 = tpu.memref_slice %arg19[%dma_start3A_380, %dma_start3A_381] : memref<10240x16xf32, #tpu.memory_space<vmem_shared>> -> memref<10240x16xf32, #tpu.memory_space<vmem_shared>>
      tpu.enqueue_indirect_dma source(%arg16 : memref<128x16xf32, #tpu.memory_space<vmem>>) target(%dma_start3A_382 : memref<10240x16xf32, #tpu.memory_space<vmem_shared>>) offsets(%dma_start3A_379 : memref<128xi32, #tpu.memory_space<vmem>>) semaphore(%arg36 : memref<!tpu.dma_semaphore, #tpu.memory_space<semaphore_mem>>) {add = true}
      %sub3A_383 = arith.constant 1 : i32
      %sub3A_384 = arith.subi %add3A_370, %sub3A_383 : i32
      %dma_wait3A_385 = arith.constant 0 : i32
      %dma_wait3A_386 = tpu.memref_slice %arg7[%sub3A_384, %dma_wait3A_385] : memref<78x128xi32, #tpu.memory_space<vmem>> -> memref<1x128xi32, #tpu.memory_space<vmem>>
      %dma_wait3A_387 = tpu.memref_squeeze %dma_wait3A_386 : memref<1x128xi32, #tpu.memory_space<vmem>> -> memref<128xi32, #tpu.memory_space<vmem>>
      %dma_wait3A_388 = arith.constant 0 : i32
      %dma_wait3A_389 = arith.constant 0 : i32
      %dma_wait3A_390 = tpu.memref_slice %arg19[%dma_wait3A_388, %dma_wait3A_389] : memref<10240x16xf32, #tpu.memory_space<vmem_shared>> -> memref<10240x16xf32, #tpu.memory_space<vmem_shared>>
      tpu.wait_indirect_dma semaphore(%arg35 : memref<!tpu.dma_semaphore, #tpu.memory_space<semaphore_mem>>) src(%arg15 : memref<128x16xf32, #tpu.memory_space<vmem>>) dst(%dma_wait3A_390 : memref<10240x16xf32, #tpu.memory_space<vmem_shared>>)
      %add3A_391 = arith.constant 8 : i32
      %add3A_392 = arith.addi %add3A_370, %add3A_391 : i32
      %sub3A_393 = arith.constant 1 : i32
      %sub3A_394 = arith.subi %add3A_392, %sub3A_393 : i32
      %dma_start3A_395 = arith.constant 0 : i32
      %dma_start3A_396 = tpu.memref_slice %arg6[%sub3A_394, %dma_start3A_395] : memref<78x128xi32, #tpu.memory_space<vmem>> -> memref<1x128xi32, #tpu.memory_space<vmem>>
      %dma_start3A_397 = tpu.memref_squeeze %dma_start3A_396 : memref<1x128xi32, #tpu.memory_space<vmem>> -> memref<128xi32, #tpu.memory_space<vmem>>
      %dma_start3A_398 = arith.constant 0 : i32
      %dma_start3A_399 = arith.constant 0 : i32
      %dma_start3A_400 = tpu.memref_slice %arg20[%dma_start3A_398, %dma_start3A_399] : memref<10240x16xf32, #tpu.memory_space<vmem_shared>> -> memref<10240x16xf32, #tpu.memory_space<vmem_shared>>
      tpu.enqueue_indirect_dma source(%dma_start3A_400 : memref<10240x16xf32, #tpu.memory_space<vmem_shared>>) target(%arg15 : memref<128x16xf32, #tpu.memory_space<vmem>>) offsets(%dma_start3A_397 : memref<128xi32, #tpu.memory_space<vmem>>) semaphore(%arg27 : memref<!tpu.dma_semaphore, #tpu.memory_space<semaphore_mem>>)
      %mul3A_401 = arith.constant 8 : i32
      %mul3A_402 = arith.muli %mul3A_401, %scan3A_167 : i32
      %add3A_403 = arith.constant 7 : i32
      %add3A_404 = arith.addi %mul3A_402, %add3A_403 : i32
      %dma_wait3A_405 = arith.constant 0 : i32
      %dma_wait3A_406 = tpu.memref_slice %arg6[%add3A_404, %dma_wait3A_405] : memref<78x128xi32, #tpu.memory_space<vmem>> -> memref<1x128xi32, #tpu.memory_space<vmem>>
      %dma_wait3A_407 = tpu.memref_squeeze %dma_wait3A_406 : memref<1x128xi32, #tpu.memory_space<vmem>> -> memref<128xi32, #tpu.memory_space<vmem>>
      %dma_wait3A_408 = arith.constant 0 : i32
      %dma_wait3A_409 = arith.constant 0 : i32
      %dma_wait3A_410 = tpu.memref_slice %arg20[%dma_wait3A_408, %dma_wait3A_409] : memref<10240x16xf32, #tpu.memory_space<vmem_shared>> -> memref<10240x16xf32, #tpu.memory_space<vmem_shared>>
      tpu.wait_indirect_dma semaphore(%arg29 : memref<!tpu.dma_semaphore, #tpu.memory_space<semaphore_mem>>) src(%dma_wait3A_410 : memref<10240x16xf32, #tpu.memory_space<vmem_shared>>) dst(%arg17 : memref<128x16xf32, #tpu.memory_space<vmem>>)
      %dma_start3A_411 = arith.constant 0 : i32
      %dma_start3A_412 = tpu.memref_slice %arg7[%add3A_404, %dma_start3A_411] : memref<78x128xi32, #tpu.memory_space<vmem>> -> memref<1x128xi32, #tpu.memory_space<vmem>>
      %dma_start3A_413 = tpu.memref_squeeze %dma_start3A_412 : memref<1x128xi32, #tpu.memory_space<vmem>> -> memref<128xi32, #tpu.memory_space<vmem>>
      %dma_start3A_414 = arith.constant 0 : i32
      %dma_start3A_415 = arith.constant 0 : i32
      %dma_start3A_416 = tpu.memref_slice %arg19[%dma_start3A_414, %dma_start3A_415] : memref<10240x16xf32, #tpu.memory_space<vmem_shared>> -> memref<10240x16xf32, #tpu.memory_space<vmem_shared>>
      tpu.enqueue_indirect_dma source(%arg17 : memref<128x16xf32, #tpu.memory_space<vmem>>) target(%dma_start3A_416 : memref<10240x16xf32, #tpu.memory_space<vmem_shared>>) offsets(%dma_start3A_413 : memref<128xi32, #tpu.memory_space<vmem>>) semaphore(%arg37 : memref<!tpu.dma_semaphore, #tpu.memory_space<semaphore_mem>>) {add = true}
      %sub3A_417 = arith.constant 1 : i32
      %sub3A_418 = arith.subi %add3A_404, %sub3A_417 : i32
      %dma_wait3A_419 = arith.constant 0 : i32
      %dma_wait3A_420 = tpu.memref_slice %arg7[%sub3A_418, %dma_wait3A_419] : memref<78x128xi32, #tpu.memory_space<vmem>> -> memref<1x128xi32, #tpu.memory_space<vmem>>
      %dma_wait3A_421 = tpu.memref_squeeze %dma_wait3A_420 : memref<1x128xi32, #tpu.memory_space<vmem>> -> memref<128xi32, #tpu.memory_space<vmem>>
      %dma_wait3A_422 = arith.constant 0 : i32
      %dma_wait3A_423 = arith.constant 0 : i32
      %dma_wait3A_424 = tpu.memref_slice %arg19[%dma_wait3A_422, %dma_wait3A_423] : memref<10240x16xf32, #tpu.memory_space<vmem_shared>> -> memref<10240x16xf32, #tpu.memory_space<vmem_shared>>
      tpu.wait_indirect_dma semaphore(%arg36 : memref<!tpu.dma_semaphore, #tpu.memory_space<semaphore_mem>>) src(%arg16 : memref<128x16xf32, #tpu.memory_space<vmem>>) dst(%dma_wait3A_424 : memref<10240x16xf32, #tpu.memory_space<vmem_shared>>)
      %add3A_425 = arith.constant 8 : i32
      %add3A_426 = arith.addi %add3A_404, %add3A_425 : i32
      %sub3A_427 = arith.constant 1 : i32
      %sub3A_428 = arith.subi %add3A_426, %sub3A_427 : i32
      %lt3A_429 = arith.constant 78 : i32
      %lt3A_430 = arith.cmpi slt, %sub3A_428, %lt3A_429 : i32
      %convert_element_type3A_431 = arith.extui %lt3A_430 : i1 to i32
      %cond3A_432 = arith.constant 0 : i32
      %cond3A_433 = arith.cmpi ne, %convert_element_type3A_431, %cond3A_432 : i32
      scf.if %cond3A_433 {
        %add3A_434 = arith.constant 8 : i32
        %add3A_435 = arith.addi %add3A_404, %add3A_434 : i32
        %sub3A_436 = arith.constant 1 : i32
        %sub3A_437 = arith.subi %add3A_435, %sub3A_436 : i32
        %dma_start3A_438 = arith.constant 0 : i32
        %dma_start3A_439 = tpu.memref_slice %arg6[%sub3A_437, %dma_start3A_438] : memref<78x128xi32, #tpu.memory_space<vmem>> -> memref<1x128xi32, #tpu.memory_space<vmem>>
        %dma_start3A_440 = tpu.memref_squeeze %dma_start3A_439 : memref<1x128xi32, #tpu.memory_space<vmem>> -> memref<128xi32, #tpu.memory_space<vmem>>
        %dma_start3A_441 = arith.constant 0 : i32
        %dma_start3A_442 = arith.constant 0 : i32
        %dma_start3A_443 = tpu.memref_slice %arg20[%dma_start3A_441, %dma_start3A_442] : memref<10240x16xf32, #tpu.memory_space<vmem_shared>> -> memref<10240x16xf32, #tpu.memory_space<vmem_shared>>
        tpu.enqueue_indirect_dma source(%dma_start3A_443 : memref<10240x16xf32, #tpu.memory_space<vmem_shared>>) target(%arg16 : memref<128x16xf32, #tpu.memory_space<vmem>>) offsets(%dma_start3A_440 : memref<128xi32, #tpu.memory_space<vmem>>) semaphore(%arg28 : memref<!tpu.dma_semaphore, #tpu.memory_space<semaphore_mem>>)
      } else {
      }
    }
    %scan3A_104 = arith.constant 9 : i32
    %dma_wait3A_105 = arith.constant 72 : i32
    %dma_wait3A_106 = arith.constant 0 : i32
    %dma_wait3A_107 = tpu.memref_slice %arg6[%dma_wait3A_105, %dma_wait3A_106] : memref<78x128xi32, #tpu.memory_space<vmem>> -> memref<1x128xi32, #tpu.memory_space<vmem>>
    %dma_wait3A_108 = tpu.memref_squeeze %dma_wait3A_107 : memref<1x128xi32, #tpu.memory_space<vmem>> -> memref<128xi32, #tpu.memory_space<vmem>>
    %dma_wait3A_109 = arith.constant 0 : i32
    %dma_wait3A_110 = arith.constant 0 : i32
    %dma_wait3A_111 = tpu.memref_slice %arg20[%dma_wait3A_109, %dma_wait3A_110] : memref<10240x16xf32, #tpu.memory_space<vmem_shared>> -> memref<10240x16xf32, #tpu.memory_space<vmem_shared>>
    tpu.wait_indirect_dma semaphore(%arg22 : memref<!tpu.dma_semaphore, #tpu.memory_space<semaphore_mem>>) src(%dma_wait3A_111 : memref<10240x16xf32, #tpu.memory_space<vmem_shared>>) dst(%arg10 : memref<128x16xf32, #tpu.memory_space<vmem>>)
    %run_scoped3A = arith.constant 72 : i32
    "tpu.region"() ({
      %run_scoped3A_167 = tpu.sem_alloc : memref<!tpu.dma_semaphore, #tpu.memory_space<semaphore_mem>>
      %dma_start3A_168 = arith.constant 0 : i32
      %dma_start3A_169 = tpu.memref_slice %arg7[%run_scoped3A, %dma_start3A_168] : memref<78x128xi32, #tpu.memory_space<vmem>> -> memref<1x128xi32, #tpu.memory_space<vmem>>
      %dma_start3A_170 = tpu.memref_squeeze %dma_start3A_169 : memref<1x128xi32, #tpu.memory_space<vmem>> -> memref<128xi32, #tpu.memory_space<vmem>>
      %dma_start3A_171 = arith.constant 0 : i32
      %dma_start3A_172 = arith.constant 0 : i32
      %dma_start3A_173 = tpu.memref_slice %arg19[%dma_start3A_171, %dma_start3A_172] : memref<10240x16xf32, #tpu.memory_space<vmem_shared>> -> memref<10240x16xf32, #tpu.memory_space<vmem_shared>>
      tpu.enqueue_indirect_dma source(%arg10 : memref<128x16xf32, #tpu.memory_space<vmem>>) target(%dma_start3A_173 : memref<10240x16xf32, #tpu.memory_space<vmem_shared>>) offsets(%dma_start3A_170 : memref<128xi32, #tpu.memory_space<vmem>>) semaphore(%run_scoped3A_167 : memref<!tpu.dma_semaphore, #tpu.memory_space<semaphore_mem>>) {add = true}
      %dma_wait3A_174 = arith.constant 0 : i32
      %dma_wait3A_175 = tpu.memref_slice %arg7[%run_scoped3A, %dma_wait3A_174] : memref<78x128xi32, #tpu.memory_space<vmem>> -> memref<1x128xi32, #tpu.memory_space<vmem>>
      %dma_wait3A_176 = tpu.memref_squeeze %dma_wait3A_175 : memref<1x128xi32, #tpu.memory_space<vmem>> -> memref<128xi32, #tpu.memory_space<vmem>>
      %dma_wait3A_177 = arith.constant 0 : i32
      %dma_wait3A_178 = arith.constant 0 : i32
      %dma_wait3A_179 = tpu.memref_slice %arg19[%dma_wait3A_177, %dma_wait3A_178] : memref<10240x16xf32, #tpu.memory_space<vmem_shared>> -> memref<10240x16xf32, #tpu.memory_space<vmem_shared>>
      tpu.wait_indirect_dma semaphore(%run_scoped3A_167 : memref<!tpu.dma_semaphore, #tpu.memory_space<semaphore_mem>>) src(%arg10 : memref<128x16xf32, #tpu.memory_space<vmem>>) dst(%dma_wait3A_179 : memref<10240x16xf32, #tpu.memory_space<vmem_shared>>)
      tpu.yield
    }) : () -> ()
    %dma_wait3A_112 = arith.constant 73 : i32
    %dma_wait3A_113 = arith.constant 0 : i32
    %dma_wait3A_114 = tpu.memref_slice %arg6[%dma_wait3A_112, %dma_wait3A_113] : memref<78x128xi32, #tpu.memory_space<vmem>> -> memref<1x128xi32, #tpu.memory_space<vmem>>
    %dma_wait3A_115 = tpu.memref_squeeze %dma_wait3A_114 : memref<1x128xi32, #tpu.memory_space<vmem>> -> memref<128xi32, #tpu.memory_space<vmem>>
    %dma_wait3A_116 = arith.constant 0 : i32
    %dma_wait3A_117 = arith.constant 0 : i32
    %dma_wait3A_118 = tpu.memref_slice %arg20[%dma_wait3A_116, %dma_wait3A_117] : memref<10240x16xf32, #tpu.memory_space<vmem_shared>> -> memref<10240x16xf32, #tpu.memory_space<vmem_shared>>
    tpu.wait_indirect_dma semaphore(%arg23 : memref<!tpu.dma_semaphore, #tpu.memory_space<semaphore_mem>>) src(%dma_wait3A_118 : memref<10240x16xf32, #tpu.memory_space<vmem_shared>>) dst(%arg11 : memref<128x16xf32, #tpu.memory_space<vmem>>)
    %run_scoped3A_119 = arith.constant 73 : i32
    "tpu.region"() ({
      %run_scoped3A_167 = tpu.sem_alloc : memref<!tpu.dma_semaphore, #tpu.memory_space<semaphore_mem>>
      %dma_start3A_168 = arith.constant 0 : i32
      %dma_start3A_169 = tpu.memref_slice %arg7[%run_scoped3A_119, %dma_start3A_168] : memref<78x128xi32, #tpu.memory_space<vmem>> -> memref<1x128xi32, #tpu.memory_space<vmem>>
      %dma_start3A_170 = tpu.memref_squeeze %dma_start3A_169 : memref<1x128xi32, #tpu.memory_space<vmem>> -> memref<128xi32, #tpu.memory_space<vmem>>
      %dma_start3A_171 = arith.constant 0 : i32
      %dma_start3A_172 = arith.constant 0 : i32
      %dma_start3A_173 = tpu.memref_slice %arg19[%dma_start3A_171, %dma_start3A_172] : memref<10240x16xf32, #tpu.memory_space<vmem_shared>> -> memref<10240x16xf32, #tpu.memory_space<vmem_shared>>
      tpu.enqueue_indirect_dma source(%arg11 : memref<128x16xf32, #tpu.memory_space<vmem>>) target(%dma_start3A_173 : memref<10240x16xf32, #tpu.memory_space<vmem_shared>>) offsets(%dma_start3A_170 : memref<128xi32, #tpu.memory_space<vmem>>) semaphore(%run_scoped3A_167 : memref<!tpu.dma_semaphore, #tpu.memory_space<semaphore_mem>>) {add = true}
      %dma_wait3A_174 = arith.constant 0 : i32
      %dma_wait3A_175 = tpu.memref_slice %arg7[%run_scoped3A_119, %dma_wait3A_174] : memref<78x128xi32, #tpu.memory_space<vmem>> -> memref<1x128xi32, #tpu.memory_space<vmem>>
      %dma_wait3A_176 = tpu.memref_squeeze %dma_wait3A_175 : memref<1x128xi32, #tpu.memory_space<vmem>> -> memref<128xi32, #tpu.memory_space<vmem>>
      %dma_wait3A_177 = arith.constant 0 : i32
      %dma_wait3A_178 = arith.constant 0 : i32
      %dma_wait3A_179 = tpu.memref_slice %arg19[%dma_wait3A_177, %dma_wait3A_178] : memref<10240x16xf32, #tpu.memory_space<vmem_shared>> -> memref<10240x16xf32, #tpu.memory_space<vmem_shared>>
      tpu.wait_indirect_dma semaphore(%run_scoped3A_167 : memref<!tpu.dma_semaphore, #tpu.memory_space<semaphore_mem>>) src(%arg11 : memref<128x16xf32, #tpu.memory_space<vmem>>) dst(%dma_wait3A_179 : memref<10240x16xf32, #tpu.memory_space<vmem_shared>>)
      tpu.yield
    }) : () -> ()
    %dma_wait3A_120 = arith.constant 74 : i32
    %dma_wait3A_121 = arith.constant 0 : i32
    %dma_wait3A_122 = tpu.memref_slice %arg6[%dma_wait3A_120, %dma_wait3A_121] : memref<78x128xi32, #tpu.memory_space<vmem>> -> memref<1x128xi32, #tpu.memory_space<vmem>>
    %dma_wait3A_123 = tpu.memref_squeeze %dma_wait3A_122 : memref<1x128xi32, #tpu.memory_space<vmem>> -> memref<128xi32, #tpu.memory_space<vmem>>
    %dma_wait3A_124 = arith.constant 0 : i32
    %dma_wait3A_125 = arith.constant 0 : i32
    %dma_wait3A_126 = tpu.memref_slice %arg20[%dma_wait3A_124, %dma_wait3A_125] : memref<10240x16xf32, #tpu.memory_space<vmem_shared>> -> memref<10240x16xf32, #tpu.memory_space<vmem_shared>>
    tpu.wait_indirect_dma semaphore(%arg24 : memref<!tpu.dma_semaphore, #tpu.memory_space<semaphore_mem>>) src(%dma_wait3A_126 : memref<10240x16xf32, #tpu.memory_space<vmem_shared>>) dst(%arg12 : memref<128x16xf32, #tpu.memory_space<vmem>>)
    %run_scoped3A_127 = arith.constant 74 : i32
    "tpu.region"() ({
      %run_scoped3A_167 = tpu.sem_alloc : memref<!tpu.dma_semaphore, #tpu.memory_space<semaphore_mem>>
      %dma_start3A_168 = arith.constant 0 : i32
      %dma_start3A_169 = tpu.memref_slice %arg7[%run_scoped3A_127, %dma_start3A_168] : memref<78x128xi32, #tpu.memory_space<vmem>> -> memref<1x128xi32, #tpu.memory_space<vmem>>
      %dma_start3A_170 = tpu.memref_squeeze %dma_start3A_169 : memref<1x128xi32, #tpu.memory_space<vmem>> -> memref<128xi32, #tpu.memory_space<vmem>>
      %dma_start3A_171 = arith.constant 0 : i32
      %dma_start3A_172 = arith.constant 0 : i32
      %dma_start3A_173 = tpu.memref_slice %arg19[%dma_start3A_171, %dma_start3A_172] : memref<10240x16xf32, #tpu.memory_space<vmem_shared>> -> memref<10240x16xf32, #tpu.memory_space<vmem_shared>>
      tpu.enqueue_indirect_dma source(%arg12 : memref<128x16xf32, #tpu.memory_space<vmem>>) target(%dma_start3A_173 : memref<10240x16xf32, #tpu.memory_space<vmem_shared>>) offsets(%dma_start3A_170 : memref<128xi32, #tpu.memory_space<vmem>>) semaphore(%run_scoped3A_167 : memref<!tpu.dma_semaphore, #tpu.memory_space<semaphore_mem>>) {add = true}
      %dma_wait3A_174 = arith.constant 0 : i32
      %dma_wait3A_175 = tpu.memref_slice %arg7[%run_scoped3A_127, %dma_wait3A_174] : memref<78x128xi32, #tpu.memory_space<vmem>> -> memref<1x128xi32, #tpu.memory_space<vmem>>
      %dma_wait3A_176 = tpu.memref_squeeze %dma_wait3A_175 : memref<1x128xi32, #tpu.memory_space<vmem>> -> memref<128xi32, #tpu.memory_space<vmem>>
      %dma_wait3A_177 = arith.constant 0 : i32
      %dma_wait3A_178 = arith.constant 0 : i32
      %dma_wait3A_179 = tpu.memref_slice %arg19[%dma_wait3A_177, %dma_wait3A_178] : memref<10240x16xf32, #tpu.memory_space<vmem_shared>> -> memref<10240x16xf32, #tpu.memory_space<vmem_shared>>
      tpu.wait_indirect_dma semaphore(%run_scoped3A_167 : memref<!tpu.dma_semaphore, #tpu.memory_space<semaphore_mem>>) src(%arg12 : memref<128x16xf32, #tpu.memory_space<vmem>>) dst(%dma_wait3A_179 : memref<10240x16xf32, #tpu.memory_space<vmem_shared>>)
      tpu.yield
    }) : () -> ()
    %dma_wait3A_128 = arith.constant 75 : i32
    %dma_wait3A_129 = arith.constant 0 : i32
    %dma_wait3A_130 = tpu.memref_slice %arg6[%dma_wait3A_128, %dma_wait3A_129] : memref<78x128xi32, #tpu.memory_space<vmem>> -> memref<1x128xi32, #tpu.memory_space<vmem>>
    %dma_wait3A_131 = tpu.memref_squeeze %dma_wait3A_130 : memref<1x128xi32, #tpu.memory_space<vmem>> -> memref<128xi32, #tpu.memory_space<vmem>>
    %dma_wait3A_132 = arith.constant 0 : i32
    %dma_wait3A_133 = arith.constant 0 : i32
    %dma_wait3A_134 = tpu.memref_slice %arg20[%dma_wait3A_132, %dma_wait3A_133] : memref<10240x16xf32, #tpu.memory_space<vmem_shared>> -> memref<10240x16xf32, #tpu.memory_space<vmem_shared>>
    tpu.wait_indirect_dma semaphore(%arg25 : memref<!tpu.dma_semaphore, #tpu.memory_space<semaphore_mem>>) src(%dma_wait3A_134 : memref<10240x16xf32, #tpu.memory_space<vmem_shared>>) dst(%arg13 : memref<128x16xf32, #tpu.memory_space<vmem>>)
    %run_scoped3A_135 = arith.constant 75 : i32
    "tpu.region"() ({
      %run_scoped3A_167 = tpu.sem_alloc : memref<!tpu.dma_semaphore, #tpu.memory_space<semaphore_mem>>
      %dma_start3A_168 = arith.constant 0 : i32
      %dma_start3A_169 = tpu.memref_slice %arg7[%run_scoped3A_135, %dma_start3A_168] : memref<78x128xi32, #tpu.memory_space<vmem>> -> memref<1x128xi32, #tpu.memory_space<vmem>>
      %dma_start3A_170 = tpu.memref_squeeze %dma_start3A_169 : memref<1x128xi32, #tpu.memory_space<vmem>> -> memref<128xi32, #tpu.memory_space<vmem>>
      %dma_start3A_171 = arith.constant 0 : i32
      %dma_start3A_172 = arith.constant 0 : i32
      %dma_start3A_173 = tpu.memref_slice %arg19[%dma_start3A_171, %dma_start3A_172] : memref<10240x16xf32, #tpu.memory_space<vmem_shared>> -> memref<10240x16xf32, #tpu.memory_space<vmem_shared>>
      tpu.enqueue_indirect_dma source(%arg13 : memref<128x16xf32, #tpu.memory_space<vmem>>) target(%dma_start3A_173 : memref<10240x16xf32, #tpu.memory_space<vmem_shared>>) offsets(%dma_start3A_170 : memref<128xi32, #tpu.memory_space<vmem>>) semaphore(%run_scoped3A_167 : memref<!tpu.dma_semaphore, #tpu.memory_space<semaphore_mem>>) {add = true}
      %dma_wait3A_174 = arith.constant 0 : i32
      %dma_wait3A_175 = tpu.memref_slice %arg7[%run_scoped3A_135, %dma_wait3A_174] : memref<78x128xi32, #tpu.memory_space<vmem>> -> memref<1x128xi32, #tpu.memory_space<vmem>>
      %dma_wait3A_176 = tpu.memref_squeeze %dma_wait3A_175 : memref<1x128xi32, #tpu.memory_space<vmem>> -> memref<128xi32, #tpu.memory_space<vmem>>
      %dma_wait3A_177 = arith.constant 0 : i32
      %dma_wait3A_178 = arith.constant 0 : i32
      %dma_wait3A_179 = tpu.memref_slice %arg19[%dma_wait3A_177, %dma_wait3A_178] : memref<10240x16xf32, #tpu.memory_space<vmem_shared>> -> memref<10240x16xf32, #tpu.memory_space<vmem_shared>>
      tpu.wait_indirect_dma semaphore(%run_scoped3A_167 : memref<!tpu.dma_semaphore, #tpu.memory_space<semaphore_mem>>) src(%arg13 : memref<128x16xf32, #tpu.memory_space<vmem>>) dst(%dma_wait3A_179 : memref<10240x16xf32, #tpu.memory_space<vmem_shared>>)
      tpu.yield
    }) : () -> ()
    %dma_wait3A_136 = arith.constant 76 : i32
    %dma_wait3A_137 = arith.constant 0 : i32
    %dma_wait3A_138 = tpu.memref_slice %arg6[%dma_wait3A_136, %dma_wait3A_137] : memref<78x128xi32, #tpu.memory_space<vmem>> -> memref<1x128xi32, #tpu.memory_space<vmem>>
    %dma_wait3A_139 = tpu.memref_squeeze %dma_wait3A_138 : memref<1x128xi32, #tpu.memory_space<vmem>> -> memref<128xi32, #tpu.memory_space<vmem>>
    %dma_wait3A_140 = arith.constant 0 : i32
    %dma_wait3A_141 = arith.constant 0 : i32
    %dma_wait3A_142 = tpu.memref_slice %arg20[%dma_wait3A_140, %dma_wait3A_141] : memref<10240x16xf32, #tpu.memory_space<vmem_shared>> -> memref<10240x16xf32, #tpu.memory_space<vmem_shared>>
    tpu.wait_indirect_dma semaphore(%arg26 : memref<!tpu.dma_semaphore, #tpu.memory_space<semaphore_mem>>) src(%dma_wait3A_142 : memref<10240x16xf32, #tpu.memory_space<vmem_shared>>) dst(%arg14 : memref<128x16xf32, #tpu.memory_space<vmem>>)
    %run_scoped3A_143 = arith.constant 76 : i32
    "tpu.region"() ({
      %run_scoped3A_167 = tpu.sem_alloc : memref<!tpu.dma_semaphore, #tpu.memory_space<semaphore_mem>>
      %dma_start3A_168 = arith.constant 0 : i32
      %dma_start3A_169 = tpu.memref_slice %arg7[%run_scoped3A_143, %dma_start3A_168] : memref<78x128xi32, #tpu.memory_space<vmem>> -> memref<1x128xi32, #tpu.memory_space<vmem>>
      %dma_start3A_170 = tpu.memref_squeeze %dma_start3A_169 : memref<1x128xi32, #tpu.memory_space<vmem>> -> memref<128xi32, #tpu.memory_space<vmem>>
      %dma_start3A_171 = arith.constant 0 : i32
      %dma_start3A_172 = arith.constant 0 : i32
      %dma_start3A_173 = tpu.memref_slice %arg19[%dma_start3A_171, %dma_start3A_172] : memref<10240x16xf32, #tpu.memory_space<vmem_shared>> -> memref<10240x16xf32, #tpu.memory_space<vmem_shared>>
      tpu.enqueue_indirect_dma source(%arg14 : memref<128x16xf32, #tpu.memory_space<vmem>>) target(%dma_start3A_173 : memref<10240x16xf32, #tpu.memory_space<vmem_shared>>) offsets(%dma_start3A_170 : memref<128xi32, #tpu.memory_space<vmem>>) semaphore(%run_scoped3A_167 : memref<!tpu.dma_semaphore, #tpu.memory_space<semaphore_mem>>) {add = true}
      %dma_wait3A_174 = arith.constant 0 : i32
      %dma_wait3A_175 = tpu.memref_slice %arg7[%run_scoped3A_143, %dma_wait3A_174] : memref<78x128xi32, #tpu.memory_space<vmem>> -> memref<1x128xi32, #tpu.memory_space<vmem>>
      %dma_wait3A_176 = tpu.memref_squeeze %dma_wait3A_175 : memref<1x128xi32, #tpu.memory_space<vmem>> -> memref<128xi32, #tpu.memory_space<vmem>>
      %dma_wait3A_177 = arith.constant 0 : i32
      %dma_wait3A_178 = arith.constant 0 : i32
      %dma_wait3A_179 = tpu.memref_slice %arg19[%dma_wait3A_177, %dma_wait3A_178] : memref<10240x16xf32, #tpu.memory_space<vmem_shared>> -> memref<10240x16xf32, #tpu.memory_space<vmem_shared>>
      tpu.wait_indirect_dma semaphore(%run_scoped3A_167 : memref<!tpu.dma_semaphore, #tpu.memory_space<semaphore_mem>>) src(%arg14 : memref<128x16xf32, #tpu.memory_space<vmem>>) dst(%dma_wait3A_179 : memref<10240x16xf32, #tpu.memory_space<vmem_shared>>)
      tpu.yield
    }) : () -> ()
    %dma_wait3A_144 = arith.constant 77 : i32
    %dma_wait3A_145 = arith.constant 0 : i32
    %dma_wait3A_146 = tpu.memref_slice %arg6[%dma_wait3A_144, %dma_wait3A_145] : memref<78x128xi32, #tpu.memory_space<vmem>> -> memref<1x128xi32, #tpu.memory_space<vmem>>
    %dma_wait3A_147 = tpu.memref_squeeze %dma_wait3A_146 : memref<1x128xi32, #tpu.memory_space<vmem>> -> memref<128xi32, #tpu.memory_space<vmem>>
    %dma_wait3A_148 = arith.constant 0 : i32
    %dma_wait3A_149 = arith.constant 0 : i32
    %dma_wait3A_150 = tpu.memref_slice %arg20[%dma_wait3A_148, %dma_wait3A_149] : memref<10240x16xf32, #tpu.memory_space<vmem_shared>> -> memref<10240x16xf32, #tpu.memory_space<vmem_shared>>
    tpu.wait_indirect_dma semaphore(%arg27 : memref<!tpu.dma_semaphore, #tpu.memory_space<semaphore_mem>>) src(%dma_wait3A_150 : memref<10240x16xf32, #tpu.memory_space<vmem_shared>>) dst(%arg15 : memref<128x16xf32, #tpu.memory_space<vmem>>)
    %run_scoped3A_151 = arith.constant 77 : i32
    "tpu.region"() ({
      %run_scoped3A_167 = tpu.sem_alloc : memref<!tpu.dma_semaphore, #tpu.memory_space<semaphore_mem>>
      %dma_start3A_168 = arith.constant 0 : i32
      %dma_start3A_169 = tpu.memref_slice %arg7[%run_scoped3A_151, %dma_start3A_168] : memref<78x128xi32, #tpu.memory_space<vmem>> -> memref<1x128xi32, #tpu.memory_space<vmem>>
      %dma_start3A_170 = tpu.memref_squeeze %dma_start3A_169 : memref<1x128xi32, #tpu.memory_space<vmem>> -> memref<128xi32, #tpu.memory_space<vmem>>
      %dma_start3A_171 = arith.constant 0 : i32
      %dma_start3A_172 = arith.constant 0 : i32
      %dma_start3A_173 = tpu.memref_slice %arg19[%dma_start3A_171, %dma_start3A_172] : memref<10240x16xf32, #tpu.memory_space<vmem_shared>> -> memref<10240x16xf32, #tpu.memory_space<vmem_shared>>
      tpu.enqueue_indirect_dma source(%arg15 : memref<128x16xf32, #tpu.memory_space<vmem>>) target(%dma_start3A_173 : memref<10240x16xf32, #tpu.memory_space<vmem_shared>>) offsets(%dma_start3A_170 : memref<128xi32, #tpu.memory_space<vmem>>) semaphore(%run_scoped3A_167 : memref<!tpu.dma_semaphore, #tpu.memory_space<semaphore_mem>>) {add = true}
      %dma_wait3A_174 = arith.constant 0 : i32
      %dma_wait3A_175 = tpu.memref_slice %arg7[%run_scoped3A_151, %dma_wait3A_174] : memref<78x128xi32, #tpu.memory_space<vmem>> -> memref<1x128xi32, #tpu.memory_space<vmem>>
      %dma_wait3A_176 = tpu.memref_squeeze %dma_wait3A_175 : memref<1x128xi32, #tpu.memory_space<vmem>> -> memref<128xi32, #tpu.memory_space<vmem>>
      %dma_wait3A_177 = arith.constant 0 : i32
      %dma_wait3A_178 = arith.constant 0 : i32
      %dma_wait3A_179 = tpu.memref_slice %arg19[%dma_wait3A_177, %dma_wait3A_178] : memref<10240x16xf32, #tpu.memory_space<vmem_shared>> -> memref<10240x16xf32, #tpu.memory_space<vmem_shared>>
      tpu.wait_indirect_dma semaphore(%run_scoped3A_167 : memref<!tpu.dma_semaphore, #tpu.memory_space<semaphore_mem>>) src(%arg15 : memref<128x16xf32, #tpu.memory_space<vmem>>) dst(%dma_wait3A_179 : memref<10240x16xf32, #tpu.memory_space<vmem_shared>>)
      tpu.yield
    }) : () -> ()
    %dma_wait3A_152 = arith.constant 71 : i32
    %dma_wait3A_153 = arith.constant 0 : i32
    %dma_wait3A_154 = tpu.memref_slice %arg7[%dma_wait3A_152, %dma_wait3A_153] : memref<78x128xi32, #tpu.memory_space<vmem>> -> memref<1x128xi32, #tpu.memory_space<vmem>>
    %dma_wait3A_155 = tpu.memref_squeeze %dma_wait3A_154 : memref<1x128xi32, #tpu.memory_space<vmem>> -> memref<128xi32, #tpu.memory_space<vmem>>
    %dma_wait3A_156 = arith.constant 0 : i32
    %dma_wait3A_157 = arith.constant 0 : i32
    %dma_wait3A_158 = tpu.memref_slice %arg19[%dma_wait3A_156, %dma_wait3A_157] : memref<10240x16xf32, #tpu.memory_space<vmem_shared>> -> memref<10240x16xf32, #tpu.memory_space<vmem_shared>>
    tpu.wait_indirect_dma semaphore(%arg37 : memref<!tpu.dma_semaphore, #tpu.memory_space<semaphore_mem>>) src(%arg17 : memref<128x16xf32, #tpu.memory_space<vmem>>) dst(%dma_wait3A_158 : memref<10240x16xf32, #tpu.memory_space<vmem_shared>>)
    %lt3A_159 = arith.constant 4 : i32
    %lt3A_160 = arith.cmpi slt, %add3A, %lt3A_159 : i32
    %convert_element_type3A_161 = arith.extui %lt3A_160 : i1 to i32
    %cond3A_162 = arith.constant 0 : i32
    %cond3A_163 = arith.cmpi ne, %convert_element_type3A_161, %cond3A_162 : i32
    scf.if %cond3A_163 {
      %add3A_167 = arith.constant 2496 : i32
      %add3A_168 = arith.addi %add3A_167, %add3A : i32
      "tpu.region"() ({
        %run_scoped3A_177 = tpu.sem_alloc : memref<!tpu.dma_semaphore, #tpu.memory_space<semaphore_mem>>
        %dma_start3A_178 = arith.constant 0 : i32
        %dma_start3A_179 = tpu.memref_slice %arg3[%add3A_168, %dma_start3A_178] : memref<2500x128xi32, #tpu.memory_space<hbm>> -> memref<1x128xi32, #tpu.memory_space<hbm>>
        %dma_start3A_180 = tpu.memref_squeeze %dma_start3A_179 : memref<1x128xi32, #tpu.memory_space<hbm>> -> memref<128xi32, #tpu.memory_space<hbm>>
        %dma_start3A_181 = arith.constant 0 : i32
        %dma_start3A_182 = tpu.memref_slice %arg3[%add3A_168, %dma_start3A_181] : memref<2500x128xi32, #tpu.memory_space<hbm>> -> memref<1x128xi32, #tpu.memory_space<hbm>>
        %dma_start3A_183 = tpu.memref_squeeze %dma_start3A_182 : memref<1x128xi32, #tpu.memory_space<hbm>> -> memref<128xi32, #tpu.memory_space<hbm>>
        tpu.enqueue_dma source(%dma_start3A_183 : memref<128xi32, #tpu.memory_space<hbm>>) target(%arg8 : memref<128xi32, #tpu.memory_space<vmem>>) target_semaphore(%run_scoped3A_177 : memref<!tpu.dma_semaphore, #tpu.memory_space<semaphore_mem>>)
        %dma_wait3A_184 = arith.constant 0 : i32
        %dma_wait3A_185 = tpu.memref_slice %arg3[%add3A_168, %dma_wait3A_184] : memref<2500x128xi32, #tpu.memory_space<hbm>> -> memref<1x128xi32, #tpu.memory_space<hbm>>
        %dma_wait3A_186 = tpu.memref_squeeze %dma_wait3A_185 : memref<1x128xi32, #tpu.memory_space<hbm>> -> memref<128xi32, #tpu.memory_space<hbm>>
        %dma_wait3A_187 = arith.constant 0 : i32
        %dma_wait3A_188 = tpu.memref_slice %arg3[%add3A_168, %dma_wait3A_187] : memref<2500x128xi32, #tpu.memory_space<hbm>> -> memref<1x128xi32, #tpu.memory_space<hbm>>
        %dma_wait3A_189 = tpu.memref_squeeze %dma_wait3A_188 : memref<1x128xi32, #tpu.memory_space<hbm>> -> memref<128xi32, #tpu.memory_space<hbm>>
        tpu.wait_dma2 semaphore(%run_scoped3A_177 : memref<!tpu.dma_semaphore, #tpu.memory_space<semaphore_mem>>) src(%dma_wait3A_189 : memref<128xi32, #tpu.memory_space<hbm>>) dst(%arg8 : memref<128xi32, #tpu.memory_space<vmem>>)
        tpu.yield
      }) : () -> ()
      %add3A_169 = arith.constant 2496 : i32
      %add3A_170 = arith.addi %add3A_169, %add3A : i32
      "tpu.region"() ({
        %run_scoped3A_177 = tpu.sem_alloc : memref<!tpu.dma_semaphore, #tpu.memory_space<semaphore_mem>>
        %dma_start3A_178 = arith.constant 0 : i32
        %dma_start3A_179 = tpu.memref_slice %arg4[%add3A_170, %dma_start3A_178] : memref<2500x128xi32, #tpu.memory_space<hbm>> -> memref<1x128xi32, #tpu.memory_space<hbm>>
        %dma_start3A_180 = tpu.memref_squeeze %dma_start3A_179 : memref<1x128xi32, #tpu.memory_space<hbm>> -> memref<128xi32, #tpu.memory_space<hbm>>
        %dma_start3A_181 = arith.constant 0 : i32
        %dma_start3A_182 = tpu.memref_slice %arg4[%add3A_170, %dma_start3A_181] : memref<2500x128xi32, #tpu.memory_space<hbm>> -> memref<1x128xi32, #tpu.memory_space<hbm>>
        %dma_start3A_183 = tpu.memref_squeeze %dma_start3A_182 : memref<1x128xi32, #tpu.memory_space<hbm>> -> memref<128xi32, #tpu.memory_space<hbm>>
        tpu.enqueue_dma source(%dma_start3A_183 : memref<128xi32, #tpu.memory_space<hbm>>) target(%arg9 : memref<128xi32, #tpu.memory_space<vmem>>) target_semaphore(%run_scoped3A_177 : memref<!tpu.dma_semaphore, #tpu.memory_space<semaphore_mem>>)
        %dma_wait3A_184 = arith.constant 0 : i32
        %dma_wait3A_185 = tpu.memref_slice %arg4[%add3A_170, %dma_wait3A_184] : memref<2500x128xi32, #tpu.memory_space<hbm>> -> memref<1x128xi32, #tpu.memory_space<hbm>>
        %dma_wait3A_186 = tpu.memref_squeeze %dma_wait3A_185 : memref<1x128xi32, #tpu.memory_space<hbm>> -> memref<128xi32, #tpu.memory_space<hbm>>
        %dma_wait3A_187 = arith.constant 0 : i32
        %dma_wait3A_188 = tpu.memref_slice %arg4[%add3A_170, %dma_wait3A_187] : memref<2500x128xi32, #tpu.memory_space<hbm>> -> memref<1x128xi32, #tpu.memory_space<hbm>>
        %dma_wait3A_189 = tpu.memref_squeeze %dma_wait3A_188 : memref<1x128xi32, #tpu.memory_space<hbm>> -> memref<128xi32, #tpu.memory_space<hbm>>
        tpu.wait_dma2 semaphore(%run_scoped3A_177 : memref<!tpu.dma_semaphore, #tpu.memory_space<semaphore_mem>>) src(%dma_wait3A_189 : memref<128xi32, #tpu.memory_space<hbm>>) dst(%arg9 : memref<128xi32, #tpu.memory_space<vmem>>)
        tpu.yield
      }) : () -> ()
      %dma_start3A_171 = arith.constant 0 : i32
      %dma_start3A_172 = arith.constant 0 : i32
      %dma_start3A_173 = tpu.memref_slice %arg20[%dma_start3A_171, %dma_start3A_172] : memref<10240x16xf32, #tpu.memory_space<vmem_shared>> -> memref<10240x16xf32, #tpu.memory_space<vmem_shared>>
      tpu.enqueue_indirect_dma source(%dma_start3A_173 : memref<10240x16xf32, #tpu.memory_space<vmem_shared>>) target(%arg10 : memref<128x16xf32, #tpu.memory_space<vmem>>) offsets(%arg8 : memref<128xi32, #tpu.memory_space<vmem>>) semaphore(%arg22 : memref<!tpu.dma_semaphore, #tpu.memory_space<semaphore_mem>>)
      %dma_wait3A_174 = arith.constant 0 : i32
      %dma_wait3A_175 = arith.constant 0 : i32
      %dma_wait3A_176 = tpu.memref_slice %arg20[%dma_wait3A_174, %dma_wait3A_175] : memref<10240x16xf32, #tpu.memory_space<vmem_shared>> -> memref<10240x16xf32, #tpu.memory_space<vmem_shared>>
      tpu.wait_indirect_dma semaphore(%arg22 : memref<!tpu.dma_semaphore, #tpu.memory_space<semaphore_mem>>) src(%dma_wait3A_176 : memref<10240x16xf32, #tpu.memory_space<vmem_shared>>) dst(%arg10 : memref<128x16xf32, #tpu.memory_space<vmem>>)
      "tpu.region"() ({
        %run_scoped3A_177 = tpu.sem_alloc : memref<!tpu.dma_semaphore, #tpu.memory_space<semaphore_mem>>
        %dma_start3A_178 = arith.constant 0 : i32
        %dma_start3A_179 = arith.constant 0 : i32
        %dma_start3A_180 = tpu.memref_slice %arg19[%dma_start3A_178, %dma_start3A_179] : memref<10240x16xf32, #tpu.memory_space<vmem_shared>> -> memref<10240x16xf32, #tpu.memory_space<vmem_shared>>
        tpu.enqueue_indirect_dma source(%arg10 : memref<128x16xf32, #tpu.memory_space<vmem>>) target(%dma_start3A_180 : memref<10240x16xf32, #tpu.memory_space<vmem_shared>>) offsets(%arg9 : memref<128xi32, #tpu.memory_space<vmem>>) semaphore(%run_scoped3A_177 : memref<!tpu.dma_semaphore, #tpu.memory_space<semaphore_mem>>) {add = true}
        %dma_wait3A_181 = arith.constant 0 : i32
        %dma_wait3A_182 = arith.constant 0 : i32
        %dma_wait3A_183 = tpu.memref_slice %arg19[%dma_wait3A_181, %dma_wait3A_182] : memref<10240x16xf32, #tpu.memory_space<vmem_shared>> -> memref<10240x16xf32, #tpu.memory_space<vmem_shared>>
        tpu.wait_indirect_dma semaphore(%run_scoped3A_177 : memref<!tpu.dma_semaphore, #tpu.memory_space<semaphore_mem>>) src(%arg10 : memref<128x16xf32, #tpu.memory_space<vmem>>) dst(%dma_wait3A_183 : memref<10240x16xf32, #tpu.memory_space<vmem_shared>>)
        tpu.yield
      }) : () -> ()
    } else {
    }
    %barrier3A_164 = arith.constant 0 : index
    tpu.barrier barrier_id(%barrier3A_164)
    %mul3A_165 = arith.constant 640 : i32
    %mul3A_166 = arith.muli %arg1, %mul3A_165 : i32
    "tpu.region"() ({
      %run_scoped3A_167 = tpu.sem_alloc : memref<!tpu.dma_semaphore, #tpu.memory_space<semaphore_mem>>
      %dma_start3A_168 = arith.constant 0 : i32
      %dma_start3A_169 = tpu.memref_slice %arg5[%arg0, %mul3A_166, %dma_start3A_168] : memref<2x10240x16xf32, #tpu.memory_space<hbm>> -> memref<1x640x16xf32, #tpu.memory_space<hbm>>
      %dma_start3A_170 = tpu.memref_squeeze %dma_start3A_169 : memref<1x640x16xf32, #tpu.memory_space<hbm>> -> memref<640x16xf32, #tpu.memory_space<hbm>>
      %dma_start3A_171 = arith.constant 0 : i32
      %dma_start3A_172 = tpu.memref_slice %arg19[%mul3A_166, %dma_start3A_171] : memref<10240x16xf32, #tpu.memory_space<vmem_shared>> -> memref<640x16xf32, #tpu.memory_space<vmem_shared>>
      tpu.enqueue_dma source(%dma_start3A_172 : memref<640x16xf32, #tpu.memory_space<vmem_shared>>) target(%dma_start3A_170 : memref<640x16xf32, #tpu.memory_space<hbm>>) target_semaphore(%run_scoped3A_167 : memref<!tpu.dma_semaphore, #tpu.memory_space<semaphore_mem>>)
      %dma_wait3A_173 = arith.constant 0 : i32
      %dma_wait3A_174 = tpu.memref_slice %arg5[%arg0, %mul3A_166, %dma_wait3A_173] : memref<2x10240x16xf32, #tpu.memory_space<hbm>> -> memref<1x640x16xf32, #tpu.memory_space<hbm>>
      %dma_wait3A_175 = tpu.memref_squeeze %dma_wait3A_174 : memref<1x640x16xf32, #tpu.memory_space<hbm>> -> memref<640x16xf32, #tpu.memory_space<hbm>>
      %dma_wait3A_176 = arith.constant 0 : i32
      %dma_wait3A_177 = tpu.memref_slice %arg19[%mul3A_166, %dma_wait3A_176] : memref<10240x16xf32, #tpu.memory_space<vmem_shared>> -> memref<640x16xf32, #tpu.memory_space<vmem_shared>>
      tpu.wait_dma2 semaphore(%run_scoped3A_167 : memref<!tpu.dma_semaphore, #tpu.memory_space<semaphore_mem>>) src(%dma_wait3A_177 : memref<640x16xf32, #tpu.memory_space<vmem_shared>>) dst(%dma_wait3A_175 : memref<640x16xf32, #tpu.memory_space<hbm>>)
      tpu.yield
    }) : () -> ()
    return
  }
}

#map = affine_map<(d0, d1) -> (0, 0)>
module attributes {stable_mosaic.version = 14 : i64} {
  func.func @_deg_kernel(%arg0: i32, %arg1: i32, %arg2: memref<2500x128xi32, #tpu.memory_space<hbm>>, %arg3: memref<2x10240xf32, #tpu.memory_space<hbm>>, %arg4: memref<78x128xi32, #tpu.memory_space<vmem>>, %arg5: memref<128xi32, #tpu.memory_space<vmem>>, %arg6: memref<128xf32, #tpu.memory_space<vmem>>, %arg7: memref<80xf32, #tpu.memory_space<vmem>>, %arg8: memref<10240xf32, #tpu.memory_space<vmem_shared>>, %arg9: memref<!tpu.dma_semaphore, #tpu.memory_space<semaphore_mem>>, %arg10: memref<!tpu.dma_semaphore, #tpu.memory_space<semaphore_mem>>, %arg11: memref<!tpu.dma_semaphore, #tpu.memory_space<semaphore_mem>>, %arg12: memref<!tpu.dma_semaphore, #tpu.memory_space<semaphore_mem>>, %arg13: memref<!tpu.dma_semaphore, #tpu.memory_space<semaphore_mem>>) attributes {dimension_semantics = [#tpu.dimension_semantics<core_parallel>, #tpu.dimension_semantics<subcore_parallel>], iteration_bounds = array<i64: 2, 16>, scalar_prefetch = 0 : i64, scratch_operands = 10 : i64, tpu.core_type = #tpu.core_type<sc_vector_subcore>, window_params = [{transform_indices = #map}, {transform_indices = #map}]} {
    %mul3A = arith.constant 16 : i32
    %mul3A_0 = arith.muli %arg0, %mul3A : i32
    %add3A = arith.addi %mul3A_0, %arg1 : i32
    %mul3A_1 = arith.constant 78 : i32
    %mul3A_2 = arith.muli %add3A, %mul3A_1 : i32
    %dma_start3A = arith.constant 0 : i32
    %dma_start3A_3 = tpu.memref_slice %arg2[%mul3A_2, %dma_start3A] : memref<2500x128xi32, #tpu.memory_space<hbm>> -> memref<78x128xi32, #tpu.memory_space<hbm>>
    %dma_start3A_4 = arith.constant 0 : i32
    %dma_start3A_5 = tpu.memref_slice %arg2[%mul3A_2, %dma_start3A_4] : memref<2500x128xi32, #tpu.memory_space<hbm>> -> memref<78x128xi32, #tpu.memory_space<hbm>>
    tpu.enqueue_dma source(%dma_start3A_5 : memref<78x128xi32, #tpu.memory_space<hbm>>) target(%arg4 : memref<78x128xi32, #tpu.memory_space<vmem>>) target_semaphore(%arg9 : memref<!tpu.dma_semaphore, #tpu.memory_space<semaphore_mem>>)
    %broadcast_in_dim3A = arith.constant 1.000000e+00 : f32
    %broadcast_in_dim3A_6 = vector.broadcast %broadcast_in_dim3A : f32 to vector<16xf32>
    %swap3A = arith.constant 0 : index
    %swap3A_7 = tpu.vector_load %arg6[%swap3A] {strides = array<i32>} : memref<128xf32, #tpu.memory_space<vmem>>, vector<16xf32>,
    %swap3A_8 = vector.shape_cast %swap3A_7 : vector<16xf32> to vector<16xf32>
    %swap3A_9 = vector.shape_cast %broadcast_in_dim3A_6 : vector<16xf32> to vector<16xf32>
    tpu.vector_store %arg6[%swap3A], %swap3A_9 {strides = array<i32>} : memref<128xf32, #tpu.memory_space<vmem>>, vector<16xf32>,
    %broadcast_in_dim3A_10 = arith.constant 1.000000e+00 : f32
    %broadcast_in_dim3A_11 = vector.broadcast %broadcast_in_dim3A_10 : f32 to vector<16xf32>
    %swap3A_12 = arith.constant 16 : index
    %swap3A_13 = tpu.vector_load %arg6[%swap3A_12] {strides = array<i32>} : memref<128xf32, #tpu.memory_space<vmem>>, vector<16xf32>,
    %swap3A_14 = vector.shape_cast %swap3A_13 : vector<16xf32> to vector<16xf32>
    %swap3A_15 = vector.shape_cast %broadcast_in_dim3A_11 : vector<16xf32> to vector<16xf32>
    tpu.vector_store %arg6[%swap3A_12], %swap3A_15 {strides = array<i32>} : memref<128xf32, #tpu.memory_space<vmem>>, vector<16xf32>,
    %broadcast_in_dim3A_16 = arith.constant 1.000000e+00 : f32
    %broadcast_in_dim3A_17 = vector.broadcast %broadcast_in_dim3A_16 : f32 to vector<16xf32>
    %swap3A_18 = arith.constant 32 : index
    %swap3A_19 = tpu.vector_load %arg6[%swap3A_18] {strides = array<i32>} : memref<128xf32, #tpu.memory_space<vmem>>, vector<16xf32>,
    %swap3A_20 = vector.shape_cast %swap3A_19 : vector<16xf32> to vector<16xf32>
    %swap3A_21 = vector.shape_cast %broadcast_in_dim3A_17 : vector<16xf32> to vector<16xf32>
    tpu.vector_store %arg6[%swap3A_18], %swap3A_21 {strides = array<i32>} : memref<128xf32, #tpu.memory_space<vmem>>, vector<16xf32>,
    %broadcast_in_dim3A_22 = arith.constant 1.000000e+00 : f32
    %broadcast_in_dim3A_23 = vector.broadcast %broadcast_in_dim3A_22 : f32 to vector<16xf32>
    %swap3A_24 = arith.constant 48 : index
    %swap3A_25 = tpu.vector_load %arg6[%swap3A_24] {strides = array<i32>} : memref<128xf32, #tpu.memory_space<vmem>>, vector<16xf32>,
    %swap3A_26 = vector.shape_cast %swap3A_25 : vector<16xf32> to vector<16xf32>
    %swap3A_27 = vector.shape_cast %broadcast_in_dim3A_23 : vector<16xf32> to vector<16xf32>
    tpu.vector_store %arg6[%swap3A_24], %swap3A_27 {strides = array<i32>} : memref<128xf32, #tpu.memory_space<vmem>>, vector<16xf32>,
    %broadcast_in_dim3A_28 = arith.constant 1.000000e+00 : f32
    %broadcast_in_dim3A_29 = vector.broadcast %broadcast_in_dim3A_28 : f32 to vector<16xf32>
    %swap3A_30 = arith.constant 64 : index
    %swap3A_31 = tpu.vector_load %arg6[%swap3A_30] {strides = array<i32>} : memref<128xf32, #tpu.memory_space<vmem>>, vector<16xf32>,
    %swap3A_32 = vector.shape_cast %swap3A_31 : vector<16xf32> to vector<16xf32>
    %swap3A_33 = vector.shape_cast %broadcast_in_dim3A_29 : vector<16xf32> to vector<16xf32>
    tpu.vector_store %arg6[%swap3A_30], %swap3A_33 {strides = array<i32>} : memref<128xf32, #tpu.memory_space<vmem>>, vector<16xf32>,
    %broadcast_in_dim3A_34 = arith.constant 1.000000e+00 : f32
    %broadcast_in_dim3A_35 = vector.broadcast %broadcast_in_dim3A_34 : f32 to vector<16xf32>
    %swap3A_36 = arith.constant 80 : index
    %swap3A_37 = tpu.vector_load %arg6[%swap3A_36] {strides = array<i32>} : memref<128xf32, #tpu.memory_space<vmem>>, vector<16xf32>,
    %swap3A_38 = vector.shape_cast %swap3A_37 : vector<16xf32> to vector<16xf32>
    %swap3A_39 = vector.shape_cast %broadcast_in_dim3A_35 : vector<16xf32> to vector<16xf32>
    tpu.vector_store %arg6[%swap3A_36], %swap3A_39 {strides = array<i32>} : memref<128xf32, #tpu.memory_space<vmem>>, vector<16xf32>,
    %broadcast_in_dim3A_40 = arith.constant 1.000000e+00 : f32
    %broadcast_in_dim3A_41 = vector.broadcast %broadcast_in_dim3A_40 : f32 to vector<16xf32>
    %swap3A_42 = arith.constant 96 : index
    %swap3A_43 = tpu.vector_load %arg6[%swap3A_42] {strides = array<i32>} : memref<128xf32, #tpu.memory_space<vmem>>, vector<16xf32>,
    %swap3A_44 = vector.shape_cast %swap3A_43 : vector<16xf32> to vector<16xf32>
    %swap3A_45 = vector.shape_cast %broadcast_in_dim3A_41 : vector<16xf32> to vector<16xf32>
    tpu.vector_store %arg6[%swap3A_42], %swap3A_45 {strides = array<i32>} : memref<128xf32, #tpu.memory_space<vmem>>, vector<16xf32>,
    %broadcast_in_dim3A_46 = arith.constant 1.000000e+00 : f32
    %broadcast_in_dim3A_47 = vector.broadcast %broadcast_in_dim3A_46 : f32 to vector<16xf32>
    %swap3A_48 = arith.constant 112 : index
    %swap3A_49 = tpu.vector_load %arg6[%swap3A_48] {strides = array<i32>} : memref<128xf32, #tpu.memory_space<vmem>>, vector<16xf32>,
    %swap3A_50 = vector.shape_cast %swap3A_49 : vector<16xf32> to vector<16xf32>
    %swap3A_51 = vector.shape_cast %broadcast_in_dim3A_47 : vector<16xf32> to vector<16xf32>
    tpu.vector_store %arg6[%swap3A_48], %swap3A_51 {strides = array<i32>} : memref<128xf32, #tpu.memory_space<vmem>>, vector<16xf32>,
    %broadcast_in_dim3A_52 = arith.constant 0.000000e+00 : f32
    %broadcast_in_dim3A_53 = vector.broadcast %broadcast_in_dim3A_52 : f32 to vector<16xf32>
    %swap3A_54 = arith.constant 0 : index
    %swap3A_55 = tpu.vector_load %arg7[%swap3A_54] {strides = array<i32>} : memref<80xf32, #tpu.memory_space<vmem>>, vector<16xf32>,
    %swap3A_56 = vector.shape_cast %swap3A_55 : vector<16xf32> to vector<16xf32>
    %swap3A_57 = vector.shape_cast %broadcast_in_dim3A_53 : vector<16xf32> to vector<16xf32>
    tpu.vector_store %arg7[%swap3A_54], %swap3A_57 {strides = array<i32>} : memref<80xf32, #tpu.memory_space<vmem>>, vector<16xf32>,
    %broadcast_in_dim3A_58 = arith.constant 0.000000e+00 : f32
    %broadcast_in_dim3A_59 = vector.broadcast %broadcast_in_dim3A_58 : f32 to vector<16xf32>
    %swap3A_60 = arith.constant 16 : index
    %swap3A_61 = tpu.vector_load %arg7[%swap3A_60] {strides = array<i32>} : memref<80xf32, #tpu.memory_space<vmem>>, vector<16xf32>,
    %swap3A_62 = vector.shape_cast %swap3A_61 : vector<16xf32> to vector<16xf32>
    %swap3A_63 = vector.shape_cast %broadcast_in_dim3A_59 : vector<16xf32> to vector<16xf32>
    tpu.vector_store %arg7[%swap3A_60], %swap3A_63 {strides = array<i32>} : memref<80xf32, #tpu.memory_space<vmem>>, vector<16xf32>,
    %broadcast_in_dim3A_64 = arith.constant 0.000000e+00 : f32
    %broadcast_in_dim3A_65 = vector.broadcast %broadcast_in_dim3A_64 : f32 to vector<16xf32>
    %swap3A_66 = arith.constant 32 : index
    %swap3A_67 = tpu.vector_load %arg7[%swap3A_66] {strides = array<i32>} : memref<80xf32, #tpu.memory_space<vmem>>, vector<16xf32>,
    %swap3A_68 = vector.shape_cast %swap3A_67 : vector<16xf32> to vector<16xf32>
    %swap3A_69 = vector.shape_cast %broadcast_in_dim3A_65 : vector<16xf32> to vector<16xf32>
    tpu.vector_store %arg7[%swap3A_66], %swap3A_69 {strides = array<i32>} : memref<80xf32, #tpu.memory_space<vmem>>, vector<16xf32>,
    %broadcast_in_dim3A_70 = arith.constant 0.000000e+00 : f32
    %broadcast_in_dim3A_71 = vector.broadcast %broadcast_in_dim3A_70 : f32 to vector<16xf32>
    %swap3A_72 = arith.constant 48 : index
    %swap3A_73 = tpu.vector_load %arg7[%swap3A_72] {strides = array<i32>} : memref<80xf32, #tpu.memory_space<vmem>>, vector<16xf32>,
    %swap3A_74 = vector.shape_cast %swap3A_73 : vector<16xf32> to vector<16xf32>
    %swap3A_75 = vector.shape_cast %broadcast_in_dim3A_71 : vector<16xf32> to vector<16xf32>
    tpu.vector_store %arg7[%swap3A_72], %swap3A_75 {strides = array<i32>} : memref<80xf32, #tpu.memory_space<vmem>>, vector<16xf32>,
    %broadcast_in_dim3A_76 = arith.constant 0.000000e+00 : f32
    %broadcast_in_dim3A_77 = vector.broadcast %broadcast_in_dim3A_76 : f32 to vector<16xf32>
    %swap3A_78 = arith.constant 64 : index
    %swap3A_79 = tpu.vector_load %arg7[%swap3A_78] {strides = array<i32>} : memref<80xf32, #tpu.memory_space<vmem>>, vector<16xf32>,
    %swap3A_80 = vector.shape_cast %swap3A_79 : vector<16xf32> to vector<16xf32>
    %swap3A_81 = vector.shape_cast %broadcast_in_dim3A_77 : vector<16xf32> to vector<16xf32>
    tpu.vector_store %arg7[%swap3A_78], %swap3A_81 {strides = array<i32>} : memref<80xf32, #tpu.memory_space<vmem>>, vector<16xf32>,
    %scan3A = arith.constant 0 : i32
    %scan3A_82 = arith.constant 0 : i32
    %scan3A_83 = arith.constant 8 : i32
    %scan3A_84 = arith.addi %scan3A_82, %scan3A_83 : i32
    %scan3A_85 = arith.constant 1 : i32
    scf.for %scan3A_128 = %scan3A_82 to %scan3A_84 step %scan3A_85  : i32 {
      %mul3A_129 = arith.constant 640 : i32
      %mul3A_130 = arith.muli %arg1, %mul3A_129 : i32
      %mul3A_131 = arith.constant 80 : i32
      %mul3A_132 = arith.muli %scan3A_128, %mul3A_131 : i32
      %add3A_133 = arith.addi %mul3A_130, %mul3A_132 : i32
      "tpu.region"() ({
        %run_scoped3A_134 = tpu.sem_alloc : memref<!tpu.dma_semaphore, #tpu.memory_space<semaphore_mem>>
        %dma_start3A_135 = tpu.memref_slice %arg8[%add3A_133] : memref<10240xf32, #tpu.memory_space<vmem_shared>> -> memref<80xf32, #tpu.memory_space<vmem_shared>>
        %dma_start3A_136 = tpu.memref_slice %arg8[%add3A_133] : memref<10240xf32, #tpu.memory_space<vmem_shared>> -> memref<80xf32, #tpu.memory_space<vmem_shared>>
        tpu.enqueue_dma source(%arg7 : memref<80xf32, #tpu.memory_space<vmem>>) target(%dma_start3A_136 : memref<80xf32, #tpu.memory_space<vmem_shared>>) target_semaphore(%run_scoped3A_134 : memref<!tpu.dma_semaphore, #tpu.memory_space<semaphore_mem>>)
        %dma_wait3A_137 = tpu.memref_slice %arg8[%add3A_133] : memref<10240xf32, #tpu.memory_space<vmem_shared>> -> memref<80xf32, #tpu.memory_space<vmem_shared>>
        %dma_wait3A_138 = tpu.memref_slice %arg8[%add3A_133] : memref<10240xf32, #tpu.memory_space<vmem_shared>> -> memref<80xf32, #tpu.memory_space<vmem_shared>>
        tpu.wait_dma2 semaphore(%run_scoped3A_134 : memref<!tpu.dma_semaphore, #tpu.memory_space<semaphore_mem>>) src(%arg7 : memref<80xf32, #tpu.memory_space<vmem>>) dst(%dma_wait3A_138 : memref<80xf32, #tpu.memory_space<vmem_shared>>)
        tpu.yield
      }) : () -> ()
    }
    %scan3A_86 = arith.constant 8 : i32
    %mul3A_87 = arith.constant 78 : i32
    %mul3A_88 = arith.muli %add3A, %mul3A_87 : i32
    %dma_wait3A = arith.constant 0 : i32
    %dma_wait3A_89 = tpu.memref_slice %arg2[%mul3A_88, %dma_wait3A] : memref<2500x128xi32, #tpu.memory_space<hbm>> -> memref<78x128xi32, #tpu.memory_space<hbm>>
    %dma_wait3A_90 = arith.constant 0 : i32
    %dma_wait3A_91 = tpu.memref_slice %arg2[%mul3A_88, %dma_wait3A_90] : memref<2500x128xi32, #tpu.memory_space<hbm>> -> memref<78x128xi32, #tpu.memory_space<hbm>>
    tpu.wait_dma2 semaphore(%arg9 : memref<!tpu.dma_semaphore, #tpu.memory_space<semaphore_mem>>) src(%dma_wait3A_91 : memref<78x128xi32, #tpu.memory_space<hbm>>) dst(%arg4 : memref<78x128xi32, #tpu.memory_space<vmem>>)
    %barrier3A = arith.constant 0 : index
    tpu.barrier barrier_id(%barrier3A)
    %scan3A_92 = arith.constant 0 : i32
    %scan3A_93 = arith.constant 0 : i32
    %scan3A_94 = arith.constant 19 : i32
    %scan3A_95 = arith.addi %scan3A_93, %scan3A_94 : i32
    %scan3A_96 = arith.constant 1 : i32
    scf.for %scan3A_128 = %scan3A_93 to %scan3A_95 step %scan3A_96  : i32 {
      %mul3A_129 = arith.constant 4 : i32
      %mul3A_130 = arith.muli %mul3A_129, %scan3A_128 : i32
      %add3A_131 = arith.constant 0 : i32
      %add3A_132 = arith.addi %mul3A_130, %add3A_131 : i32
      %gt3A = arith.constant 0 : i32
      %gt3A_133 = arith.cmpi sgt, %scan3A_128, %gt3A : i32
      %convert_element_type3A_134 = arith.extui %gt3A_133 : i1 to i32
      %cond3A_135 = arith.constant 0 : i32
      %cond3A_136 = arith.cmpi ne, %convert_element_type3A_134, %cond3A_135 : i32
      scf.if %cond3A_136 {
        %sub3A = arith.constant 4 : i32
        %sub3A_184 = arith.subi %add3A_132, %sub3A : i32
        %dma_wait3A_185 = arith.constant 0 : i32
        %dma_wait3A_186 = tpu.memref_slice %arg4[%sub3A_184, %dma_wait3A_185] : memref<78x128xi32, #tpu.memory_space<vmem>> -> memref<1x128xi32, #tpu.memory_space<vmem>>
        %dma_wait3A_187 = tpu.memref_squeeze %dma_wait3A_186 : memref<1x128xi32, #tpu.memory_space<vmem>> -> memref<128xi32, #tpu.memory_space<vmem>>
        %dma_wait3A_188 = arith.constant 0 : i32
        %dma_wait3A_189 = tpu.memref_slice %arg8[%dma_wait3A_188] : memref<10240xf32, #tpu.memory_space<vmem_shared>> -> memref<10240xf32, #tpu.memory_space<vmem_shared>>
        tpu.wait_indirect_dma semaphore(%arg10 : memref<!tpu.dma_semaphore, #tpu.memory_space<semaphore_mem>>) src(%arg6 : memref<128xf32, #tpu.memory_space<vmem>>) dst(%dma_wait3A_189 : memref<10240xf32, #tpu.memory_space<vmem_shared>>)
      } else {
      }
      %dma_start3A_137 = arith.constant 0 : i32
      %dma_start3A_138 = tpu.memref_slice %arg4[%add3A_132, %dma_start3A_137] : memref<78x128xi32, #tpu.memory_space<vmem>> -> memref<1x128xi32, #tpu.memory_space<vmem>>
      %dma_start3A_139 = tpu.memref_squeeze %dma_start3A_138 : memref<1x128xi32, #tpu.memory_space<vmem>> -> memref<128xi32, #tpu.memory_space<vmem>>
      %dma_start3A_140 = arith.constant 0 : i32
      %dma_start3A_141 = tpu.memref_slice %arg8[%dma_start3A_140] : memref<10240xf32, #tpu.memory_space<vmem_shared>> -> memref<10240xf32, #tpu.memory_space<vmem_shared>>
      tpu.enqueue_indirect_dma source(%arg6 : memref<128xf32, #tpu.memory_space<vmem>>) target(%dma_start3A_141 : memref<10240xf32, #tpu.memory_space<vmem_shared>>) offsets(%dma_start3A_139 : memref<128xi32, #tpu.memory_space<vmem>>) semaphore(%arg10 : memref<!tpu.dma_semaphore, #tpu.memory_space<semaphore_mem>>) {add = true}
      %mul3A_142 = arith.constant 4 : i32
      %mul3A_143 = arith.muli %mul3A_142, %scan3A_128 : i32
      %add3A_144 = arith.constant 1 : i32
      %add3A_145 = arith.addi %mul3A_143, %add3A_144 : i32
      %gt3A_146 = arith.constant 0 : i32
      %gt3A_147 = arith.cmpi sgt, %scan3A_128, %gt3A_146 : i32
      %convert_element_type3A_148 = arith.extui %gt3A_147 : i1 to i32
      %cond3A_149 = arith.constant 0 : i32
      %cond3A_150 = arith.cmpi ne, %convert_element_type3A_148, %cond3A_149 : i32
      scf.if %cond3A_150 {
        %sub3A = arith.constant 4 : i32
        %sub3A_184 = arith.subi %add3A_145, %sub3A : i32
        %dma_wait3A_185 = arith.constant 0 : i32
        %dma_wait3A_186 = tpu.memref_slice %arg4[%sub3A_184, %dma_wait3A_185] : memref<78x128xi32, #tpu.memory_space<vmem>> -> memref<1x128xi32, #tpu.memory_space<vmem>>
        %dma_wait3A_187 = tpu.memref_squeeze %dma_wait3A_186 : memref<1x128xi32, #tpu.memory_space<vmem>> -> memref<128xi32, #tpu.memory_space<vmem>>
        %dma_wait3A_188 = arith.constant 0 : i32
        %dma_wait3A_189 = tpu.memref_slice %arg8[%dma_wait3A_188] : memref<10240xf32, #tpu.memory_space<vmem_shared>> -> memref<10240xf32, #tpu.memory_space<vmem_shared>>
        tpu.wait_indirect_dma semaphore(%arg11 : memref<!tpu.dma_semaphore, #tpu.memory_space<semaphore_mem>>) src(%arg6 : memref<128xf32, #tpu.memory_space<vmem>>) dst(%dma_wait3A_189 : memref<10240xf32, #tpu.memory_space<vmem_shared>>)
      } else {
      }
      %dma_start3A_151 = arith.constant 0 : i32
      %dma_start3A_152 = tpu.memref_slice %arg4[%add3A_145, %dma_start3A_151] : memref<78x128xi32, #tpu.memory_space<vmem>> -> memref<1x128xi32, #tpu.memory_space<vmem>>
      %dma_start3A_153 = tpu.memref_squeeze %dma_start3A_152 : memref<1x128xi32, #tpu.memory_space<vmem>> -> memref<128xi32, #tpu.memory_space<vmem>>
      %dma_start3A_154 = arith.constant 0 : i32
      %dma_start3A_155 = tpu.memref_slice %arg8[%dma_start3A_154] : memref<10240xf32, #tpu.memory_space<vmem_shared>> -> memref<10240xf32, #tpu.memory_space<vmem_shared>>
      tpu.enqueue_indirect_dma source(%arg6 : memref<128xf32, #tpu.memory_space<vmem>>) target(%dma_start3A_155 : memref<10240xf32, #tpu.memory_space<vmem_shared>>) offsets(%dma_start3A_153 : memref<128xi32, #tpu.memory_space<vmem>>) semaphore(%arg11 : memref<!tpu.dma_semaphore, #tpu.memory_space<semaphore_mem>>) {add = true}
      %mul3A_156 = arith.constant 4 : i32
      %mul3A_157 = arith.muli %mul3A_156, %scan3A_128 : i32
      %add3A_158 = arith.constant 2 : i32
      %add3A_159 = arith.addi %mul3A_157, %add3A_158 : i32
      %gt3A_160 = arith.constant 0 : i32
      %gt3A_161 = arith.cmpi sgt, %scan3A_128, %gt3A_160 : i32
      %convert_element_type3A_162 = arith.extui %gt3A_161 : i1 to i32
      %cond3A_163 = arith.constant 0 : i32
      %cond3A_164 = arith.cmpi ne, %convert_element_type3A_162, %cond3A_163 : i32
      scf.if %cond3A_164 {
        %sub3A = arith.constant 4 : i32
        %sub3A_184 = arith.subi %add3A_159, %sub3A : i32
        %dma_wait3A_185 = arith.constant 0 : i32
        %dma_wait3A_186 = tpu.memref_slice %arg4[%sub3A_184, %dma_wait3A_185] : memref<78x128xi32, #tpu.memory_space<vmem>> -> memref<1x128xi32, #tpu.memory_space<vmem>>
        %dma_wait3A_187 = tpu.memref_squeeze %dma_wait3A_186 : memref<1x128xi32, #tpu.memory_space<vmem>> -> memref<128xi32, #tpu.memory_space<vmem>>
        %dma_wait3A_188 = arith.constant 0 : i32
        %dma_wait3A_189 = tpu.memref_slice %arg8[%dma_wait3A_188] : memref<10240xf32, #tpu.memory_space<vmem_shared>> -> memref<10240xf32, #tpu.memory_space<vmem_shared>>
        tpu.wait_indirect_dma semaphore(%arg12 : memref<!tpu.dma_semaphore, #tpu.memory_space<semaphore_mem>>) src(%arg6 : memref<128xf32, #tpu.memory_space<vmem>>) dst(%dma_wait3A_189 : memref<10240xf32, #tpu.memory_space<vmem_shared>>)
      } else {
      }
      %dma_start3A_165 = arith.constant 0 : i32
      %dma_start3A_166 = tpu.memref_slice %arg4[%add3A_159, %dma_start3A_165] : memref<78x128xi32, #tpu.memory_space<vmem>> -> memref<1x128xi32, #tpu.memory_space<vmem>>
      %dma_start3A_167 = tpu.memref_squeeze %dma_start3A_166 : memref<1x128xi32, #tpu.memory_space<vmem>> -> memref<128xi32, #tpu.memory_space<vmem>>
      %dma_start3A_168 = arith.constant 0 : i32
      %dma_start3A_169 = tpu.memref_slice %arg8[%dma_start3A_168] : memref<10240xf32, #tpu.memory_space<vmem_shared>> -> memref<10240xf32, #tpu.memory_space<vmem_shared>>
      tpu.enqueue_indirect_dma source(%arg6 : memref<128xf32, #tpu.memory_space<vmem>>) target(%dma_start3A_169 : memref<10240xf32, #tpu.memory_space<vmem_shared>>) offsets(%dma_start3A_167 : memref<128xi32, #tpu.memory_space<vmem>>) semaphore(%arg12 : memref<!tpu.dma_semaphore, #tpu.memory_space<semaphore_mem>>) {add = true}
      %mul3A_170 = arith.constant 4 : i32
      %mul3A_171 = arith.muli %mul3A_170, %scan3A_128 : i32
      %add3A_172 = arith.constant 3 : i32
      %add3A_173 = arith.addi %mul3A_171, %add3A_172 : i32
      %gt3A_174 = arith.constant 0 : i32
      %gt3A_175 = arith.cmpi sgt, %scan3A_128, %gt3A_174 : i32
      %convert_element_type3A_176 = arith.extui %gt3A_175 : i1 to i32
      %cond3A_177 = arith.constant 0 : i32
      %cond3A_178 = arith.cmpi ne, %convert_element_type3A_176, %cond3A_177 : i32
      scf.if %cond3A_178 {
        %sub3A = arith.constant 4 : i32
        %sub3A_184 = arith.subi %add3A_173, %sub3A : i32
        %dma_wait3A_185 = arith.constant 0 : i32
        %dma_wait3A_186 = tpu.memref_slice %arg4[%sub3A_184, %dma_wait3A_185] : memref<78x128xi32, #tpu.memory_space<vmem>> -> memref<1x128xi32, #tpu.memory_space<vmem>>
        %dma_wait3A_187 = tpu.memref_squeeze %dma_wait3A_186 : memref<1x128xi32, #tpu.memory_space<vmem>> -> memref<128xi32, #tpu.memory_space<vmem>>
        %dma_wait3A_188 = arith.constant 0 : i32
        %dma_wait3A_189 = tpu.memref_slice %arg8[%dma_wait3A_188] : memref<10240xf32, #tpu.memory_space<vmem_shared>> -> memref<10240xf32, #tpu.memory_space<vmem_shared>>
        tpu.wait_indirect_dma semaphore(%arg13 : memref<!tpu.dma_semaphore, #tpu.memory_space<semaphore_mem>>) src(%arg6 : memref<128xf32, #tpu.memory_space<vmem>>) dst(%dma_wait3A_189 : memref<10240xf32, #tpu.memory_space<vmem_shared>>)
      } else {
      }
      %dma_start3A_179 = arith.constant 0 : i32
      %dma_start3A_180 = tpu.memref_slice %arg4[%add3A_173, %dma_start3A_179] : memref<78x128xi32, #tpu.memory_space<vmem>> -> memref<1x128xi32, #tpu.memory_space<vmem>>
      %dma_start3A_181 = tpu.memref_squeeze %dma_start3A_180 : memref<1x128xi32, #tpu.memory_space<vmem>> -> memref<128xi32, #tpu.memory_space<vmem>>
      %dma_start3A_182 = arith.constant 0 : i32
      %dma_start3A_183 = tpu.memref_slice %arg8[%dma_start3A_182] : memref<10240xf32, #tpu.memory_space<vmem_shared>> -> memref<10240xf32, #tpu.memory_space<vmem_shared>>
      tpu.enqueue_indirect_dma source(%arg6 : memref<128xf32, #tpu.memory_space<vmem>>) target(%dma_start3A_183 : memref<10240xf32, #tpu.memory_space<vmem_shared>>) offsets(%dma_start3A_181 : memref<128xi32, #tpu.memory_space<vmem>>) semaphore(%arg13 : memref<!tpu.dma_semaphore, #tpu.memory_space<semaphore_mem>>) {add = true}
    }
    %scan3A_97 = arith.constant 19 : i32
    %run_scoped3A = arith.constant 76 : i32
    "tpu.region"() ({
      %run_scoped3A_128 = tpu.sem_alloc : memref<!tpu.dma_semaphore, #tpu.memory_space<semaphore_mem>>
      %dma_start3A_129 = arith.constant 0 : i32
      %dma_start3A_130 = tpu.memref_slice %arg4[%run_scoped3A, %dma_start3A_129] : memref<78x128xi32, #tpu.memory_space<vmem>> -> memref<1x128xi32, #tpu.memory_space<vmem>>
      %dma_start3A_131 = tpu.memref_squeeze %dma_start3A_130 : memref<1x128xi32, #tpu.memory_space<vmem>> -> memref<128xi32, #tpu.memory_space<vmem>>
      %dma_start3A_132 = arith.constant 0 : i32
      %dma_start3A_133 = tpu.memref_slice %arg8[%dma_start3A_132] : memref<10240xf32, #tpu.memory_space<vmem_shared>> -> memref<10240xf32, #tpu.memory_space<vmem_shared>>
      tpu.enqueue_indirect_dma source(%arg6 : memref<128xf32, #tpu.memory_space<vmem>>) target(%dma_start3A_133 : memref<10240xf32, #tpu.memory_space<vmem_shared>>) offsets(%dma_start3A_131 : memref<128xi32, #tpu.memory_space<vmem>>) semaphore(%run_scoped3A_128 : memref<!tpu.dma_semaphore, #tpu.memory_space<semaphore_mem>>) {add = true}
      %dma_wait3A_134 = arith.constant 0 : i32
      %dma_wait3A_135 = tpu.memref_slice %arg4[%run_scoped3A, %dma_wait3A_134] : memref<78x128xi32, #tpu.memory_space<vmem>> -> memref<1x128xi32, #tpu.memory_space<vmem>>
      %dma_wait3A_136 = tpu.memref_squeeze %dma_wait3A_135 : memref<1x128xi32, #tpu.memory_space<vmem>> -> memref<128xi32, #tpu.memory_space<vmem>>
      %dma_wait3A_137 = arith.constant 0 : i32
      %dma_wait3A_138 = tpu.memref_slice %arg8[%dma_wait3A_137] : memref<10240xf32, #tpu.memory_space<vmem_shared>> -> memref<10240xf32, #tpu.memory_space<vmem_shared>>
      tpu.wait_indirect_dma semaphore(%run_scoped3A_128 : memref<!tpu.dma_semaphore, #tpu.memory_space<semaphore_mem>>) src(%arg6 : memref<128xf32, #tpu.memory_space<vmem>>) dst(%dma_wait3A_138 : memref<10240xf32, #tpu.memory_space<vmem_shared>>)
      tpu.yield
    }) : () -> ()
    %run_scoped3A_98 = arith.constant 77 : i32
    "tpu.region"() ({
      %run_scoped3A_128 = tpu.sem_alloc : memref<!tpu.dma_semaphore, #tpu.memory_space<semaphore_mem>>
      %dma_start3A_129 = arith.constant 0 : i32
      %dma_start3A_130 = tpu.memref_slice %arg4[%run_scoped3A_98, %dma_start3A_129] : memref<78x128xi32, #tpu.memory_space<vmem>> -> memref<1x128xi32, #tpu.memory_space<vmem>>
      %dma_start3A_131 = tpu.memref_squeeze %dma_start3A_130 : memref<1x128xi32, #tpu.memory_space<vmem>> -> memref<128xi32, #tpu.memory_space<vmem>>
      %dma_start3A_132 = arith.constant 0 : i32
      %dma_start3A_133 = tpu.memref_slice %arg8[%dma_start3A_132] : memref<10240xf32, #tpu.memory_space<vmem_shared>> -> memref<10240xf32, #tpu.memory_space<vmem_shared>>
      tpu.enqueue_indirect_dma source(%arg6 : memref<128xf32, #tpu.memory_space<vmem>>) target(%dma_start3A_133 : memref<10240xf32, #tpu.memory_space<vmem_shared>>) offsets(%dma_start3A_131 : memref<128xi32, #tpu.memory_space<vmem>>) semaphore(%run_scoped3A_128 : memref<!tpu.dma_semaphore, #tpu.memory_space<semaphore_mem>>) {add = true}
      %dma_wait3A_134 = arith.constant 0 : i32
      %dma_wait3A_135 = tpu.memref_slice %arg4[%run_scoped3A_98, %dma_wait3A_134] : memref<78x128xi32, #tpu.memory_space<vmem>> -> memref<1x128xi32, #tpu.memory_space<vmem>>
      %dma_wait3A_136 = tpu.memref_squeeze %dma_wait3A_135 : memref<1x128xi32, #tpu.memory_space<vmem>> -> memref<128xi32, #tpu.memory_space<vmem>>
      %dma_wait3A_137 = arith.constant 0 : i32
      %dma_wait3A_138 = tpu.memref_slice %arg8[%dma_wait3A_137] : memref<10240xf32, #tpu.memory_space<vmem_shared>> -> memref<10240xf32, #tpu.memory_space<vmem_shared>>
      tpu.wait_indirect_dma semaphore(%run_scoped3A_128 : memref<!tpu.dma_semaphore, #tpu.memory_space<semaphore_mem>>) src(%arg6 : memref<128xf32, #tpu.memory_space<vmem>>) dst(%dma_wait3A_138 : memref<10240xf32, #tpu.memory_space<vmem_shared>>)
      tpu.yield
    }) : () -> ()
    %dma_wait3A_99 = arith.constant 72 : i32
    %dma_wait3A_100 = arith.constant 0 : i32
    %dma_wait3A_101 = tpu.memref_slice %arg4[%dma_wait3A_99, %dma_wait3A_100] : memref<78x128xi32, #tpu.memory_space<vmem>> -> memref<1x128xi32, #tpu.memory_space<vmem>>
    %dma_wait3A_102 = tpu.memref_squeeze %dma_wait3A_101 : memref<1x128xi32, #tpu.memory_space<vmem>> -> memref<128xi32, #tpu.memory_space<vmem>>
    %dma_wait3A_103 = arith.constant 0 : i32
    %dma_wait3A_104 = tpu.memref_slice %arg8[%dma_wait3A_103] : memref<10240xf32, #tpu.memory_space<vmem_shared>> -> memref<10240xf32, #tpu.memory_space<vmem_shared>>
    tpu.wait_indirect_dma semaphore(%arg10 : memref<!tpu.dma_semaphore, #tpu.memory_space<semaphore_mem>>) src(%arg6 : memref<128xf32, #tpu.memory_space<vmem>>) dst(%dma_wait3A_104 : memref<10240xf32, #tpu.memory_space<vmem_shared>>)
    %dma_wait3A_105 = arith.constant 73 : i32
    %dma_wait3A_106 = arith.constant 0 : i32
    %dma_wait3A_107 = tpu.memref_slice %arg4[%dma_wait3A_105, %dma_wait3A_106] : memref<78x128xi32, #tpu.memory_space<vmem>> -> memref<1x128xi32, #tpu.memory_space<vmem>>
    %dma_wait3A_108 = tpu.memref_squeeze %dma_wait3A_107 : memref<1x128xi32, #tpu.memory_space<vmem>> -> memref<128xi32, #tpu.memory_space<vmem>>
    %dma_wait3A_109 = arith.constant 0 : i32
    %dma_wait3A_110 = tpu.memref_slice %arg8[%dma_wait3A_109] : memref<10240xf32, #tpu.memory_space<vmem_shared>> -> memref<10240xf32, #tpu.memory_space<vmem_shared>>
    tpu.wait_indirect_dma semaphore(%arg11 : memref<!tpu.dma_semaphore, #tpu.memory_space<semaphore_mem>>) src(%arg6 : memref<128xf32, #tpu.memory_space<vmem>>) dst(%dma_wait3A_110 : memref<10240xf32, #tpu.memory_space<vmem_shared>>)
    %dma_wait3A_111 = arith.constant 74 : i32
    %dma_wait3A_112 = arith.constant 0 : i32
    %dma_wait3A_113 = tpu.memref_slice %arg4[%dma_wait3A_111, %dma_wait3A_112] : memref<78x128xi32, #tpu.memory_space<vmem>> -> memref<1x128xi32, #tpu.memory_space<vmem>>
    %dma_wait3A_114 = tpu.memref_squeeze %dma_wait3A_113 : memref<1x128xi32, #tpu.memory_space<vmem>> -> memref<128xi32, #tpu.memory_space<vmem>>
    %dma_wait3A_115 = arith.constant 0 : i32
    %dma_wait3A_116 = tpu.memref_slice %arg8[%dma_wait3A_115] : memref<10240xf32, #tpu.memory_space<vmem_shared>> -> memref<10240xf32, #tpu.memory_space<vmem_shared>>
    tpu.wait_indirect_dma semaphore(%arg12 : memref<!tpu.dma_semaphore, #tpu.memory_space<semaphore_mem>>) src(%arg6 : memref<128xf32, #tpu.memory_space<vmem>>) dst(%dma_wait3A_116 : memref<10240xf32, #tpu.memory_space<vmem_shared>>)
    %dma_wait3A_117 = arith.constant 75 : i32
    %dma_wait3A_118 = arith.constant 0 : i32
    %dma_wait3A_119 = tpu.memref_slice %arg4[%dma_wait3A_117, %dma_wait3A_118] : memref<78x128xi32, #tpu.memory_space<vmem>> -> memref<1x128xi32, #tpu.memory_space<vmem>>
    %dma_wait3A_120 = tpu.memref_squeeze %dma_wait3A_119 : memref<1x128xi32, #tpu.memory_space<vmem>> -> memref<128xi32, #tpu.memory_space<vmem>>
    %dma_wait3A_121 = arith.constant 0 : i32
    %dma_wait3A_122 = tpu.memref_slice %arg8[%dma_wait3A_121] : memref<10240xf32, #tpu.memory_space<vmem_shared>> -> memref<10240xf32, #tpu.memory_space<vmem_shared>>
    tpu.wait_indirect_dma semaphore(%arg13 : memref<!tpu.dma_semaphore, #tpu.memory_space<semaphore_mem>>) src(%arg6 : memref<128xf32, #tpu.memory_space<vmem>>) dst(%dma_wait3A_122 : memref<10240xf32, #tpu.memory_space<vmem_shared>>)
    %lt3A = arith.constant 4 : i32
    %lt3A_123 = arith.cmpi slt, %add3A, %lt3A : i32
    %convert_element_type3A = arith.extui %lt3A_123 : i1 to i32
    %cond3A = arith.constant 0 : i32
    %cond3A_124 = arith.cmpi ne, %convert_element_type3A, %cond3A : i32
    scf.if %cond3A_124 {
      %add3A_128 = arith.constant 2496 : i32
      %add3A_129 = arith.addi %add3A_128, %add3A : i32
      "tpu.region"() ({
        %run_scoped3A_130 = tpu.sem_alloc : memref<!tpu.dma_semaphore, #tpu.memory_space<semaphore_mem>>
        %dma_start3A_131 = arith.constant 0 : i32
        %dma_start3A_132 = tpu.memref_slice %arg2[%add3A_129, %dma_start3A_131] : memref<2500x128xi32, #tpu.memory_space<hbm>> -> memref<1x128xi32, #tpu.memory_space<hbm>>
        %dma_start3A_133 = tpu.memref_squeeze %dma_start3A_132 : memref<1x128xi32, #tpu.memory_space<hbm>> -> memref<128xi32, #tpu.memory_space<hbm>>
        %dma_start3A_134 = arith.constant 0 : i32
        %dma_start3A_135 = tpu.memref_slice %arg2[%add3A_129, %dma_start3A_134] : memref<2500x128xi32, #tpu.memory_space<hbm>> -> memref<1x128xi32, #tpu.memory_space<hbm>>
        %dma_start3A_136 = tpu.memref_squeeze %dma_start3A_135 : memref<1x128xi32, #tpu.memory_space<hbm>> -> memref<128xi32, #tpu.memory_space<hbm>>
        tpu.enqueue_dma source(%dma_start3A_136 : memref<128xi32, #tpu.memory_space<hbm>>) target(%arg5 : memref<128xi32, #tpu.memory_space<vmem>>) target_semaphore(%run_scoped3A_130 : memref<!tpu.dma_semaphore, #tpu.memory_space<semaphore_mem>>)
        %dma_wait3A_137 = arith.constant 0 : i32
        %dma_wait3A_138 = tpu.memref_slice %arg2[%add3A_129, %dma_wait3A_137] : memref<2500x128xi32, #tpu.memory_space<hbm>> -> memref<1x128xi32, #tpu.memory_space<hbm>>
        %dma_wait3A_139 = tpu.memref_squeeze %dma_wait3A_138 : memref<1x128xi32, #tpu.memory_space<hbm>> -> memref<128xi32, #tpu.memory_space<hbm>>
        %dma_wait3A_140 = arith.constant 0 : i32
        %dma_wait3A_141 = tpu.memref_slice %arg2[%add3A_129, %dma_wait3A_140] : memref<2500x128xi32, #tpu.memory_space<hbm>> -> memref<1x128xi32, #tpu.memory_space<hbm>>
        %dma_wait3A_142 = tpu.memref_squeeze %dma_wait3A_141 : memref<1x128xi32, #tpu.memory_space<hbm>> -> memref<128xi32, #tpu.memory_space<hbm>>
        tpu.wait_dma2 semaphore(%run_scoped3A_130 : memref<!tpu.dma_semaphore, #tpu.memory_space<semaphore_mem>>) src(%dma_wait3A_142 : memref<128xi32, #tpu.memory_space<hbm>>) dst(%arg5 : memref<128xi32, #tpu.memory_space<vmem>>)
        tpu.yield
      }) : () -> ()
      "tpu.region"() ({
        %run_scoped3A_130 = tpu.sem_alloc : memref<!tpu.dma_semaphore, #tpu.memory_space<semaphore_mem>>
        %dma_start3A_131 = arith.constant 0 : i32
        %dma_start3A_132 = tpu.memref_slice %arg8[%dma_start3A_131] : memref<10240xf32, #tpu.memory_space<vmem_shared>> -> memref<10240xf32, #tpu.memory_space<vmem_shared>>
        tpu.enqueue_indirect_dma source(%arg6 : memref<128xf32, #tpu.memory_space<vmem>>) target(%dma_start3A_132 : memref<10240xf32, #tpu.memory_space<vmem_shared>>) offsets(%arg5 : memref<128xi32, #tpu.memory_space<vmem>>) semaphore(%run_scoped3A_130 : memref<!tpu.dma_semaphore, #tpu.memory_space<semaphore_mem>>) {add = true}
        %dma_wait3A_133 = arith.constant 0 : i32
        %dma_wait3A_134 = tpu.memref_slice %arg8[%dma_wait3A_133] : memref<10240xf32, #tpu.memory_space<vmem_shared>> -> memref<10240xf32, #tpu.memory_space<vmem_shared>>
        tpu.wait_indirect_dma semaphore(%run_scoped3A_130 : memref<!tpu.dma_semaphore, #tpu.memory_space<semaphore_mem>>) src(%arg6 : memref<128xf32, #tpu.memory_space<vmem>>) dst(%dma_wait3A_134 : memref<10240xf32, #tpu.memory_space<vmem_shared>>)
        tpu.yield
      }) : () -> ()
    } else {
    }
    %barrier3A_125 = arith.constant 0 : index
    tpu.barrier barrier_id(%barrier3A_125)
    %mul3A_126 = arith.constant 640 : i32
    %mul3A_127 = arith.muli %arg1, %mul3A_126 : i32
    "tpu.region"() ({
      %run_scoped3A_128 = tpu.sem_alloc : memref<!tpu.dma_semaphore, #tpu.memory_space<semaphore_mem>>
      %dma_start3A_129 = tpu.memref_slice %arg3[%arg0, %mul3A_127] : memref<2x10240xf32, #tpu.memory_space<hbm>> -> memref<1x640xf32, #tpu.memory_space<hbm>>
      %dma_start3A_130 = tpu.memref_squeeze %dma_start3A_129 : memref<1x640xf32, #tpu.memory_space<hbm>> -> memref<640xf32, #tpu.memory_space<hbm>>
      %dma_start3A_131 = tpu.memref_slice %arg8[%mul3A_127] : memref<10240xf32, #tpu.memory_space<vmem_shared>> -> memref<640xf32, #tpu.memory_space<vmem_shared>>
      tpu.enqueue_dma source(%dma_start3A_131 : memref<640xf32, #tpu.memory_space<vmem_shared>>) target(%dma_start3A_130 : memref<640xf32, #tpu.memory_space<hbm>>) target_semaphore(%run_scoped3A_128 : memref<!tpu.dma_semaphore, #tpu.memory_space<semaphore_mem>>)
      %dma_wait3A_132 = tpu.memref_slice %arg3[%arg0, %mul3A_127] : memref<2x10240xf32, #tpu.memory_space<hbm>> -> memref<1x640xf32, #tpu.memory_space<hbm>>
      %dma_wait3A_133 = tpu.memref_squeeze %dma_wait3A_132 : memref<1x640xf32, #tpu.memory_space<hbm>> -> memref<640xf32, #tpu.memory_space<hbm>>
      %dma_wait3A_134 = tpu.memref_slice %arg8[%mul3A_127] : memref<10240xf32, #tpu.memory_space<vmem_shared>> -> memref<640xf32, #tpu.memory_space<vmem_shared>>
      tpu.wait_dma2 semaphore(%run_scoped3A_128 : memref<!tpu.dma_semaphore, #tpu.memory_space<semaphore_mem>>) src(%dma_wait3A_134 : memref<640xf32, #tpu.memory_space<vmem_shared>>) dst(%dma_wait3A_133 : memref<640xf32, #tpu.memory_space<hbm>>)
      tpu.yield
    }) : () -> ()
    return
  }
}

#map = affine_map<(d0, d1) -> (0, 0)>
#map1 = affine_map<(d0, d1) -> (0, 0, 0)>
module attributes {stable_mosaic.version = 14 : i64} {
  func.func @_prop_kernel(%arg0: i32, %arg1: i32, %arg2: memref<10000x16xf32, #tpu.memory_space<hbm>>, %arg3: memref<2500x128xi32, #tpu.memory_space<hbm>>, %arg4: memref<2500x128xi32, #tpu.memory_space<hbm>>, %arg5: memref<2x10240x16xf32, #tpu.memory_space<hbm>>, %arg6: memref<78x128xi32, #tpu.memory_space<vmem>>, %arg7: memref<78x128xi32, #tpu.memory_space<vmem>>, %arg8: memref<128xi32, #tpu.memory_space<vmem>>, %arg9: memref<128xi32, #tpu.memory_space<vmem>>, %arg10: memref<128x16xf32, #tpu.memory_space<vmem>>, %arg11: memref<128x16xf32, #tpu.memory_space<vmem>>, %arg12: memref<128x16xf32, #tpu.memory_space<vmem>>, %arg13: memref<128x16xf32, #tpu.memory_space<vmem>>, %arg14: memref<128x16xf32, #tpu.memory_space<vmem>>, %arg15: memref<128x16xf32, #tpu.memory_space<vmem>>, %arg16: memref<128x16xf32, #tpu.memory_space<vmem>>, %arg17: memref<128x16xf32, #tpu.memory_space<vmem>>, %arg18: memref<128x16xf32, #tpu.memory_space<vmem>>, %arg19: memref<10240x16xf32, #tpu.memory_space<vmem_shared>>, %arg20: memref<10240x16xf32, #tpu.memory_space<vmem_shared>>, %arg21: memref<!tpu.dma_semaphore, #tpu.memory_space<semaphore_mem>>, %arg22: memref<!tpu.dma_semaphore, #tpu.memory_space<semaphore_mem>>, %arg23: memref<!tpu.dma_semaphore, #tpu.memory_space<semaphore_mem>>, %arg24: memref<!tpu.dma_semaphore, #tpu.memory_space<semaphore_mem>>, %arg25: memref<!tpu.dma_semaphore, #tpu.memory_space<semaphore_mem>>, %arg26: memref<!tpu.dma_semaphore, #tpu.memory_space<semaphore_mem>>, %arg27: memref<!tpu.dma_semaphore, #tpu.memory_space<semaphore_mem>>, %arg28: memref<!tpu.dma_semaphore, #tpu.memory_space<semaphore_mem>>, %arg29: memref<!tpu.dma_semaphore, #tpu.memory_space<semaphore_mem>>, %arg30: memref<!tpu.dma_semaphore, #tpu.memory_space<semaphore_mem>>, %arg31: memref<!tpu.dma_semaphore, #tpu.memory_space<semaphore_mem>>, %arg32: memref<!tpu.dma_semaphore, #tpu.memory_space<semaphore_mem>>, %arg33: memref<!tpu.dma_semaphore, #tpu.memory_space<semaphore_mem>>, %arg34: memref<!tpu.dma_semaphore, #tpu.memory_space<semaphore_mem>>, %arg35: memref<!tpu.dma_semaphore, #tpu.memory_space<semaphore_mem>>, %arg36: memref<!tpu.dma_semaphore, #tpu.memory_space<semaphore_mem>>, %arg37: memref<!tpu.dma_semaphore, #tpu.memory_space<semaphore_mem>>) attributes {dimension_semantics = [#tpu.dimension_semantics<core_parallel>, #tpu.dimension_semantics<subcore_parallel>], iteration_bounds = array<i64: 2, 16>, scalar_prefetch = 0 : i64, scratch_operands = 32 : i64, tpu.core_type = #tpu.core_type<sc_vector_subcore>, window_params = [{transform_indices = #map}, {transform_indices = #map}, {transform_indices = #map}, {transform_indices = #map1}]} {
    %mul3A = arith.constant 16 : i32
    %mul3A_0 = arith.muli %arg0, %mul3A : i32
    %add3A = arith.addi %mul3A_0, %arg1 : i32
    %mul3A_1 = arith.constant 78 : i32
    %mul3A_2 = arith.muli %add3A, %mul3A_1 : i32
    %dma_start3A = arith.constant 0 : i32
    %dma_start3A_3 = tpu.memref_slice %arg3[%mul3A_2, %dma_start3A] : memref<2500x128xi32, #tpu.memory_space<hbm>> -> memref<78x128xi32, #tpu.memory_space<hbm>>
    %dma_start3A_4 = arith.constant 0 : i32
    %dma_start3A_5 = tpu.memref_slice %arg3[%mul3A_2, %dma_start3A_4] : memref<2500x128xi32, #tpu.memory_space<hbm>> -> memref<78x128xi32, #tpu.memory_space<hbm>>
    tpu.enqueue_dma source(%dma_start3A_5 : memref<78x128xi32, #tpu.memory_space<hbm>>) target(%arg6 : memref<78x128xi32, #tpu.memory_space<vmem>>) target_semaphore(%arg21 : memref<!tpu.dma_semaphore, #tpu.memory_space<semaphore_mem>>)
    %mul3A_6 = arith.constant 78 : i32
    %mul3A_7 = arith.muli %add3A, %mul3A_6 : i32
    %dma_start3A_8 = arith.constant 0 : i32
    %dma_start3A_9 = tpu.memref_slice %arg4[%mul3A_7, %dma_start3A_8] : memref<2500x128xi32, #tpu.memory_space<hbm>> -> memref<78x128xi32, #tpu.memory_space<hbm>>
    %dma_start3A_10 = arith.constant 0 : i32
    %dma_start3A_11 = tpu.memref_slice %arg4[%mul3A_7, %dma_start3A_10] : memref<2500x128xi32, #tpu.memory_space<hbm>> -> memref<78x128xi32, #tpu.memory_space<hbm>>
    tpu.enqueue_dma source(%dma_start3A_11 : memref<78x128xi32, #tpu.memory_space<hbm>>) target(%arg7 : memref<78x128xi32, #tpu.memory_space<vmem>>) target_semaphore(%arg21 : memref<!tpu.dma_semaphore, #tpu.memory_space<semaphore_mem>>)
    %lt3A = arith.constant 15 : i32
    %lt3A_12 = arith.cmpi slt, %arg1, %lt3A : i32
    %convert_element_type3A = arith.extui %lt3A_12 : i1 to i32
    %cond3A = arith.constant 0 : i32
    %cond3A_13 = arith.cmpi ne, %convert_element_type3A, %cond3A : i32
    scf.if %cond3A_13 {
      %mul3A_167 = arith.constant 640 : i32
      %mul3A_168 = arith.muli %arg1, %mul3A_167 : i32
      %mul3A_169 = arith.constant 640 : i32
      %mul3A_170 = arith.muli %arg1, %mul3A_169 : i32
      %dma_start3A_171 = arith.constant 0 : i32
      %dma_start3A_172 = tpu.memref_slice %arg20[%mul3A_170, %dma_start3A_171] : memref<10240x16xf32, #tpu.memory_space<vmem_shared>> -> memref<640x16xf32, #tpu.memory_space<vmem_shared>>
      %dma_start3A_173 = arith.constant 0 : i32
      %dma_start3A_174 = tpu.memref_slice %arg2[%mul3A_168, %dma_start3A_173] : memref<10000x16xf32, #tpu.memory_space<hbm>> -> memref<640x16xf32, #tpu.memory_space<hbm>>
      tpu.enqueue_dma source(%dma_start3A_174 : memref<640x16xf32, #tpu.memory_space<hbm>>) target(%dma_start3A_172 : memref<640x16xf32, #tpu.memory_space<vmem_shared>>) target_semaphore(%arg21 : memref<!tpu.dma_semaphore, #tpu.memory_space<semaphore_mem>>)
    } else {
    }
    %eq3A = arith.constant 15 : i32
    %eq3A_14 = arith.cmpi eq, %arg1, %eq3A : i32
    %convert_element_type3A_15 = arith.extui %eq3A_14 : i1 to i32
    %cond3A_16 = arith.constant 0 : i32
    %cond3A_17 = arith.cmpi ne, %convert_element_type3A_15, %cond3A_16 : i32
    scf.if %cond3A_17 {
      %dma_start3A_167 = arith.constant 9600 : i32
      %dma_start3A_168 = arith.constant 0 : i32
      %dma_start3A_169 = tpu.memref_slice %arg20[%dma_start3A_167, %dma_start3A_168] : memref<10240x16xf32, #tpu.memory_space<vmem_shared>> -> memref<400x16xf32, #tpu.memory_space<vmem_shared>>
      %dma_start3A_170 = arith.constant 9600 : i32
      %dma_start3A_171 = arith.constant 0 : i32
      %dma_start3A_172 = tpu.memref_slice %arg2[%dma_start3A_170, %dma_start3A_171] : memref<10000x16xf32, #tpu.memory_space<hbm>> -> memref<400x16xf32, #tpu.memory_space<hbm>>
      tpu.enqueue_dma source(%dma_start3A_172 : memref<400x16xf32, #tpu.memory_space<hbm>>) target(%dma_start3A_169 : memref<400x16xf32, #tpu.memory_space<vmem_shared>>) target_semaphore(%arg21 : memref<!tpu.dma_semaphore, #tpu.memory_space<semaphore_mem>>)
    } else {
    }
    %scan3A = arith.constant 0 : i32
    %scan3A_18 = arith.constant 0 : i32
    %scan3A_19 = arith.constant 128 : i32
    %scan3A_20 = arith.addi %scan3A_18, %scan3A_19 : i32
    %scan3A_21 = arith.constant 1 : i32
    scf.for %scan3A_167 = %scan3A_18 to %scan3A_20 step %scan3A_21  : i32 {
      %broadcast_in_dim3A = arith.constant 0.000000e+00 : f32
      %broadcast_in_dim3A_168 = vector.broadcast %broadcast_in_dim3A : f32 to vector<16xf32>
      %swap3A = arith.index_cast %scan3A_167 : i32 to index
      %swap3A_169 = arith.constant 0 : index
      %swap3A_170 = tpu.vector_load %arg18[%swap3A, %swap3A_169] {strides = array<i32>} : memref<128x16xf32, #tpu.memory_space<vmem>>, vector<1x16xf32>,
      %swap3A_171 = vector.shape_cast %swap3A_170 : vector<1x16xf32> to vector<16xf32>
      %swap3A_172 = vector.shape_cast %broadcast_in_dim3A_168 : vector<16xf32> to vector<1x16xf32>
      tpu.vector_store %arg18[%swap3A, %swap3A_169], %swap3A_172 {strides = array<i32>} : memref<128x16xf32, #tpu.memory_space<vmem>>, vector<1x16xf32>,
    }
    %scan3A_22 = arith.constant 128 : i32
    %scan3A_23 = arith.constant 0 : i32
    %scan3A_24 = arith.constant 0 : i32
    %scan3A_25 = arith.constant 5 : i32
    %scan3A_26 = arith.addi %scan3A_24, %scan3A_25 : i32
    %scan3A_27 = arith.constant 1 : i32
    scf.for %scan3A_167 = %scan3A_24 to %scan3A_26 step %scan3A_27  : i32 {
      %mul3A_168 = arith.constant 640 : i32
      %mul3A_169 = arith.muli %arg1, %mul3A_168 : i32
      %mul3A_170 = arith.constant 128 : i32
      %mul3A_171 = arith.muli %scan3A_167, %mul3A_170 : i32
      %add3A_172 = arith.addi %mul3A_169, %mul3A_171 : i32
      "tpu.region"() ({
        %run_scoped3A_173 = tpu.sem_alloc : memref<!tpu.dma_semaphore, #tpu.memory_space<semaphore_mem>>
        %dma_start3A_174 = arith.constant 0 : i32
        %dma_start3A_175 = tpu.memref_slice %arg19[%add3A_172, %dma_start3A_174] : memref<10240x16xf32, #tpu.memory_space<vmem_shared>> -> memref<128x16xf32, #tpu.memory_space<vmem_shared>>
        %dma_start3A_176 = arith.constant 0 : i32
        %dma_start3A_177 = tpu.memref_slice %arg19[%add3A_172, %dma_start3A_176] : memref<10240x16xf32, #tpu.memory_space<vmem_shared>> -> memref<128x16xf32, #tpu.memory_space<vmem_shared>>
        tpu.enqueue_dma source(%arg18 : memref<128x16xf32, #tpu.memory_space<vmem>>) target(%dma_start3A_177 : memref<128x16xf32, #tpu.memory_space<vmem_shared>>) target_semaphore(%run_scoped3A_173 : memref<!tpu.dma_semaphore, #tpu.memory_space<semaphore_mem>>)
        %dma_wait3A_178 = arith.constant 0 : i32
        %dma_wait3A_179 = tpu.memref_slice %arg19[%add3A_172, %dma_wait3A_178] : memref<10240x16xf32, #tpu.memory_space<vmem_shared>> -> memref<128x16xf32, #tpu.memory_space<vmem_shared>>
        %dma_wait3A_180 = arith.constant 0 : i32
        %dma_wait3A_181 = tpu.memref_slice %arg19[%add3A_172, %dma_wait3A_180] : memref<10240x16xf32, #tpu.memory_space<vmem_shared>> -> memref<128x16xf32, #tpu.memory_space<vmem_shared>>
        tpu.wait_dma2 semaphore(%run_scoped3A_173 : memref<!tpu.dma_semaphore, #tpu.memory_space<semaphore_mem>>) src(%arg18 : memref<128x16xf32, #tpu.memory_space<vmem>>) dst(%dma_wait3A_181 : memref<128x16xf32, #tpu.memory_space<vmem_shared>>)
        tpu.yield
      }) : () -> ()
    }
    %scan3A_28 = arith.constant 5 : i32
    %mul3A_29 = arith.constant 78 : i32
    %mul3A_30 = arith.muli %add3A, %mul3A_29 : i32
    %dma_wait3A = arith.constant 0 : i32
    %dma_wait3A_31 = tpu.memref_slice %arg3[%mul3A_30, %dma_wait3A] : memref<2500x128xi32, #tpu.memory_space<hbm>> -> memref<78x128xi32, #tpu.memory_space<hbm>>
    %dma_wait3A_32 = arith.constant 0 : i32
    %dma_wait3A_33 = tpu.memref_slice %arg3[%mul3A_30, %dma_wait3A_32] : memref<2500x128xi32, #tpu.memory_space<hbm>> -> memref<78x128xi32, #tpu.memory_space<hbm>>
    tpu.wait_dma2 semaphore(%arg21 : memref<!tpu.dma_semaphore, #tpu.memory_space<semaphore_mem>>) src(%dma_wait3A_33 : memref<78x128xi32, #tpu.memory_space<hbm>>) dst(%arg6 : memref<78x128xi32, #tpu.memory_space<vmem>>)
    %mul3A_34 = arith.constant 78 : i32
    %mul3A_35 = arith.muli %add3A, %mul3A_34 : i32
    %dma_wait3A_36 = arith.constant 0 : i32
    %dma_wait3A_37 = tpu.memref_slice %arg4[%mul3A_35, %dma_wait3A_36] : memref<2500x128xi32, #tpu.memory_space<hbm>> -> memref<78x128xi32, #tpu.memory_space<hbm>>
    %dma_wait3A_38 = arith.constant 0 : i32
    %dma_wait3A_39 = tpu.memref_slice %arg4[%mul3A_35, %dma_wait3A_38] : memref<2500x128xi32, #tpu.memory_space<hbm>> -> memref<78x128xi32, #tpu.memory_space<hbm>>
    tpu.wait_dma2 semaphore(%arg21 : memref<!tpu.dma_semaphore, #tpu.memory_space<semaphore_mem>>) src(%dma_wait3A_39 : memref<78x128xi32, #tpu.memory_space<hbm>>) dst(%arg7 : memref<78x128xi32, #tpu.memory_space<vmem>>)
    %lt3A_40 = arith.constant 15 : i32
    %lt3A_41 = arith.cmpi slt, %arg1, %lt3A_40 : i32
    %convert_element_type3A_42 = arith.extui %lt3A_41 : i1 to i32
    %cond3A_43 = arith.constant 0 : i32
    %cond3A_44 = arith.cmpi ne, %convert_element_type3A_42, %cond3A_43 : i32
    scf.if %cond3A_44 {
      %mul3A_167 = arith.constant 640 : i32
      %mul3A_168 = arith.muli %arg1, %mul3A_167 : i32
      %mul3A_169 = arith.constant 640 : i32
      %mul3A_170 = arith.muli %arg1, %mul3A_169 : i32
      %dma_wait3A_171 = arith.constant 0 : i32
      %dma_wait3A_172 = tpu.memref_slice %arg20[%mul3A_170, %dma_wait3A_171] : memref<10240x16xf32, #tpu.memory_space<vmem_shared>> -> memref<640x16xf32, #tpu.memory_space<vmem_shared>>
      %dma_wait3A_173 = arith.constant 0 : i32
      %dma_wait3A_174 = tpu.memref_slice %arg2[%mul3A_168, %dma_wait3A_173] : memref<10000x16xf32, #tpu.memory_space<hbm>> -> memref<640x16xf32, #tpu.memory_space<hbm>>
      tpu.wait_dma2 semaphore(%arg21 : memref<!tpu.dma_semaphore, #tpu.memory_space<semaphore_mem>>) src(%dma_wait3A_174 : memref<640x16xf32, #tpu.memory_space<hbm>>) dst(%dma_wait3A_172 : memref<640x16xf32, #tpu.memory_space<vmem_shared>>)
    } else {
    }
    %eq3A_45 = arith.constant 15 : i32
    %eq3A_46 = arith.cmpi eq, %arg1, %eq3A_45 : i32
    %convert_element_type3A_47 = arith.extui %eq3A_46 : i1 to i32
    %cond3A_48 = arith.constant 0 : i32
    %cond3A_49 = arith.cmpi ne, %convert_element_type3A_47, %cond3A_48 : i32
    scf.if %cond3A_49 {
      %dma_wait3A_167 = arith.constant 9600 : i32
      %dma_wait3A_168 = arith.constant 0 : i32
      %dma_wait3A_169 = tpu.memref_slice %arg20[%dma_wait3A_167, %dma_wait3A_168] : memref<10240x16xf32, #tpu.memory_space<vmem_shared>> -> memref<400x16xf32, #tpu.memory_space<vmem_shared>>
      %dma_wait3A_170 = arith.constant 9600 : i32
      %dma_wait3A_171 = arith.constant 0 : i32
      %dma_wait3A_172 = tpu.memref_slice %arg2[%dma_wait3A_170, %dma_wait3A_171] : memref<10000x16xf32, #tpu.memory_space<hbm>> -> memref<400x16xf32, #tpu.memory_space<hbm>>
      tpu.wait_dma2 semaphore(%arg21 : memref<!tpu.dma_semaphore, #tpu.memory_space<semaphore_mem>>) src(%dma_wait3A_172 : memref<400x16xf32, #tpu.memory_space<hbm>>) dst(%dma_wait3A_169 : memref<400x16xf32, #tpu.memory_space<vmem_shared>>)
    } else {
    }
    %barrier3A = arith.constant 0 : index
    tpu.barrier barrier_id(%barrier3A)
    %dma_start3A_50 = arith.constant 0 : i32
    %dma_start3A_51 = arith.constant 0 : i32
    %dma_start3A_52 = tpu.memref_slice %arg6[%dma_start3A_50, %dma_start3A_51] : memref<78x128xi32, #tpu.memory_space<vmem>> -> memref<1x128xi32, #tpu.memory_space<vmem>>
    %dma_start3A_53 = tpu.memref_squeeze %dma_start3A_52 : memref<1x128xi32, #tpu.memory_space<vmem>> -> memref<128xi32, #tpu.memory_space<vmem>>
    %dma_start3A_54 = arith.constant 0 : i32
    %dma_start3A_55 = arith.constant 0 : i32
    %dma_start3A_56 = tpu.memref_slice %arg20[%dma_start3A_54, %dma_start3A_55] : memref<10240x16xf32, #tpu.memory_space<vmem_shared>> -> memref<10240x16xf32, #tpu.memory_space<vmem_shared>>
    tpu.enqueue_indirect_dma source(%dma_start3A_56 : memref<10240x16xf32, #tpu.memory_space<vmem_shared>>) target(%arg10 : memref<128x16xf32, #tpu.memory_space<vmem>>) offsets(%dma_start3A_53 : memref<128xi32, #tpu.memory_space<vmem>>) semaphore(%arg22 : memref<!tpu.dma_semaphore, #tpu.memory_space<semaphore_mem>>)
    %dma_start3A_57 = arith.constant 1 : i32
    %dma_start3A_58 = arith.constant 0 : i32
    %dma_start3A_59 = tpu.memref_slice %arg6[%dma_start3A_57, %dma_start3A_58] : memref<78x128xi32, #tpu.memory_space<vmem>> -> memref<1x128xi32, #tpu.memory_space<vmem>>
    %dma_start3A_60 = tpu.memref_squeeze %dma_start3A_59 : memref<1x128xi32, #tpu.memory_space<vmem>> -> memref<128xi32, #tpu.memory_space<vmem>>
    %dma_start3A_61 = arith.constant 0 : i32
    %dma_start3A_62 = arith.constant 0 : i32
    %dma_start3A_63 = tpu.memref_slice %arg20[%dma_start3A_61, %dma_start3A_62] : memref<10240x16xf32, #tpu.memory_space<vmem_shared>> -> memref<10240x16xf32, #tpu.memory_space<vmem_shared>>
    tpu.enqueue_indirect_dma source(%dma_start3A_63 : memref<10240x16xf32, #tpu.memory_space<vmem_shared>>) target(%arg11 : memref<128x16xf32, #tpu.memory_space<vmem>>) offsets(%dma_start3A_60 : memref<128xi32, #tpu.memory_space<vmem>>) semaphore(%arg23 : memref<!tpu.dma_semaphore, #tpu.memory_space<semaphore_mem>>)
    %dma_start3A_64 = arith.constant 2 : i32
    %dma_start3A_65 = arith.constant 0 : i32
    %dma_start3A_66 = tpu.memref_slice %arg6[%dma_start3A_64, %dma_start3A_65] : memref<78x128xi32, #tpu.memory_space<vmem>> -> memref<1x128xi32, #tpu.memory_space<vmem>>
    %dma_start3A_67 = tpu.memref_squeeze %dma_start3A_66 : memref<1x128xi32, #tpu.memory_space<vmem>> -> memref<128xi32, #tpu.memory_space<vmem>>
    %dma_start3A_68 = arith.constant 0 : i32
    %dma_start3A_69 = arith.constant 0 : i32
    %dma_start3A_70 = tpu.memref_slice %arg20[%dma_start3A_68, %dma_start3A_69] : memref<10240x16xf32, #tpu.memory_space<vmem_shared>> -> memref<10240x16xf32, #tpu.memory_space<vmem_shared>>
    tpu.enqueue_indirect_dma source(%dma_start3A_70 : memref<10240x16xf32, #tpu.memory_space<vmem_shared>>) target(%arg12 : memref<128x16xf32, #tpu.memory_space<vmem>>) offsets(%dma_start3A_67 : memref<128xi32, #tpu.memory_space<vmem>>) semaphore(%arg24 : memref<!tpu.dma_semaphore, #tpu.memory_space<semaphore_mem>>)
    %dma_start3A_71 = arith.constant 3 : i32
    %dma_start3A_72 = arith.constant 0 : i32
    %dma_start3A_73 = tpu.memref_slice %arg6[%dma_start3A_71, %dma_start3A_72] : memref<78x128xi32, #tpu.memory_space<vmem>> -> memref<1x128xi32, #tpu.memory_space<vmem>>
    %dma_start3A_74 = tpu.memref_squeeze %dma_start3A_73 : memref<1x128xi32, #tpu.memory_space<vmem>> -> memref<128xi32, #tpu.memory_space<vmem>>
    %dma_start3A_75 = arith.constant 0 : i32
    %dma_start3A_76 = arith.constant 0 : i32
    %dma_start3A_77 = tpu.memref_slice %arg20[%dma_start3A_75, %dma_start3A_76] : memref<10240x16xf32, #tpu.memory_space<vmem_shared>> -> memref<10240x16xf32, #tpu.memory_space<vmem_shared>>
    tpu.enqueue_indirect_dma source(%dma_start3A_77 : memref<10240x16xf32, #tpu.memory_space<vmem_shared>>) target(%arg13 : memref<128x16xf32, #tpu.memory_space<vmem>>) offsets(%dma_start3A_74 : memref<128xi32, #tpu.memory_space<vmem>>) semaphore(%arg25 : memref<!tpu.dma_semaphore, #tpu.memory_space<semaphore_mem>>)
    %dma_start3A_78 = arith.constant 4 : i32
    %dma_start3A_79 = arith.constant 0 : i32
    %dma_start3A_80 = tpu.memref_slice %arg6[%dma_start3A_78, %dma_start3A_79] : memref<78x128xi32, #tpu.memory_space<vmem>> -> memref<1x128xi32, #tpu.memory_space<vmem>>
    %dma_start3A_81 = tpu.memref_squeeze %dma_start3A_80 : memref<1x128xi32, #tpu.memory_space<vmem>> -> memref<128xi32, #tpu.memory_space<vmem>>
    %dma_start3A_82 = arith.constant 0 : i32
    %dma_start3A_83 = arith.constant 0 : i32
    %dma_start3A_84 = tpu.memref_slice %arg20[%dma_start3A_82, %dma_start3A_83] : memref<10240x16xf32, #tpu.memory_space<vmem_shared>> -> memref<10240x16xf32, #tpu.memory_space<vmem_shared>>
    tpu.enqueue_indirect_dma source(%dma_start3A_84 : memref<10240x16xf32, #tpu.memory_space<vmem_shared>>) target(%arg14 : memref<128x16xf32, #tpu.memory_space<vmem>>) offsets(%dma_start3A_81 : memref<128xi32, #tpu.memory_space<vmem>>) semaphore(%arg26 : memref<!tpu.dma_semaphore, #tpu.memory_space<semaphore_mem>>)
    %dma_start3A_85 = arith.constant 5 : i32
    %dma_start3A_86 = arith.constant 0 : i32
    %dma_start3A_87 = tpu.memref_slice %arg6[%dma_start3A_85, %dma_start3A_86] : memref<78x128xi32, #tpu.memory_space<vmem>> -> memref<1x128xi32, #tpu.memory_space<vmem>>
    %dma_start3A_88 = tpu.memref_squeeze %dma_start3A_87 : memref<1x128xi32, #tpu.memory_space<vmem>> -> memref<128xi32, #tpu.memory_space<vmem>>
    %dma_start3A_89 = arith.constant 0 : i32
    %dma_start3A_90 = arith.constant 0 : i32
    %dma_start3A_91 = tpu.memref_slice %arg20[%dma_start3A_89, %dma_start3A_90] : memref<10240x16xf32, #tpu.memory_space<vmem_shared>> -> memref<10240x16xf32, #tpu.memory_space<vmem_shared>>
    tpu.enqueue_indirect_dma source(%dma_start3A_91 : memref<10240x16xf32, #tpu.memory_space<vmem_shared>>) target(%arg15 : memref<128x16xf32, #tpu.memory_space<vmem>>) offsets(%dma_start3A_88 : memref<128xi32, #tpu.memory_space<vmem>>) semaphore(%arg27 : memref<!tpu.dma_semaphore, #tpu.memory_space<semaphore_mem>>)
    %dma_start3A_92 = arith.constant 6 : i32
    %dma_start3A_93 = arith.constant 0 : i32
    %dma_start3A_94 = tpu.memref_slice %arg6[%dma_start3A_92, %dma_start3A_93] : memref<78x128xi32, #tpu.memory_space<vmem>> -> memref<1x128xi32, #tpu.memory_space<vmem>>
    %dma_start3A_95 = tpu.memref_squeeze %dma_start3A_94 : memref<1x128xi32, #tpu.memory_space<vmem>> -> memref<128xi32, #tpu.memory_space<vmem>>
    %dma_start3A_96 = arith.constant 0 : i32
    %dma_start3A_97 = arith.constant 0 : i32
    %dma_start3A_98 = tpu.memref_slice %arg20[%dma_start3A_96, %dma_start3A_97] : memref<10240x16xf32, #tpu.memory_space<vmem_shared>> -> memref<10240x16xf32, #tpu.memory_space<vmem_shared>>
    tpu.enqueue_indirect_dma source(%dma_start3A_98 : memref<10240x16xf32, #tpu.memory_space<vmem_shared>>) target(%arg16 : memref<128x16xf32, #tpu.memory_space<vmem>>) offsets(%dma_start3A_95 : memref<128xi32, #tpu.memory_space<vmem>>) semaphore(%arg28 : memref<!tpu.dma_semaphore, #tpu.memory_space<semaphore_mem>>)
    %scan3A_99 = arith.constant 0 : i32
    %scan3A_100 = arith.constant 0 : i32
    %scan3A_101 = arith.constant 9 : i32
    %scan3A_102 = arith.addi %scan3A_100, %scan3A_101 : i32
    %scan3A_103 = arith.constant 1 : i32
    scf.for %scan3A_167 = %scan3A_100 to %scan3A_102 step %scan3A_103  : i32 {
      %mul3A_168 = arith.constant 8 : i32
      %mul3A_169 = arith.muli %mul3A_168, %scan3A_167 : i32
      %add3A_170 = arith.constant 0 : i32
      %add3A_171 = arith.addi %mul3A_169, %add3A_170 : i32
      %dma_wait3A_172 = arith.constant 0 : i32
      %dma_wait3A_173 = tpu.memref_slice %arg6[%add3A_171, %dma_wait3A_172] : memref<78x128xi32, #tpu.memory_space<vmem>> -> memref<1x128xi32, #tpu.memory_space<vmem>>
      %dma_wait3A_174 = tpu.memref_squeeze %dma_wait3A_173 : memref<1x128xi32, #tpu.memory_space<vmem>> -> memref<128xi32, #tpu.memory_space<vmem>>
      %dma_wait3A_175 = arith.constant 0 : i32
      %dma_wait3A_176 = arith.constant 0 : i32
      %dma_wait3A_177 = tpu.memref_slice %arg20[%dma_wait3A_175, %dma_wait3A_176] : memref<10240x16xf32, #tpu.memory_space<vmem_shared>> -> memref<10240x16xf32, #tpu.memory_space<vmem_shared>>
      tpu.wait_indirect_dma semaphore(%arg22 : memref<!tpu.dma_semaphore, #tpu.memory_space<semaphore_mem>>) src(%dma_wait3A_177 : memref<10240x16xf32, #tpu.memory_space<vmem_shared>>) dst(%arg10 : memref<128x16xf32, #tpu.memory_space<vmem>>)
      %dma_start3A_178 = arith.constant 0 : i32
      %dma_start3A_179 = tpu.memref_slice %arg7[%add3A_171, %dma_start3A_178] : memref<78x128xi32, #tpu.memory_space<vmem>> -> memref<1x128xi32, #tpu.memory_space<vmem>>
      %dma_start3A_180 = tpu.memref_squeeze %dma_start3A_179 : memref<1x128xi32, #tpu.memory_space<vmem>> -> memref<128xi32, #tpu.memory_space<vmem>>
      %dma_start3A_181 = arith.constant 0 : i32
      %dma_start3A_182 = arith.constant 0 : i32
      %dma_start3A_183 = tpu.memref_slice %arg19[%dma_start3A_181, %dma_start3A_182] : memref<10240x16xf32, #tpu.memory_space<vmem_shared>> -> memref<10240x16xf32, #tpu.memory_space<vmem_shared>>
      tpu.enqueue_indirect_dma source(%arg10 : memref<128x16xf32, #tpu.memory_space<vmem>>) target(%dma_start3A_183 : memref<10240x16xf32, #tpu.memory_space<vmem_shared>>) offsets(%dma_start3A_180 : memref<128xi32, #tpu.memory_space<vmem>>) semaphore(%arg30 : memref<!tpu.dma_semaphore, #tpu.memory_space<semaphore_mem>>) {add = true}
      %gt3A = arith.constant 0 : i32
      %gt3A_184 = arith.cmpi sgt, %scan3A_167, %gt3A : i32
      %convert_element_type3A_185 = arith.extui %gt3A_184 : i1 to i32
      %cond3A_186 = arith.constant 0 : i32
      %cond3A_187 = arith.cmpi ne, %convert_element_type3A_185, %cond3A_186 : i32
      scf.if %cond3A_187 {
        %sub3A_434 = arith.constant 1 : i32
        %sub3A_435 = arith.subi %add3A_171, %sub3A_434 : i32
        %dma_wait3A_436 = arith.constant 0 : i32
        %dma_wait3A_437 = tpu.memref_slice %arg7[%sub3A_435, %dma_wait3A_436] : memref<78x128xi32, #tpu.memory_space<vmem>> -> memref<1x128xi32, #tpu.memory_space<vmem>>
        %dma_wait3A_438 = tpu.memref_squeeze %dma_wait3A_437 : memref<1x128xi32, #tpu.memory_space<vmem>> -> memref<128xi32, #tpu.memory_space<vmem>>
        %dma_wait3A_439 = arith.constant 0 : i32
        %dma_wait3A_440 = arith.constant 0 : i32
        %dma_wait3A_441 = tpu.memref_slice %arg19[%dma_wait3A_439, %dma_wait3A_440] : memref<10240x16xf32, #tpu.memory_space<vmem_shared>> -> memref<10240x16xf32, #tpu.memory_space<vmem_shared>>
        tpu.wait_indirect_dma semaphore(%arg37 : memref<!tpu.dma_semaphore, #tpu.memory_space<semaphore_mem>>) src(%arg17 : memref<128x16xf32, #tpu.memory_space<vmem>>) dst(%dma_wait3A_441 : memref<10240x16xf32, #tpu.memory_space<vmem_shared>>)
      } else {
      }
      %add3A_188 = arith.constant 8 : i32
      %add3A_189 = arith.addi %add3A_171, %add3A_188 : i32
      %sub3A = arith.constant 1 : i32
      %sub3A_190 = arith.subi %add3A_189, %sub3A : i32
      %dma_start3A_191 = arith.constant 0 : i32
      %dma_start3A_192 = tpu.memref_slice %arg6[%sub3A_190, %dma_start3A_191] : memref<78x128xi32, #tpu.memory_space<vmem>> -> memref<1x128xi32, #tpu.memory_space<vmem>>
      %dma_start3A_193 = tpu.memref_squeeze %dma_start3A_192 : memref<1x128xi32, #tpu.memory_space<vmem>> -> memref<128xi32, #tpu.memory_space<vmem>>
      %dma_start3A_194 = arith.constant 0 : i32
      %dma_start3A_195 = arith.constant 0 : i32
      %dma_start3A_196 = tpu.memref_slice %arg20[%dma_start3A_194, %dma_start3A_195] : memref<10240x16xf32, #tpu.memory_space<vmem_shared>> -> memref<10240x16xf32, #tpu.memory_space<vmem_shared>>
      tpu.enqueue_indirect_dma source(%dma_start3A_196 : memref<10240x16xf32, #tpu.memory_space<vmem_shared>>) target(%arg17 : memref<128x16xf32, #tpu.memory_space<vmem>>) offsets(%dma_start3A_193 : memref<128xi32, #tpu.memory_space<vmem>>) semaphore(%arg29 : memref<!tpu.dma_semaphore, #tpu.memory_space<semaphore_mem>>)
      %mul3A_197 = arith.constant 8 : i32
      %mul3A_198 = arith.muli %mul3A_197, %scan3A_167 : i32
      %add3A_199 = arith.constant 1 : i32
      %add3A_200 = arith.addi %mul3A_198, %add3A_199 : i32
      %dma_wait3A_201 = arith.constant 0 : i32
      %dma_wait3A_202 = tpu.memref_slice %arg6[%add3A_200, %dma_wait3A_201] : memref<78x128xi32, #tpu.memory_space<vmem>> -> memref<1x128xi32, #tpu.memory_space<vmem>>
      %dma_wait3A_203 = tpu.memref_squeeze %dma_wait3A_202 : memref<1x128xi32, #tpu.memory_space<vmem>> -> memref<128xi32, #tpu.memory_space<vmem>>
      %dma_wait3A_204 = arith.constant 0 : i32
      %dma_wait3A_205 = arith.constant 0 : i32
      %dma_wait3A_206 = tpu.memref_slice %arg20[%dma_wait3A_204, %dma_wait3A_205] : memref<10240x16xf32, #tpu.memory_space<vmem_shared>> -> memref<10240x16xf32, #tpu.memory_space<vmem_shared>>
      tpu.wait_indirect_dma semaphore(%arg23 : memref<!tpu.dma_semaphore, #tpu.memory_space<semaphore_mem>>) src(%dma_wait3A_206 : memref<10240x16xf32, #tpu.memory_space<vmem_shared>>) dst(%arg11 : memref<128x16xf32, #tpu.memory_space<vmem>>)
      %dma_start3A_207 = arith.constant 0 : i32
      %dma_start3A_208 = tpu.memref_slice %arg7[%add3A_200, %dma_start3A_207] : memref<78x128xi32, #tpu.memory_space<vmem>> -> memref<1x128xi32, #tpu.memory_space<vmem>>
      %dma_start3A_209 = tpu.memref_squeeze %dma_start3A_208 : memref<1x128xi32, #tpu.memory_space<vmem>> -> memref<128xi32, #tpu.memory_space<vmem>>
      %dma_start3A_210 = arith.constant 0 : i32
      %dma_start3A_211 = arith.constant 0 : i32
      %dma_start3A_212 = tpu.memref_slice %arg19[%dma_start3A_210, %dma_start3A_211] : memref<10240x16xf32, #tpu.memory_space<vmem_shared>> -> memref<10240x16xf32, #tpu.memory_space<vmem_shared>>
      tpu.enqueue_indirect_dma source(%arg11 : memref<128x16xf32, #tpu.memory_space<vmem>>) target(%dma_start3A_212 : memref<10240x16xf32, #tpu.memory_space<vmem_shared>>) offsets(%dma_start3A_209 : memref<128xi32, #tpu.memory_space<vmem>>) semaphore(%arg31 : memref<!tpu.dma_semaphore, #tpu.memory_space<semaphore_mem>>) {add = true}
      %sub3A_213 = arith.constant 1 : i32
      %sub3A_214 = arith.subi %add3A_200, %sub3A_213 : i32
      %dma_wait3A_215 = arith.constant 0 : i32
      %dma_wait3A_216 = tpu.memref_slice %arg7[%sub3A_214, %dma_wait3A_215] : memref<78x128xi32, #tpu.memory_space<vmem>> -> memref<1x128xi32, #tpu.memory_space<vmem>>
      %dma_wait3A_217 = tpu.memref_squeeze %dma_wait3A_216 : memref<1x128xi32, #tpu.memory_space<vmem>> -> memref<128xi32, #tpu.memory_space<vmem>>
      %dma_wait3A_218 = arith.constant 0 : i32
      %dma_wait3A_219 = arith.constant 0 : i32
      %dma_wait3A_220 = tpu.memref_slice %arg19[%dma_wait3A_218, %dma_wait3A_219] : memref<10240x16xf32, #tpu.memory_space<vmem_shared>> -> memref<10240x16xf32, #tpu.memory_space<vmem_shared>>
      tpu.wait_indirect_dma semaphore(%arg30 : memref<!tpu.dma_semaphore, #tpu.memory_space<semaphore_mem>>) src(%arg10 : memref<128x16xf32, #tpu.memory_space<vmem>>) dst(%dma_wait3A_220 : memref<10240x16xf32, #tpu.memory_space<vmem_shared>>)
      %add3A_221 = arith.constant 8 : i32
      %add3A_222 = arith.addi %add3A_200, %add3A_221 : i32
      %sub3A_223 = arith.constant 1 : i32
      %sub3A_224 = arith.subi %add3A_222, %sub3A_223 : i32
      %dma_start3A_225 = arith.constant 0 : i32
      %dma_start3A_226 = tpu.memref_slice %arg6[%sub3A_224, %dma_start3A_225] : memref<78x128xi32, #tpu.memory_space<vmem>> -> memref<1x128xi32, #tpu.memory_space<vmem>>
      %dma_start3A_227 = tpu.memref_squeeze %dma_start3A_226 : memref<1x128xi32, #tpu.memory_space<vmem>> -> memref<128xi32, #tpu.memory_space<vmem>>
      %dma_start3A_228 = arith.constant 0 : i32
      %dma_start3A_229 = arith.constant 0 : i32
      %dma_start3A_230 = tpu.memref_slice %arg20[%dma_start3A_228, %dma_start3A_229] : memref<10240x16xf32, #tpu.memory_space<vmem_shared>> -> memref<10240x16xf32, #tpu.memory_space<vmem_shared>>
      tpu.enqueue_indirect_dma source(%dma_start3A_230 : memref<10240x16xf32, #tpu.memory_space<vmem_shared>>) target(%arg10 : memref<128x16xf32, #tpu.memory_space<vmem>>) offsets(%dma_start3A_227 : memref<128xi32, #tpu.memory_space<vmem>>) semaphore(%arg22 : memref<!tpu.dma_semaphore, #tpu.memory_space<semaphore_mem>>)
      %mul3A_231 = arith.constant 8 : i32
      %mul3A_232 = arith.muli %mul3A_231, %scan3A_167 : i32
      %add3A_233 = arith.constant 2 : i32
      %add3A_234 = arith.addi %mul3A_232, %add3A_233 : i32
      %dma_wait3A_235 = arith.constant 0 : i32
      %dma_wait3A_236 = tpu.memref_slice %arg6[%add3A_234, %dma_wait3A_235] : memref<78x128xi32, #tpu.memory_space<vmem>> -> memref<1x128xi32, #tpu.memory_space<vmem>>
      %dma_wait3A_237 = tpu.memref_squeeze %dma_wait3A_236 : memref<1x128xi32, #tpu.memory_space<vmem>> -> memref<128xi32, #tpu.memory_space<vmem>>
      %dma_wait3A_238 = arith.constant 0 : i32
      %dma_wait3A_239 = arith.constant 0 : i32
      %dma_wait3A_240 = tpu.memref_slice %arg20[%dma_wait3A_238, %dma_wait3A_239] : memref<10240x16xf32, #tpu.memory_space<vmem_shared>> -> memref<10240x16xf32, #tpu.memory_space<vmem_shared>>
      tpu.wait_indirect_dma semaphore(%arg24 : memref<!tpu.dma_semaphore, #tpu.memory_space<semaphore_mem>>) src(%dma_wait3A_240 : memref<10240x16xf32, #tpu.memory_space<vmem_shared>>) dst(%arg12 : memref<128x16xf32, #tpu.memory_space<vmem>>)
      %dma_start3A_241 = arith.constant 0 : i32
      %dma_start3A_242 = tpu.memref_slice %arg7[%add3A_234, %dma_start3A_241] : memref<78x128xi32, #tpu.memory_space<vmem>> -> memref<1x128xi32, #tpu.memory_space<vmem>>
      %dma_start3A_243 = tpu.memref_squeeze %dma_start3A_242 : memref<1x128xi32, #tpu.memory_space<vmem>> -> memref<128xi32, #tpu.memory_space<vmem>>
      %dma_start3A_244 = arith.constant 0 : i32
      %dma_start3A_245 = arith.constant 0 : i32
      %dma_start3A_246 = tpu.memref_slice %arg19[%dma_start3A_244, %dma_start3A_245] : memref<10240x16xf32, #tpu.memory_space<vmem_shared>> -> memref<10240x16xf32, #tpu.memory_space<vmem_shared>>
      tpu.enqueue_indirect_dma source(%arg12 : memref<128x16xf32, #tpu.memory_space<vmem>>) target(%dma_start3A_246 : memref<10240x16xf32, #tpu.memory_space<vmem_shared>>) offsets(%dma_start3A_243 : memref<128xi32, #tpu.memory_space<vmem>>) semaphore(%arg32 : memref<!tpu.dma_semaphore, #tpu.memory_space<semaphore_mem>>) {add = true}
      %sub3A_247 = arith.constant 1 : i32
      %sub3A_248 = arith.subi %add3A_234, %sub3A_247 : i32
      %dma_wait3A_249 = arith.constant 0 : i32
      %dma_wait3A_250 = tpu.memref_slice %arg7[%sub3A_248, %dma_wait3A_249] : memref<78x128xi32, #tpu.memory_space<vmem>> -> memref<1x128xi32, #tpu.memory_space<vmem>>
      %dma_wait3A_251 = tpu.memref_squeeze %dma_wait3A_250 : memref<1x128xi32, #tpu.memory_space<vmem>> -> memref<128xi32, #tpu.memory_space<vmem>>
      %dma_wait3A_252 = arith.constant 0 : i32
      %dma_wait3A_253 = arith.constant 0 : i32
      %dma_wait3A_254 = tpu.memref_slice %arg19[%dma_wait3A_252, %dma_wait3A_253] : memref<10240x16xf32, #tpu.memory_space<vmem_shared>> -> memref<10240x16xf32, #tpu.memory_space<vmem_shared>>
      tpu.wait_indirect_dma semaphore(%arg31 : memref<!tpu.dma_semaphore, #tpu.memory_space<semaphore_mem>>) src(%arg11 : memref<128x16xf32, #tpu.memory_space<vmem>>) dst(%dma_wait3A_254 : memref<10240x16xf32, #tpu.memory_space<vmem_shared>>)
      %add3A_255 = arith.constant 8 : i32
      %add3A_256 = arith.addi %add3A_234, %add3A_255 : i32
      %sub3A_257 = arith.constant 1 : i32
      %sub3A_258 = arith.subi %add3A_256, %sub3A_257 : i32
      %dma_start3A_259 = arith.constant 0 : i32
      %dma_start3A_260 = tpu.memref_slice %arg6[%sub3A_258, %dma_start3A_259] : memref<78x128xi32, #tpu.memory_space<vmem>> -> memref<1x128xi32, #tpu.memory_space<vmem>>
      %dma_start3A_261 = tpu.memref_squeeze %dma_start3A_260 : memref<1x128xi32, #tpu.memory_space<vmem>> -> memref<128xi32, #tpu.memory_space<vmem>>
      %dma_start3A_262 = arith.constant 0 : i32
      %dma_start3A_263 = arith.constant 0 : i32
      %dma_start3A_264 = tpu.memref_slice %arg20[%dma_start3A_262, %dma_start3A_263] : memref<10240x16xf32, #tpu.memory_space<vmem_shared>> -> memref<10240x16xf32, #tpu.memory_space<vmem_shared>>
      tpu.enqueue_indirect_dma source(%dma_start3A_264 : memref<10240x16xf32, #tpu.memory_space<vmem_shared>>) target(%arg11 : memref<128x16xf32, #tpu.memory_space<vmem>>) offsets(%dma_start3A_261 : memref<128xi32, #tpu.memory_space<vmem>>) semaphore(%arg23 : memref<!tpu.dma_semaphore, #tpu.memory_space<semaphore_mem>>)
      %mul3A_265 = arith.constant 8 : i32
      %mul3A_266 = arith.muli %mul3A_265, %scan3A_167 : i32
      %add3A_267 = arith.constant 3 : i32
      %add3A_268 = arith.addi %mul3A_266, %add3A_267 : i32
      %dma_wait3A_269 = arith.constant 0 : i32
      %dma_wait3A_270 = tpu.memref_slice %arg6[%add3A_268, %dma_wait3A_269] : memref<78x128xi32, #tpu.memory_space<vmem>> -> memref<1x128xi32, #tpu.memory_space<vmem>>
      %dma_wait3A_271 = tpu.memref_squeeze %dma_wait3A_270 : memref<1x128xi32, #tpu.memory_space<vmem>> -> memref<128xi32, #tpu.memory_space<vmem>>
      %dma_wait3A_272 = arith.constant 0 : i32
      %dma_wait3A_273 = arith.constant 0 : i32
      %dma_wait3A_274 = tpu.memref_slice %arg20[%dma_wait3A_272, %dma_wait3A_273] : memref<10240x16xf32, #tpu.memory_space<vmem_shared>> -> memref<10240x16xf32, #tpu.memory_space<vmem_shared>>
      tpu.wait_indirect_dma semaphore(%arg25 : memref<!tpu.dma_semaphore, #tpu.memory_space<semaphore_mem>>) src(%dma_wait3A_274 : memref<10240x16xf32, #tpu.memory_space<vmem_shared>>) dst(%arg13 : memref<128x16xf32, #tpu.memory_space<vmem>>)
      %dma_start3A_275 = arith.constant 0 : i32
      %dma_start3A_276 = tpu.memref_slice %arg7[%add3A_268, %dma_start3A_275] : memref<78x128xi32, #tpu.memory_space<vmem>> -> memref<1x128xi32, #tpu.memory_space<vmem>>
      %dma_start3A_277 = tpu.memref_squeeze %dma_start3A_276 : memref<1x128xi32, #tpu.memory_space<vmem>> -> memref<128xi32, #tpu.memory_space<vmem>>
      %dma_start3A_278 = arith.constant 0 : i32
      %dma_start3A_279 = arith.constant 0 : i32
      %dma_start3A_280 = tpu.memref_slice %arg19[%dma_start3A_278, %dma_start3A_279] : memref<10240x16xf32, #tpu.memory_space<vmem_shared>> -> memref<10240x16xf32, #tpu.memory_space<vmem_shared>>
      tpu.enqueue_indirect_dma source(%arg13 : memref<128x16xf32, #tpu.memory_space<vmem>>) target(%dma_start3A_280 : memref<10240x16xf32, #tpu.memory_space<vmem_shared>>) offsets(%dma_start3A_277 : memref<128xi32, #tpu.memory_space<vmem>>) semaphore(%arg33 : memref<!tpu.dma_semaphore, #tpu.memory_space<semaphore_mem>>) {add = true}
      %sub3A_281 = arith.constant 1 : i32
      %sub3A_282 = arith.subi %add3A_268, %sub3A_281 : i32
      %dma_wait3A_283 = arith.constant 0 : i32
      %dma_wait3A_284 = tpu.memref_slice %arg7[%sub3A_282, %dma_wait3A_283] : memref<78x128xi32, #tpu.memory_space<vmem>> -> memref<1x128xi32, #tpu.memory_space<vmem>>
      %dma_wait3A_285 = tpu.memref_squeeze %dma_wait3A_284 : memref<1x128xi32, #tpu.memory_space<vmem>> -> memref<128xi32, #tpu.memory_space<vmem>>
      %dma_wait3A_286 = arith.constant 0 : i32
      %dma_wait3A_287 = arith.constant 0 : i32
      %dma_wait3A_288 = tpu.memref_slice %arg19[%dma_wait3A_286, %dma_wait3A_287] : memref<10240x16xf32, #tpu.memory_space<vmem_shared>> -> memref<10240x16xf32, #tpu.memory_space<vmem_shared>>
      tpu.wait_indirect_dma semaphore(%arg32 : memref<!tpu.dma_semaphore, #tpu.memory_space<semaphore_mem>>) src(%arg12 : memref<128x16xf32, #tpu.memory_space<vmem>>) dst(%dma_wait3A_288 : memref<10240x16xf32, #tpu.memory_space<vmem_shared>>)
      %add3A_289 = arith.constant 8 : i32
      %add3A_290 = arith.addi %add3A_268, %add3A_289 : i32
      %sub3A_291 = arith.constant 1 : i32
      %sub3A_292 = arith.subi %add3A_290, %sub3A_291 : i32
      %dma_start3A_293 = arith.constant 0 : i32
      %dma_start3A_294 = tpu.memref_slice %arg6[%sub3A_292, %dma_start3A_293] : memref<78x128xi32, #tpu.memory_space<vmem>> -> memref<1x128xi32, #tpu.memory_space<vmem>>
      %dma_start3A_295 = tpu.memref_squeeze %dma_start3A_294 : memref<1x128xi32, #tpu.memory_space<vmem>> -> memref<128xi32, #tpu.memory_space<vmem>>
      %dma_start3A_296 = arith.constant 0 : i32
      %dma_start3A_297 = arith.constant 0 : i32
      %dma_start3A_298 = tpu.memref_slice %arg20[%dma_start3A_296, %dma_start3A_297] : memref<10240x16xf32, #tpu.memory_space<vmem_shared>> -> memref<10240x16xf32, #tpu.memory_space<vmem_shared>>
      tpu.enqueue_indirect_dma source(%dma_start3A_298 : memref<10240x16xf32, #tpu.memory_space<vmem_shared>>) target(%arg12 : memref<128x16xf32, #tpu.memory_space<vmem>>) offsets(%dma_start3A_295 : memref<128xi32, #tpu.memory_space<vmem>>) semaphore(%arg24 : memref<!tpu.dma_semaphore, #tpu.memory_space<semaphore_mem>>)
      %mul3A_299 = arith.constant 8 : i32
      %mul3A_300 = arith.muli %mul3A_299, %scan3A_167 : i32
      %add3A_301 = arith.constant 4 : i32
      %add3A_302 = arith.addi %mul3A_300, %add3A_301 : i32
      %dma_wait3A_303 = arith.constant 0 : i32
      %dma_wait3A_304 = tpu.memref_slice %arg6[%add3A_302, %dma_wait3A_303] : memref<78x128xi32, #tpu.memory_space<vmem>> -> memref<1x128xi32, #tpu.memory_space<vmem>>
      %dma_wait3A_305 = tpu.memref_squeeze %dma_wait3A_304 : memref<1x128xi32, #tpu.memory_space<vmem>> -> memref<128xi32, #tpu.memory_space<vmem>>
      %dma_wait3A_306 = arith.constant 0 : i32
      %dma_wait3A_307 = arith.constant 0 : i32
      %dma_wait3A_308 = tpu.memref_slice %arg20[%dma_wait3A_306, %dma_wait3A_307] : memref<10240x16xf32, #tpu.memory_space<vmem_shared>> -> memref<10240x16xf32, #tpu.memory_space<vmem_shared>>
      tpu.wait_indirect_dma semaphore(%arg26 : memref<!tpu.dma_semaphore, #tpu.memory_space<semaphore_mem>>) src(%dma_wait3A_308 : memref<10240x16xf32, #tpu.memory_space<vmem_shared>>) dst(%arg14 : memref<128x16xf32, #tpu.memory_space<vmem>>)
      %dma_start3A_309 = arith.constant 0 : i32
      %dma_start3A_310 = tpu.memref_slice %arg7[%add3A_302, %dma_start3A_309] : memref<78x128xi32, #tpu.memory_space<vmem>> -> memref<1x128xi32, #tpu.memory_space<vmem>>
      %dma_start3A_311 = tpu.memref_squeeze %dma_start3A_310 : memref<1x128xi32, #tpu.memory_space<vmem>> -> memref<128xi32, #tpu.memory_space<vmem>>
      %dma_start3A_312 = arith.constant 0 : i32
      %dma_start3A_313 = arith.constant 0 : i32
      %dma_start3A_314 = tpu.memref_slice %arg19[%dma_start3A_312, %dma_start3A_313] : memref<10240x16xf32, #tpu.memory_space<vmem_shared>> -> memref<10240x16xf32, #tpu.memory_space<vmem_shared>>
      tpu.enqueue_indirect_dma source(%arg14 : memref<128x16xf32, #tpu.memory_space<vmem>>) target(%dma_start3A_314 : memref<10240x16xf32, #tpu.memory_space<vmem_shared>>) offsets(%dma_start3A_311 : memref<128xi32, #tpu.memory_space<vmem>>) semaphore(%arg34 : memref<!tpu.dma_semaphore, #tpu.memory_space<semaphore_mem>>) {add = true}
      %sub3A_315 = arith.constant 1 : i32
      %sub3A_316 = arith.subi %add3A_302, %sub3A_315 : i32
      %dma_wait3A_317 = arith.constant 0 : i32
      %dma_wait3A_318 = tpu.memref_slice %arg7[%sub3A_316, %dma_wait3A_317] : memref<78x128xi32, #tpu.memory_space<vmem>> -> memref<1x128xi32, #tpu.memory_space<vmem>>
      %dma_wait3A_319 = tpu.memref_squeeze %dma_wait3A_318 : memref<1x128xi32, #tpu.memory_space<vmem>> -> memref<128xi32, #tpu.memory_space<vmem>>
      %dma_wait3A_320 = arith.constant 0 : i32
      %dma_wait3A_321 = arith.constant 0 : i32
      %dma_wait3A_322 = tpu.memref_slice %arg19[%dma_wait3A_320, %dma_wait3A_321] : memref<10240x16xf32, #tpu.memory_space<vmem_shared>> -> memref<10240x16xf32, #tpu.memory_space<vmem_shared>>
      tpu.wait_indirect_dma semaphore(%arg33 : memref<!tpu.dma_semaphore, #tpu.memory_space<semaphore_mem>>) src(%arg13 : memref<128x16xf32, #tpu.memory_space<vmem>>) dst(%dma_wait3A_322 : memref<10240x16xf32, #tpu.memory_space<vmem_shared>>)
      %add3A_323 = arith.constant 8 : i32
      %add3A_324 = arith.addi %add3A_302, %add3A_323 : i32
      %sub3A_325 = arith.constant 1 : i32
      %sub3A_326 = arith.subi %add3A_324, %sub3A_325 : i32
      %dma_start3A_327 = arith.constant 0 : i32
      %dma_start3A_328 = tpu.memref_slice %arg6[%sub3A_326, %dma_start3A_327] : memref<78x128xi32, #tpu.memory_space<vmem>> -> memref<1x128xi32, #tpu.memory_space<vmem>>
      %dma_start3A_329 = tpu.memref_squeeze %dma_start3A_328 : memref<1x128xi32, #tpu.memory_space<vmem>> -> memref<128xi32, #tpu.memory_space<vmem>>
      %dma_start3A_330 = arith.constant 0 : i32
      %dma_start3A_331 = arith.constant 0 : i32
      %dma_start3A_332 = tpu.memref_slice %arg20[%dma_start3A_330, %dma_start3A_331] : memref<10240x16xf32, #tpu.memory_space<vmem_shared>> -> memref<10240x16xf32, #tpu.memory_space<vmem_shared>>
      tpu.enqueue_indirect_dma source(%dma_start3A_332 : memref<10240x16xf32, #tpu.memory_space<vmem_shared>>) target(%arg13 : memref<128x16xf32, #tpu.memory_space<vmem>>) offsets(%dma_start3A_329 : memref<128xi32, #tpu.memory_space<vmem>>) semaphore(%arg25 : memref<!tpu.dma_semaphore, #tpu.memory_space<semaphore_mem>>)
      %mul3A_333 = arith.constant 8 : i32
      %mul3A_334 = arith.muli %mul3A_333, %scan3A_167 : i32
      %add3A_335 = arith.constant 5 : i32
      %add3A_336 = arith.addi %mul3A_334, %add3A_335 : i32
      %dma_wait3A_337 = arith.constant 0 : i32
      %dma_wait3A_338 = tpu.memref_slice %arg6[%add3A_336, %dma_wait3A_337] : memref<78x128xi32, #tpu.memory_space<vmem>> -> memref<1x128xi32, #tpu.memory_space<vmem>>
      %dma_wait3A_339 = tpu.memref_squeeze %dma_wait3A_338 : memref<1x128xi32, #tpu.memory_space<vmem>> -> memref<128xi32, #tpu.memory_space<vmem>>
      %dma_wait3A_340 = arith.constant 0 : i32
      %dma_wait3A_341 = arith.constant 0 : i32
      %dma_wait3A_342 = tpu.memref_slice %arg20[%dma_wait3A_340, %dma_wait3A_341] : memref<10240x16xf32, #tpu.memory_space<vmem_shared>> -> memref<10240x16xf32, #tpu.memory_space<vmem_shared>>
      tpu.wait_indirect_dma semaphore(%arg27 : memref<!tpu.dma_semaphore, #tpu.memory_space<semaphore_mem>>) src(%dma_wait3A_342 : memref<10240x16xf32, #tpu.memory_space<vmem_shared>>) dst(%arg15 : memref<128x16xf32, #tpu.memory_space<vmem>>)
      %dma_start3A_343 = arith.constant 0 : i32
      %dma_start3A_344 = tpu.memref_slice %arg7[%add3A_336, %dma_start3A_343] : memref<78x128xi32, #tpu.memory_space<vmem>> -> memref<1x128xi32, #tpu.memory_space<vmem>>
      %dma_start3A_345 = tpu.memref_squeeze %dma_start3A_344 : memref<1x128xi32, #tpu.memory_space<vmem>> -> memref<128xi32, #tpu.memory_space<vmem>>
      %dma_start3A_346 = arith.constant 0 : i32
      %dma_start3A_347 = arith.constant 0 : i32
      %dma_start3A_348 = tpu.memref_slice %arg19[%dma_start3A_346, %dma_start3A_347] : memref<10240x16xf32, #tpu.memory_space<vmem_shared>> -> memref<10240x16xf32, #tpu.memory_space<vmem_shared>>
      tpu.enqueue_indirect_dma source(%arg15 : memref<128x16xf32, #tpu.memory_space<vmem>>) target(%dma_start3A_348 : memref<10240x16xf32, #tpu.memory_space<vmem_shared>>) offsets(%dma_start3A_345 : memref<128xi32, #tpu.memory_space<vmem>>) semaphore(%arg35 : memref<!tpu.dma_semaphore, #tpu.memory_space<semaphore_mem>>) {add = true}
      %sub3A_349 = arith.constant 1 : i32
      %sub3A_350 = arith.subi %add3A_336, %sub3A_349 : i32
      %dma_wait3A_351 = arith.constant 0 : i32
      %dma_wait3A_352 = tpu.memref_slice %arg7[%sub3A_350, %dma_wait3A_351] : memref<78x128xi32, #tpu.memory_space<vmem>> -> memref<1x128xi32, #tpu.memory_space<vmem>>
      %dma_wait3A_353 = tpu.memref_squeeze %dma_wait3A_352 : memref<1x128xi32, #tpu.memory_space<vmem>> -> memref<128xi32, #tpu.memory_space<vmem>>
      %dma_wait3A_354 = arith.constant 0 : i32
      %dma_wait3A_355 = arith.constant 0 : i32
      %dma_wait3A_356 = tpu.memref_slice %arg19[%dma_wait3A_354, %dma_wait3A_355] : memref<10240x16xf32, #tpu.memory_space<vmem_shared>> -> memref<10240x16xf32, #tpu.memory_space<vmem_shared>>
      tpu.wait_indirect_dma semaphore(%arg34 : memref<!tpu.dma_semaphore, #tpu.memory_space<semaphore_mem>>) src(%arg14 : memref<128x16xf32, #tpu.memory_space<vmem>>) dst(%dma_wait3A_356 : memref<10240x16xf32, #tpu.memory_space<vmem_shared>>)
      %add3A_357 = arith.constant 8 : i32
      %add3A_358 = arith.addi %add3A_336, %add3A_357 : i32
      %sub3A_359 = arith.constant 1 : i32
      %sub3A_360 = arith.subi %add3A_358, %sub3A_359 : i32
      %dma_start3A_361 = arith.constant 0 : i32
      %dma_start3A_362 = tpu.memref_slice %arg6[%sub3A_360, %dma_start3A_361] : memref<78x128xi32, #tpu.memory_space<vmem>> -> memref<1x128xi32, #tpu.memory_space<vmem>>
      %dma_start3A_363 = tpu.memref_squeeze %dma_start3A_362 : memref<1x128xi32, #tpu.memory_space<vmem>> -> memref<128xi32, #tpu.memory_space<vmem>>
      %dma_start3A_364 = arith.constant 0 : i32
      %dma_start3A_365 = arith.constant 0 : i32
      %dma_start3A_366 = tpu.memref_slice %arg20[%dma_start3A_364, %dma_start3A_365] : memref<10240x16xf32, #tpu.memory_space<vmem_shared>> -> memref<10240x16xf32, #tpu.memory_space<vmem_shared>>
      tpu.enqueue_indirect_dma source(%dma_start3A_366 : memref<10240x16xf32, #tpu.memory_space<vmem_shared>>) target(%arg14 : memref<128x16xf32, #tpu.memory_space<vmem>>) offsets(%dma_start3A_363 : memref<128xi32, #tpu.memory_space<vmem>>) semaphore(%arg26 : memref<!tpu.dma_semaphore, #tpu.memory_space<semaphore_mem>>)
      %mul3A_367 = arith.constant 8 : i32
      %mul3A_368 = arith.muli %mul3A_367, %scan3A_167 : i32
      %add3A_369 = arith.constant 6 : i32
      %add3A_370 = arith.addi %mul3A_368, %add3A_369 : i32
      %dma_wait3A_371 = arith.constant 0 : i32
      %dma_wait3A_372 = tpu.memref_slice %arg6[%add3A_370, %dma_wait3A_371] : memref<78x128xi32, #tpu.memory_space<vmem>> -> memref<1x128xi32, #tpu.memory_space<vmem>>
      %dma_wait3A_373 = tpu.memref_squeeze %dma_wait3A_372 : memref<1x128xi32, #tpu.memory_space<vmem>> -> memref<128xi32, #tpu.memory_space<vmem>>
      %dma_wait3A_374 = arith.constant 0 : i32
      %dma_wait3A_375 = arith.constant 0 : i32
      %dma_wait3A_376 = tpu.memref_slice %arg20[%dma_wait3A_374, %dma_wait3A_375] : memref<10240x16xf32, #tpu.memory_space<vmem_shared>> -> memref<10240x16xf32, #tpu.memory_space<vmem_shared>>
      tpu.wait_indirect_dma semaphore(%arg28 : memref<!tpu.dma_semaphore, #tpu.memory_space<semaphore_mem>>) src(%dma_wait3A_376 : memref<10240x16xf32, #tpu.memory_space<vmem_shared>>) dst(%arg16 : memref<128x16xf32, #tpu.memory_space<vmem>>)
      %dma_start3A_377 = arith.constant 0 : i32
      %dma_start3A_378 = tpu.memref_slice %arg7[%add3A_370, %dma_start3A_377] : memref<78x128xi32, #tpu.memory_space<vmem>> -> memref<1x128xi32, #tpu.memory_space<vmem>>
      %dma_start3A_379 = tpu.memref_squeeze %dma_start3A_378 : memref<1x128xi32, #tpu.memory_space<vmem>> -> memref<128xi32, #tpu.memory_space<vmem>>
      %dma_start3A_380 = arith.constant 0 : i32
      %dma_start3A_381 = arith.constant 0 : i32
      %dma_start3A_382 = tpu.memref_slice %arg19[%dma_start3A_380, %dma_start3A_381] : memref<10240x16xf32, #tpu.memory_space<vmem_shared>> -> memref<10240x16xf32, #tpu.memory_space<vmem_shared>>
      tpu.enqueue_indirect_dma source(%arg16 : memref<128x16xf32, #tpu.memory_space<vmem>>) target(%dma_start3A_382 : memref<10240x16xf32, #tpu.memory_space<vmem_shared>>) offsets(%dma_start3A_379 : memref<128xi32, #tpu.memory_space<vmem>>) semaphore(%arg36 : memref<!tpu.dma_semaphore, #tpu.memory_space<semaphore_mem>>) {add = true}
      %sub3A_383 = arith.constant 1 : i32
      %sub3A_384 = arith.subi %add3A_370, %sub3A_383 : i32
      %dma_wait3A_385 = arith.constant 0 : i32
      %dma_wait3A_386 = tpu.memref_slice %arg7[%sub3A_384, %dma_wait3A_385] : memref<78x128xi32, #tpu.memory_space<vmem>> -> memref<1x128xi32, #tpu.memory_space<vmem>>
      %dma_wait3A_387 = tpu.memref_squeeze %dma_wait3A_386 : memref<1x128xi32, #tpu.memory_space<vmem>> -> memref<128xi32, #tpu.memory_space<vmem>>
      %dma_wait3A_388 = arith.constant 0 : i32
      %dma_wait3A_389 = arith.constant 0 : i32
      %dma_wait3A_390 = tpu.memref_slice %arg19[%dma_wait3A_388, %dma_wait3A_389] : memref<10240x16xf32, #tpu.memory_space<vmem_shared>> -> memref<10240x16xf32, #tpu.memory_space<vmem_shared>>
      tpu.wait_indirect_dma semaphore(%arg35 : memref<!tpu.dma_semaphore, #tpu.memory_space<semaphore_mem>>) src(%arg15 : memref<128x16xf32, #tpu.memory_space<vmem>>) dst(%dma_wait3A_390 : memref<10240x16xf32, #tpu.memory_space<vmem_shared>>)
      %add3A_391 = arith.constant 8 : i32
      %add3A_392 = arith.addi %add3A_370, %add3A_391 : i32
      %sub3A_393 = arith.constant 1 : i32
      %sub3A_394 = arith.subi %add3A_392, %sub3A_393 : i32
      %dma_start3A_395 = arith.constant 0 : i32
      %dma_start3A_396 = tpu.memref_slice %arg6[%sub3A_394, %dma_start3A_395] : memref<78x128xi32, #tpu.memory_space<vmem>> -> memref<1x128xi32, #tpu.memory_space<vmem>>
      %dma_start3A_397 = tpu.memref_squeeze %dma_start3A_396 : memref<1x128xi32, #tpu.memory_space<vmem>> -> memref<128xi32, #tpu.memory_space<vmem>>
      %dma_start3A_398 = arith.constant 0 : i32
      %dma_start3A_399 = arith.constant 0 : i32
      %dma_start3A_400 = tpu.memref_slice %arg20[%dma_start3A_398, %dma_start3A_399] : memref<10240x16xf32, #tpu.memory_space<vmem_shared>> -> memref<10240x16xf32, #tpu.memory_space<vmem_shared>>
      tpu.enqueue_indirect_dma source(%dma_start3A_400 : memref<10240x16xf32, #tpu.memory_space<vmem_shared>>) target(%arg15 : memref<128x16xf32, #tpu.memory_space<vmem>>) offsets(%dma_start3A_397 : memref<128xi32, #tpu.memory_space<vmem>>) semaphore(%arg27 : memref<!tpu.dma_semaphore, #tpu.memory_space<semaphore_mem>>)
      %mul3A_401 = arith.constant 8 : i32
      %mul3A_402 = arith.muli %mul3A_401, %scan3A_167 : i32
      %add3A_403 = arith.constant 7 : i32
      %add3A_404 = arith.addi %mul3A_402, %add3A_403 : i32
      %dma_wait3A_405 = arith.constant 0 : i32
      %dma_wait3A_406 = tpu.memref_slice %arg6[%add3A_404, %dma_wait3A_405] : memref<78x128xi32, #tpu.memory_space<vmem>> -> memref<1x128xi32, #tpu.memory_space<vmem>>
      %dma_wait3A_407 = tpu.memref_squeeze %dma_wait3A_406 : memref<1x128xi32, #tpu.memory_space<vmem>> -> memref<128xi32, #tpu.memory_space<vmem>>
      %dma_wait3A_408 = arith.constant 0 : i32
      %dma_wait3A_409 = arith.constant 0 : i32
      %dma_wait3A_410 = tpu.memref_slice %arg20[%dma_wait3A_408, %dma_wait3A_409] : memref<10240x16xf32, #tpu.memory_space<vmem_shared>> -> memref<10240x16xf32, #tpu.memory_space<vmem_shared>>
      tpu.wait_indirect_dma semaphore(%arg29 : memref<!tpu.dma_semaphore, #tpu.memory_space<semaphore_mem>>) src(%dma_wait3A_410 : memref<10240x16xf32, #tpu.memory_space<vmem_shared>>) dst(%arg17 : memref<128x16xf32, #tpu.memory_space<vmem>>)
      %dma_start3A_411 = arith.constant 0 : i32
      %dma_start3A_412 = tpu.memref_slice %arg7[%add3A_404, %dma_start3A_411] : memref<78x128xi32, #tpu.memory_space<vmem>> -> memref<1x128xi32, #tpu.memory_space<vmem>>
      %dma_start3A_413 = tpu.memref_squeeze %dma_start3A_412 : memref<1x128xi32, #tpu.memory_space<vmem>> -> memref<128xi32, #tpu.memory_space<vmem>>
      %dma_start3A_414 = arith.constant 0 : i32
      %dma_start3A_415 = arith.constant 0 : i32
      %dma_start3A_416 = tpu.memref_slice %arg19[%dma_start3A_414, %dma_start3A_415] : memref<10240x16xf32, #tpu.memory_space<vmem_shared>> -> memref<10240x16xf32, #tpu.memory_space<vmem_shared>>
      tpu.enqueue_indirect_dma source(%arg17 : memref<128x16xf32, #tpu.memory_space<vmem>>) target(%dma_start3A_416 : memref<10240x16xf32, #tpu.memory_space<vmem_shared>>) offsets(%dma_start3A_413 : memref<128xi32, #tpu.memory_space<vmem>>) semaphore(%arg37 : memref<!tpu.dma_semaphore, #tpu.memory_space<semaphore_mem>>) {add = true}
      %sub3A_417 = arith.constant 1 : i32
      %sub3A_418 = arith.subi %add3A_404, %sub3A_417 : i32
      %dma_wait3A_419 = arith.constant 0 : i32
      %dma_wait3A_420 = tpu.memref_slice %arg7[%sub3A_418, %dma_wait3A_419] : memref<78x128xi32, #tpu.memory_space<vmem>> -> memref<1x128xi32, #tpu.memory_space<vmem>>
      %dma_wait3A_421 = tpu.memref_squeeze %dma_wait3A_420 : memref<1x128xi32, #tpu.memory_space<vmem>> -> memref<128xi32, #tpu.memory_space<vmem>>
      %dma_wait3A_422 = arith.constant 0 : i32
      %dma_wait3A_423 = arith.constant 0 : i32
      %dma_wait3A_424 = tpu.memref_slice %arg19[%dma_wait3A_422, %dma_wait3A_423] : memref<10240x16xf32, #tpu.memory_space<vmem_shared>> -> memref<10240x16xf32, #tpu.memory_space<vmem_shared>>
      tpu.wait_indirect_dma semaphore(%arg36 : memref<!tpu.dma_semaphore, #tpu.memory_space<semaphore_mem>>) src(%arg16 : memref<128x16xf32, #tpu.memory_space<vmem>>) dst(%dma_wait3A_424 : memref<10240x16xf32, #tpu.memory_space<vmem_shared>>)
      %add3A_425 = arith.constant 8 : i32
      %add3A_426 = arith.addi %add3A_404, %add3A_425 : i32
      %sub3A_427 = arith.constant 1 : i32
      %sub3A_428 = arith.subi %add3A_426, %sub3A_427 : i32
      %lt3A_429 = arith.constant 78 : i32
      %lt3A_430 = arith.cmpi slt, %sub3A_428, %lt3A_429 : i32
      %convert_element_type3A_431 = arith.extui %lt3A_430 : i1 to i32
      %cond3A_432 = arith.constant 0 : i32
      %cond3A_433 = arith.cmpi ne, %convert_element_type3A_431, %cond3A_432 : i32
      scf.if %cond3A_433 {
        %add3A_434 = arith.constant 8 : i32
        %add3A_435 = arith.addi %add3A_404, %add3A_434 : i32
        %sub3A_436 = arith.constant 1 : i32
        %sub3A_437 = arith.subi %add3A_435, %sub3A_436 : i32
        %dma_start3A_438 = arith.constant 0 : i32
        %dma_start3A_439 = tpu.memref_slice %arg6[%sub3A_437, %dma_start3A_438] : memref<78x128xi32, #tpu.memory_space<vmem>> -> memref<1x128xi32, #tpu.memory_space<vmem>>
        %dma_start3A_440 = tpu.memref_squeeze %dma_start3A_439 : memref<1x128xi32, #tpu.memory_space<vmem>> -> memref<128xi32, #tpu.memory_space<vmem>>
        %dma_start3A_441 = arith.constant 0 : i32
        %dma_start3A_442 = arith.constant 0 : i32
        %dma_start3A_443 = tpu.memref_slice %arg20[%dma_start3A_441, %dma_start3A_442] : memref<10240x16xf32, #tpu.memory_space<vmem_shared>> -> memref<10240x16xf32, #tpu.memory_space<vmem_shared>>
        tpu.enqueue_indirect_dma source(%dma_start3A_443 : memref<10240x16xf32, #tpu.memory_space<vmem_shared>>) target(%arg16 : memref<128x16xf32, #tpu.memory_space<vmem>>) offsets(%dma_start3A_440 : memref<128xi32, #tpu.memory_space<vmem>>) semaphore(%arg28 : memref<!tpu.dma_semaphore, #tpu.memory_space<semaphore_mem>>)
      } else {
      }
    }
    %scan3A_104 = arith.constant 9 : i32
    %dma_wait3A_105 = arith.constant 72 : i32
    %dma_wait3A_106 = arith.constant 0 : i32
    %dma_wait3A_107 = tpu.memref_slice %arg6[%dma_wait3A_105, %dma_wait3A_106] : memref<78x128xi32, #tpu.memory_space<vmem>> -> memref<1x128xi32, #tpu.memory_space<vmem>>
    %dma_wait3A_108 = tpu.memref_squeeze %dma_wait3A_107 : memref<1x128xi32, #tpu.memory_space<vmem>> -> memref<128xi32, #tpu.memory_space<vmem>>
    %dma_wait3A_109 = arith.constant 0 : i32
    %dma_wait3A_110 = arith.constant 0 : i32
    %dma_wait3A_111 = tpu.memref_slice %arg20[%dma_wait3A_109, %dma_wait3A_110] : memref<10240x16xf32, #tpu.memory_space<vmem_shared>> -> memref<10240x16xf32, #tpu.memory_space<vmem_shared>>
    tpu.wait_indirect_dma semaphore(%arg22 : memref<!tpu.dma_semaphore, #tpu.memory_space<semaphore_mem>>) src(%dma_wait3A_111 : memref<10240x16xf32, #tpu.memory_space<vmem_shared>>) dst(%arg10 : memref<128x16xf32, #tpu.memory_space<vmem>>)
    %run_scoped3A = arith.constant 72 : i32
    "tpu.region"() ({
      %run_scoped3A_167 = tpu.sem_alloc : memref<!tpu.dma_semaphore, #tpu.memory_space<semaphore_mem>>
      %dma_start3A_168 = arith.constant 0 : i32
      %dma_start3A_169 = tpu.memref_slice %arg7[%run_scoped3A, %dma_start3A_168] : memref<78x128xi32, #tpu.memory_space<vmem>> -> memref<1x128xi32, #tpu.memory_space<vmem>>
      %dma_start3A_170 = tpu.memref_squeeze %dma_start3A_169 : memref<1x128xi32, #tpu.memory_space<vmem>> -> memref<128xi32, #tpu.memory_space<vmem>>
      %dma_start3A_171 = arith.constant 0 : i32
      %dma_start3A_172 = arith.constant 0 : i32
      %dma_start3A_173 = tpu.memref_slice %arg19[%dma_start3A_171, %dma_start3A_172] : memref<10240x16xf32, #tpu.memory_space<vmem_shared>> -> memref<10240x16xf32, #tpu.memory_space<vmem_shared>>
      tpu.enqueue_indirect_dma source(%arg10 : memref<128x16xf32, #tpu.memory_space<vmem>>) target(%dma_start3A_173 : memref<10240x16xf32, #tpu.memory_space<vmem_shared>>) offsets(%dma_start3A_170 : memref<128xi32, #tpu.memory_space<vmem>>) semaphore(%run_scoped3A_167 : memref<!tpu.dma_semaphore, #tpu.memory_space<semaphore_mem>>) {add = true}
      %dma_wait3A_174 = arith.constant 0 : i32
      %dma_wait3A_175 = tpu.memref_slice %arg7[%run_scoped3A, %dma_wait3A_174] : memref<78x128xi32, #tpu.memory_space<vmem>> -> memref<1x128xi32, #tpu.memory_space<vmem>>
      %dma_wait3A_176 = tpu.memref_squeeze %dma_wait3A_175 : memref<1x128xi32, #tpu.memory_space<vmem>> -> memref<128xi32, #tpu.memory_space<vmem>>
      %dma_wait3A_177 = arith.constant 0 : i32
      %dma_wait3A_178 = arith.constant 0 : i32
      %dma_wait3A_179 = tpu.memref_slice %arg19[%dma_wait3A_177, %dma_wait3A_178] : memref<10240x16xf32, #tpu.memory_space<vmem_shared>> -> memref<10240x16xf32, #tpu.memory_space<vmem_shared>>
      tpu.wait_indirect_dma semaphore(%run_scoped3A_167 : memref<!tpu.dma_semaphore, #tpu.memory_space<semaphore_mem>>) src(%arg10 : memref<128x16xf32, #tpu.memory_space<vmem>>) dst(%dma_wait3A_179 : memref<10240x16xf32, #tpu.memory_space<vmem_shared>>)
      tpu.yield
    }) : () -> ()
    %dma_wait3A_112 = arith.constant 73 : i32
    %dma_wait3A_113 = arith.constant 0 : i32
    %dma_wait3A_114 = tpu.memref_slice %arg6[%dma_wait3A_112, %dma_wait3A_113] : memref<78x128xi32, #tpu.memory_space<vmem>> -> memref<1x128xi32, #tpu.memory_space<vmem>>
    %dma_wait3A_115 = tpu.memref_squeeze %dma_wait3A_114 : memref<1x128xi32, #tpu.memory_space<vmem>> -> memref<128xi32, #tpu.memory_space<vmem>>
    %dma_wait3A_116 = arith.constant 0 : i32
    %dma_wait3A_117 = arith.constant 0 : i32
    %dma_wait3A_118 = tpu.memref_slice %arg20[%dma_wait3A_116, %dma_wait3A_117] : memref<10240x16xf32, #tpu.memory_space<vmem_shared>> -> memref<10240x16xf32, #tpu.memory_space<vmem_shared>>
    tpu.wait_indirect_dma semaphore(%arg23 : memref<!tpu.dma_semaphore, #tpu.memory_space<semaphore_mem>>) src(%dma_wait3A_118 : memref<10240x16xf32, #tpu.memory_space<vmem_shared>>) dst(%arg11 : memref<128x16xf32, #tpu.memory_space<vmem>>)
    %run_scoped3A_119 = arith.constant 73 : i32
    "tpu.region"() ({
      %run_scoped3A_167 = tpu.sem_alloc : memref<!tpu.dma_semaphore, #tpu.memory_space<semaphore_mem>>
      %dma_start3A_168 = arith.constant 0 : i32
      %dma_start3A_169 = tpu.memref_slice %arg7[%run_scoped3A_119, %dma_start3A_168] : memref<78x128xi32, #tpu.memory_space<vmem>> -> memref<1x128xi32, #tpu.memory_space<vmem>>
      %dma_start3A_170 = tpu.memref_squeeze %dma_start3A_169 : memref<1x128xi32, #tpu.memory_space<vmem>> -> memref<128xi32, #tpu.memory_space<vmem>>
      %dma_start3A_171 = arith.constant 0 : i32
      %dma_start3A_172 = arith.constant 0 : i32
      %dma_start3A_173 = tpu.memref_slice %arg19[%dma_start3A_171, %dma_start3A_172] : memref<10240x16xf32, #tpu.memory_space<vmem_shared>> -> memref<10240x16xf32, #tpu.memory_space<vmem_shared>>
      tpu.enqueue_indirect_dma source(%arg11 : memref<128x16xf32, #tpu.memory_space<vmem>>) target(%dma_start3A_173 : memref<10240x16xf32, #tpu.memory_space<vmem_shared>>) offsets(%dma_start3A_170 : memref<128xi32, #tpu.memory_space<vmem>>) semaphore(%run_scoped3A_167 : memref<!tpu.dma_semaphore, #tpu.memory_space<semaphore_mem>>) {add = true}
      %dma_wait3A_174 = arith.constant 0 : i32
      %dma_wait3A_175 = tpu.memref_slice %arg7[%run_scoped3A_119, %dma_wait3A_174] : memref<78x128xi32, #tpu.memory_space<vmem>> -> memref<1x128xi32, #tpu.memory_space<vmem>>
      %dma_wait3A_176 = tpu.memref_squeeze %dma_wait3A_175 : memref<1x128xi32, #tpu.memory_space<vmem>> -> memref<128xi32, #tpu.memory_space<vmem>>
      %dma_wait3A_177 = arith.constant 0 : i32
      %dma_wait3A_178 = arith.constant 0 : i32
      %dma_wait3A_179 = tpu.memref_slice %arg19[%dma_wait3A_177, %dma_wait3A_178] : memref<10240x16xf32, #tpu.memory_space<vmem_shared>> -> memref<10240x16xf32, #tpu.memory_space<vmem_shared>>
      tpu.wait_indirect_dma semaphore(%run_scoped3A_167 : memref<!tpu.dma_semaphore, #tpu.memory_space<semaphore_mem>>) src(%arg11 : memref<128x16xf32, #tpu.memory_space<vmem>>) dst(%dma_wait3A_179 : memref<10240x16xf32, #tpu.memory_space<vmem_shared>>)
      tpu.yield
    }) : () -> ()
    %dma_wait3A_120 = arith.constant 74 : i32
    %dma_wait3A_121 = arith.constant 0 : i32
    %dma_wait3A_122 = tpu.memref_slice %arg6[%dma_wait3A_120, %dma_wait3A_121] : memref<78x128xi32, #tpu.memory_space<vmem>> -> memref<1x128xi32, #tpu.memory_space<vmem>>
    %dma_wait3A_123 = tpu.memref_squeeze %dma_wait3A_122 : memref<1x128xi32, #tpu.memory_space<vmem>> -> memref<128xi32, #tpu.memory_space<vmem>>
    %dma_wait3A_124 = arith.constant 0 : i32
    %dma_wait3A_125 = arith.constant 0 : i32
    %dma_wait3A_126 = tpu.memref_slice %arg20[%dma_wait3A_124, %dma_wait3A_125] : memref<10240x16xf32, #tpu.memory_space<vmem_shared>> -> memref<10240x16xf32, #tpu.memory_space<vmem_shared>>
    tpu.wait_indirect_dma semaphore(%arg24 : memref<!tpu.dma_semaphore, #tpu.memory_space<semaphore_mem>>) src(%dma_wait3A_126 : memref<10240x16xf32, #tpu.memory_space<vmem_shared>>) dst(%arg12 : memref<128x16xf32, #tpu.memory_space<vmem>>)
    %run_scoped3A_127 = arith.constant 74 : i32
    "tpu.region"() ({
      %run_scoped3A_167 = tpu.sem_alloc : memref<!tpu.dma_semaphore, #tpu.memory_space<semaphore_mem>>
      %dma_start3A_168 = arith.constant 0 : i32
      %dma_start3A_169 = tpu.memref_slice %arg7[%run_scoped3A_127, %dma_start3A_168] : memref<78x128xi32, #tpu.memory_space<vmem>> -> memref<1x128xi32, #tpu.memory_space<vmem>>
      %dma_start3A_170 = tpu.memref_squeeze %dma_start3A_169 : memref<1x128xi32, #tpu.memory_space<vmem>> -> memref<128xi32, #tpu.memory_space<vmem>>
      %dma_start3A_171 = arith.constant 0 : i32
      %dma_start3A_172 = arith.constant 0 : i32
      %dma_start3A_173 = tpu.memref_slice %arg19[%dma_start3A_171, %dma_start3A_172] : memref<10240x16xf32, #tpu.memory_space<vmem_shared>> -> memref<10240x16xf32, #tpu.memory_space<vmem_shared>>
      tpu.enqueue_indirect_dma source(%arg12 : memref<128x16xf32, #tpu.memory_space<vmem>>) target(%dma_start3A_173 : memref<10240x16xf32, #tpu.memory_space<vmem_shared>>) offsets(%dma_start3A_170 : memref<128xi32, #tpu.memory_space<vmem>>) semaphore(%run_scoped3A_167 : memref<!tpu.dma_semaphore, #tpu.memory_space<semaphore_mem>>) {add = true}
      %dma_wait3A_174 = arith.constant 0 : i32
      %dma_wait3A_175 = tpu.memref_slice %arg7[%run_scoped3A_127, %dma_wait3A_174] : memref<78x128xi32, #tpu.memory_space<vmem>> -> memref<1x128xi32, #tpu.memory_space<vmem>>
      %dma_wait3A_176 = tpu.memref_squeeze %dma_wait3A_175 : memref<1x128xi32, #tpu.memory_space<vmem>> -> memref<128xi32, #tpu.memory_space<vmem>>
      %dma_wait3A_177 = arith.constant 0 : i32
      %dma_wait3A_178 = arith.constant 0 : i32
      %dma_wait3A_179 = tpu.memref_slice %arg19[%dma_wait3A_177, %dma_wait3A_178] : memref<10240x16xf32, #tpu.memory_space<vmem_shared>> -> memref<10240x16xf32, #tpu.memory_space<vmem_shared>>
      tpu.wait_indirect_dma semaphore(%run_scoped3A_167 : memref<!tpu.dma_semaphore, #tpu.memory_space<semaphore_mem>>) src(%arg12 : memref<128x16xf32, #tpu.memory_space<vmem>>) dst(%dma_wait3A_179 : memref<10240x16xf32, #tpu.memory_space<vmem_shared>>)
      tpu.yield
    }) : () -> ()
    %dma_wait3A_128 = arith.constant 75 : i32
    %dma_wait3A_129 = arith.constant 0 : i32
    %dma_wait3A_130 = tpu.memref_slice %arg6[%dma_wait3A_128, %dma_wait3A_129] : memref<78x128xi32, #tpu.memory_space<vmem>> -> memref<1x128xi32, #tpu.memory_space<vmem>>
    %dma_wait3A_131 = tpu.memref_squeeze %dma_wait3A_130 : memref<1x128xi32, #tpu.memory_space<vmem>> -> memref<128xi32, #tpu.memory_space<vmem>>
    %dma_wait3A_132 = arith.constant 0 : i32
    %dma_wait3A_133 = arith.constant 0 : i32
    %dma_wait3A_134 = tpu.memref_slice %arg20[%dma_wait3A_132, %dma_wait3A_133] : memref<10240x16xf32, #tpu.memory_space<vmem_shared>> -> memref<10240x16xf32, #tpu.memory_space<vmem_shared>>
    tpu.wait_indirect_dma semaphore(%arg25 : memref<!tpu.dma_semaphore, #tpu.memory_space<semaphore_mem>>) src(%dma_wait3A_134 : memref<10240x16xf32, #tpu.memory_space<vmem_shared>>) dst(%arg13 : memref<128x16xf32, #tpu.memory_space<vmem>>)
    %run_scoped3A_135 = arith.constant 75 : i32
    "tpu.region"() ({
      %run_scoped3A_167 = tpu.sem_alloc : memref<!tpu.dma_semaphore, #tpu.memory_space<semaphore_mem>>
      %dma_start3A_168 = arith.constant 0 : i32
      %dma_start3A_169 = tpu.memref_slice %arg7[%run_scoped3A_135, %dma_start3A_168] : memref<78x128xi32, #tpu.memory_space<vmem>> -> memref<1x128xi32, #tpu.memory_space<vmem>>
      %dma_start3A_170 = tpu.memref_squeeze %dma_start3A_169 : memref<1x128xi32, #tpu.memory_space<vmem>> -> memref<128xi32, #tpu.memory_space<vmem>>
      %dma_start3A_171 = arith.constant 0 : i32
      %dma_start3A_172 = arith.constant 0 : i32
      %dma_start3A_173 = tpu.memref_slice %arg19[%dma_start3A_171, %dma_start3A_172] : memref<10240x16xf32, #tpu.memory_space<vmem_shared>> -> memref<10240x16xf32, #tpu.memory_space<vmem_shared>>
      tpu.enqueue_indirect_dma source(%arg13 : memref<128x16xf32, #tpu.memory_space<vmem>>) target(%dma_start3A_173 : memref<10240x16xf32, #tpu.memory_space<vmem_shared>>) offsets(%dma_start3A_170 : memref<128xi32, #tpu.memory_space<vmem>>) semaphore(%run_scoped3A_167 : memref<!tpu.dma_semaphore, #tpu.memory_space<semaphore_mem>>) {add = true}
      %dma_wait3A_174 = arith.constant 0 : i32
      %dma_wait3A_175 = tpu.memref_slice %arg7[%run_scoped3A_135, %dma_wait3A_174] : memref<78x128xi32, #tpu.memory_space<vmem>> -> memref<1x128xi32, #tpu.memory_space<vmem>>
      %dma_wait3A_176 = tpu.memref_squeeze %dma_wait3A_175 : memref<1x128xi32, #tpu.memory_space<vmem>> -> memref<128xi32, #tpu.memory_space<vmem>>
      %dma_wait3A_177 = arith.constant 0 : i32
      %dma_wait3A_178 = arith.constant 0 : i32
      %dma_wait3A_179 = tpu.memref_slice %arg19[%dma_wait3A_177, %dma_wait3A_178] : memref<10240x16xf32, #tpu.memory_space<vmem_shared>> -> memref<10240x16xf32, #tpu.memory_space<vmem_shared>>
      tpu.wait_indirect_dma semaphore(%run_scoped3A_167 : memref<!tpu.dma_semaphore, #tpu.memory_space<semaphore_mem>>) src(%arg13 : memref<128x16xf32, #tpu.memory_space<vmem>>) dst(%dma_wait3A_179 : memref<10240x16xf32, #tpu.memory_space<vmem_shared>>)
      tpu.yield
    }) : () -> ()
    %dma_wait3A_136 = arith.constant 76 : i32
    %dma_wait3A_137 = arith.constant 0 : i32
    %dma_wait3A_138 = tpu.memref_slice %arg6[%dma_wait3A_136, %dma_wait3A_137] : memref<78x128xi32, #tpu.memory_space<vmem>> -> memref<1x128xi32, #tpu.memory_space<vmem>>
    %dma_wait3A_139 = tpu.memref_squeeze %dma_wait3A_138 : memref<1x128xi32, #tpu.memory_space<vmem>> -> memref<128xi32, #tpu.memory_space<vmem>>
    %dma_wait3A_140 = arith.constant 0 : i32
    %dma_wait3A_141 = arith.constant 0 : i32
    %dma_wait3A_142 = tpu.memref_slice %arg20[%dma_wait3A_140, %dma_wait3A_141] : memref<10240x16xf32, #tpu.memory_space<vmem_shared>> -> memref<10240x16xf32, #tpu.memory_space<vmem_shared>>
    tpu.wait_indirect_dma semaphore(%arg26 : memref<!tpu.dma_semaphore, #tpu.memory_space<semaphore_mem>>) src(%dma_wait3A_142 : memref<10240x16xf32, #tpu.memory_space<vmem_shared>>) dst(%arg14 : memref<128x16xf32, #tpu.memory_space<vmem>>)
    %run_scoped3A_143 = arith.constant 76 : i32
    "tpu.region"() ({
      %run_scoped3A_167 = tpu.sem_alloc : memref<!tpu.dma_semaphore, #tpu.memory_space<semaphore_mem>>
      %dma_start3A_168 = arith.constant 0 : i32
      %dma_start3A_169 = tpu.memref_slice %arg7[%run_scoped3A_143, %dma_start3A_168] : memref<78x128xi32, #tpu.memory_space<vmem>> -> memref<1x128xi32, #tpu.memory_space<vmem>>
      %dma_start3A_170 = tpu.memref_squeeze %dma_start3A_169 : memref<1x128xi32, #tpu.memory_space<vmem>> -> memref<128xi32, #tpu.memory_space<vmem>>
      %dma_start3A_171 = arith.constant 0 : i32
      %dma_start3A_172 = arith.constant 0 : i32
      %dma_start3A_173 = tpu.memref_slice %arg19[%dma_start3A_171, %dma_start3A_172] : memref<10240x16xf32, #tpu.memory_space<vmem_shared>> -> memref<10240x16xf32, #tpu.memory_space<vmem_shared>>
      tpu.enqueue_indirect_dma source(%arg14 : memref<128x16xf32, #tpu.memory_space<vmem>>) target(%dma_start3A_173 : memref<10240x16xf32, #tpu.memory_space<vmem_shared>>) offsets(%dma_start3A_170 : memref<128xi32, #tpu.memory_space<vmem>>) semaphore(%run_scoped3A_167 : memref<!tpu.dma_semaphore, #tpu.memory_space<semaphore_mem>>) {add = true}
      %dma_wait3A_174 = arith.constant 0 : i32
      %dma_wait3A_175 = tpu.memref_slice %arg7[%run_scoped3A_143, %dma_wait3A_174] : memref<78x128xi32, #tpu.memory_space<vmem>> -> memref<1x128xi32, #tpu.memory_space<vmem>>
      %dma_wait3A_176 = tpu.memref_squeeze %dma_wait3A_175 : memref<1x128xi32, #tpu.memory_space<vmem>> -> memref<128xi32, #tpu.memory_space<vmem>>
      %dma_wait3A_177 = arith.constant 0 : i32
      %dma_wait3A_178 = arith.constant 0 : i32
      %dma_wait3A_179 = tpu.memref_slice %arg19[%dma_wait3A_177, %dma_wait3A_178] : memref<10240x16xf32, #tpu.memory_space<vmem_shared>> -> memref<10240x16xf32, #tpu.memory_space<vmem_shared>>
      tpu.wait_indirect_dma semaphore(%run_scoped3A_167 : memref<!tpu.dma_semaphore, #tpu.memory_space<semaphore_mem>>) src(%arg14 : memref<128x16xf32, #tpu.memory_space<vmem>>) dst(%dma_wait3A_179 : memref<10240x16xf32, #tpu.memory_space<vmem_shared>>)
      tpu.yield
    }) : () -> ()
    %dma_wait3A_144 = arith.constant 77 : i32
    %dma_wait3A_145 = arith.constant 0 : i32
    %dma_wait3A_146 = tpu.memref_slice %arg6[%dma_wait3A_144, %dma_wait3A_145] : memref<78x128xi32, #tpu.memory_space<vmem>> -> memref<1x128xi32, #tpu.memory_space<vmem>>
    %dma_wait3A_147 = tpu.memref_squeeze %dma_wait3A_146 : memref<1x128xi32, #tpu.memory_space<vmem>> -> memref<128xi32, #tpu.memory_space<vmem>>
    %dma_wait3A_148 = arith.constant 0 : i32
    %dma_wait3A_149 = arith.constant 0 : i32
    %dma_wait3A_150 = tpu.memref_slice %arg20[%dma_wait3A_148, %dma_wait3A_149] : memref<10240x16xf32, #tpu.memory_space<vmem_shared>> -> memref<10240x16xf32, #tpu.memory_space<vmem_shared>>
    tpu.wait_indirect_dma semaphore(%arg27 : memref<!tpu.dma_semaphore, #tpu.memory_space<semaphore_mem>>) src(%dma_wait3A_150 : memref<10240x16xf32, #tpu.memory_space<vmem_shared>>) dst(%arg15 : memref<128x16xf32, #tpu.memory_space<vmem>>)
    %run_scoped3A_151 = arith.constant 77 : i32
    "tpu.region"() ({
      %run_scoped3A_167 = tpu.sem_alloc : memref<!tpu.dma_semaphore, #tpu.memory_space<semaphore_mem>>
      %dma_start3A_168 = arith.constant 0 : i32
      %dma_start3A_169 = tpu.memref_slice %arg7[%run_scoped3A_151, %dma_start3A_168] : memref<78x128xi32, #tpu.memory_space<vmem>> -> memref<1x128xi32, #tpu.memory_space<vmem>>
      %dma_start3A_170 = tpu.memref_squeeze %dma_start3A_169 : memref<1x128xi32, #tpu.memory_space<vmem>> -> memref<128xi32, #tpu.memory_space<vmem>>
      %dma_start3A_171 = arith.constant 0 : i32
      %dma_start3A_172 = arith.constant 0 : i32
      %dma_start3A_173 = tpu.memref_slice %arg19[%dma_start3A_171, %dma_start3A_172] : memref<10240x16xf32, #tpu.memory_space<vmem_shared>> -> memref<10240x16xf32, #tpu.memory_space<vmem_shared>>
      tpu.enqueue_indirect_dma source(%arg15 : memref<128x16xf32, #tpu.memory_space<vmem>>) target(%dma_start3A_173 : memref<10240x16xf32, #tpu.memory_space<vmem_shared>>) offsets(%dma_start3A_170 : memref<128xi32, #tpu.memory_space<vmem>>) semaphore(%run_scoped3A_167 : memref<!tpu.dma_semaphore, #tpu.memory_space<semaphore_mem>>) {add = true}
      %dma_wait3A_174 = arith.constant 0 : i32
      %dma_wait3A_175 = tpu.memref_slice %arg7[%run_scoped3A_151, %dma_wait3A_174] : memref<78x128xi32, #tpu.memory_space<vmem>> -> memref<1x128xi32, #tpu.memory_space<vmem>>
      %dma_wait3A_176 = tpu.memref_squeeze %dma_wait3A_175 : memref<1x128xi32, #tpu.memory_space<vmem>> -> memref<128xi32, #tpu.memory_space<vmem>>
      %dma_wait3A_177 = arith.constant 0 : i32
      %dma_wait3A_178 = arith.constant 0 : i32
      %dma_wait3A_179 = tpu.memref_slice %arg19[%dma_wait3A_177, %dma_wait3A_178] : memref<10240x16xf32, #tpu.memory_space<vmem_shared>> -> memref<10240x16xf32, #tpu.memory_space<vmem_shared>>
      tpu.wait_indirect_dma semaphore(%run_scoped3A_167 : memref<!tpu.dma_semaphore, #tpu.memory_space<semaphore_mem>>) src(%arg15 : memref<128x16xf32, #tpu.memory_space<vmem>>) dst(%dma_wait3A_179 : memref<10240x16xf32, #tpu.memory_space<vmem_shared>>)
      tpu.yield
    }) : () -> ()
    %dma_wait3A_152 = arith.constant 71 : i32
    %dma_wait3A_153 = arith.constant 0 : i32
    %dma_wait3A_154 = tpu.memref_slice %arg7[%dma_wait3A_152, %dma_wait3A_153] : memref<78x128xi32, #tpu.memory_space<vmem>> -> memref<1x128xi32, #tpu.memory_space<vmem>>
    %dma_wait3A_155 = tpu.memref_squeeze %dma_wait3A_154 : memref<1x128xi32, #tpu.memory_space<vmem>> -> memref<128xi32, #tpu.memory_space<vmem>>
    %dma_wait3A_156 = arith.constant 0 : i32
    %dma_wait3A_157 = arith.constant 0 : i32
    %dma_wait3A_158 = tpu.memref_slice %arg19[%dma_wait3A_156, %dma_wait3A_157] : memref<10240x16xf32, #tpu.memory_space<vmem_shared>> -> memref<10240x16xf32, #tpu.memory_space<vmem_shared>>
    tpu.wait_indirect_dma semaphore(%arg37 : memref<!tpu.dma_semaphore, #tpu.memory_space<semaphore_mem>>) src(%arg17 : memref<128x16xf32, #tpu.memory_space<vmem>>) dst(%dma_wait3A_158 : memref<10240x16xf32, #tpu.memory_space<vmem_shared>>)
    %lt3A_159 = arith.constant 4 : i32
    %lt3A_160 = arith.cmpi slt, %add3A, %lt3A_159 : i32
    %convert_element_type3A_161 = arith.extui %lt3A_160 : i1 to i32
    %cond3A_162 = arith.constant 0 : i32
    %cond3A_163 = arith.cmpi ne, %convert_element_type3A_161, %cond3A_162 : i32
    scf.if %cond3A_163 {
      %add3A_167 = arith.constant 2496 : i32
      %add3A_168 = arith.addi %add3A_167, %add3A : i32
      "tpu.region"() ({
        %run_scoped3A_177 = tpu.sem_alloc : memref<!tpu.dma_semaphore, #tpu.memory_space<semaphore_mem>>
        %dma_start3A_178 = arith.constant 0 : i32
        %dma_start3A_179 = tpu.memref_slice %arg3[%add3A_168, %dma_start3A_178] : memref<2500x128xi32, #tpu.memory_space<hbm>> -> memref<1x128xi32, #tpu.memory_space<hbm>>
        %dma_start3A_180 = tpu.memref_squeeze %dma_start3A_179 : memref<1x128xi32, #tpu.memory_space<hbm>> -> memref<128xi32, #tpu.memory_space<hbm>>
        %dma_start3A_181 = arith.constant 0 : i32
        %dma_start3A_182 = tpu.memref_slice %arg3[%add3A_168, %dma_start3A_181] : memref<2500x128xi32, #tpu.memory_space<hbm>> -> memref<1x128xi32, #tpu.memory_space<hbm>>
        %dma_start3A_183 = tpu.memref_squeeze %dma_start3A_182 : memref<1x128xi32, #tpu.memory_space<hbm>> -> memref<128xi32, #tpu.memory_space<hbm>>
        tpu.enqueue_dma source(%dma_start3A_183 : memref<128xi32, #tpu.memory_space<hbm>>) target(%arg8 : memref<128xi32, #tpu.memory_space<vmem>>) target_semaphore(%run_scoped3A_177 : memref<!tpu.dma_semaphore, #tpu.memory_space<semaphore_mem>>)
        %dma_wait3A_184 = arith.constant 0 : i32
        %dma_wait3A_185 = tpu.memref_slice %arg3[%add3A_168, %dma_wait3A_184] : memref<2500x128xi32, #tpu.memory_space<hbm>> -> memref<1x128xi32, #tpu.memory_space<hbm>>
        %dma_wait3A_186 = tpu.memref_squeeze %dma_wait3A_185 : memref<1x128xi32, #tpu.memory_space<hbm>> -> memref<128xi32, #tpu.memory_space<hbm>>
        %dma_wait3A_187 = arith.constant 0 : i32
        %dma_wait3A_188 = tpu.memref_slice %arg3[%add3A_168, %dma_wait3A_187] : memref<2500x128xi32, #tpu.memory_space<hbm>> -> memref<1x128xi32, #tpu.memory_space<hbm>>
        %dma_wait3A_189 = tpu.memref_squeeze %dma_wait3A_188 : memref<1x128xi32, #tpu.memory_space<hbm>> -> memref<128xi32, #tpu.memory_space<hbm>>
        tpu.wait_dma2 semaphore(%run_scoped3A_177 : memref<!tpu.dma_semaphore, #tpu.memory_space<semaphore_mem>>) src(%dma_wait3A_189 : memref<128xi32, #tpu.memory_space<hbm>>) dst(%arg8 : memref<128xi32, #tpu.memory_space<vmem>>)
        tpu.yield
      }) : () -> ()
      %add3A_169 = arith.constant 2496 : i32
      %add3A_170 = arith.addi %add3A_169, %add3A : i32
      "tpu.region"() ({
        %run_scoped3A_177 = tpu.sem_alloc : memref<!tpu.dma_semaphore, #tpu.memory_space<semaphore_mem>>
        %dma_start3A_178 = arith.constant 0 : i32
        %dma_start3A_179 = tpu.memref_slice %arg4[%add3A_170, %dma_start3A_178] : memref<2500x128xi32, #tpu.memory_space<hbm>> -> memref<1x128xi32, #tpu.memory_space<hbm>>
        %dma_start3A_180 = tpu.memref_squeeze %dma_start3A_179 : memref<1x128xi32, #tpu.memory_space<hbm>> -> memref<128xi32, #tpu.memory_space<hbm>>
        %dma_start3A_181 = arith.constant 0 : i32
        %dma_start3A_182 = tpu.memref_slice %arg4[%add3A_170, %dma_start3A_181] : memref<2500x128xi32, #tpu.memory_space<hbm>> -> memref<1x128xi32, #tpu.memory_space<hbm>>
        %dma_start3A_183 = tpu.memref_squeeze %dma_start3A_182 : memref<1x128xi32, #tpu.memory_space<hbm>> -> memref<128xi32, #tpu.memory_space<hbm>>
        tpu.enqueue_dma source(%dma_start3A_183 : memref<128xi32, #tpu.memory_space<hbm>>) target(%arg9 : memref<128xi32, #tpu.memory_space<vmem>>) target_semaphore(%run_scoped3A_177 : memref<!tpu.dma_semaphore, #tpu.memory_space<semaphore_mem>>)
        %dma_wait3A_184 = arith.constant 0 : i32
        %dma_wait3A_185 = tpu.memref_slice %arg4[%add3A_170, %dma_wait3A_184] : memref<2500x128xi32, #tpu.memory_space<hbm>> -> memref<1x128xi32, #tpu.memory_space<hbm>>
        %dma_wait3A_186 = tpu.memref_squeeze %dma_wait3A_185 : memref<1x128xi32, #tpu.memory_space<hbm>> -> memref<128xi32, #tpu.memory_space<hbm>>
        %dma_wait3A_187 = arith.constant 0 : i32
        %dma_wait3A_188 = tpu.memref_slice %arg4[%add3A_170, %dma_wait3A_187] : memref<2500x128xi32, #tpu.memory_space<hbm>> -> memref<1x128xi32, #tpu.memory_space<hbm>>
        %dma_wait3A_189 = tpu.memref_squeeze %dma_wait3A_188 : memref<1x128xi32, #tpu.memory_space<hbm>> -> memref<128xi32, #tpu.memory_space<hbm>>
        tpu.wait_dma2 semaphore(%run_scoped3A_177 : memref<!tpu.dma_semaphore, #tpu.memory_space<semaphore_mem>>) src(%dma_wait3A_189 : memref<128xi32, #tpu.memory_space<hbm>>) dst(%arg9 : memref<128xi32, #tpu.memory_space<vmem>>)
        tpu.yield
      }) : () -> ()
      %dma_start3A_171 = arith.constant 0 : i32
      %dma_start3A_172 = arith.constant 0 : i32
      %dma_start3A_173 = tpu.memref_slice %arg20[%dma_start3A_171, %dma_start3A_172] : memref<10240x16xf32, #tpu.memory_space<vmem_shared>> -> memref<10240x16xf32, #tpu.memory_space<vmem_shared>>
      tpu.enqueue_indirect_dma source(%dma_start3A_173 : memref<10240x16xf32, #tpu.memory_space<vmem_shared>>) target(%arg10 : memref<128x16xf32, #tpu.memory_space<vmem>>) offsets(%arg8 : memref<128xi32, #tpu.memory_space<vmem>>) semaphore(%arg22 : memref<!tpu.dma_semaphore, #tpu.memory_space<semaphore_mem>>)
      %dma_wait3A_174 = arith.constant 0 : i32
      %dma_wait3A_175 = arith.constant 0 : i32
      %dma_wait3A_176 = tpu.memref_slice %arg20[%dma_wait3A_174, %dma_wait3A_175] : memref<10240x16xf32, #tpu.memory_space<vmem_shared>> -> memref<10240x16xf32, #tpu.memory_space<vmem_shared>>
      tpu.wait_indirect_dma semaphore(%arg22 : memref<!tpu.dma_semaphore, #tpu.memory_space<semaphore_mem>>) src(%dma_wait3A_176 : memref<10240x16xf32, #tpu.memory_space<vmem_shared>>) dst(%arg10 : memref<128x16xf32, #tpu.memory_space<vmem>>)
      "tpu.region"() ({
        %run_scoped3A_177 = tpu.sem_alloc : memref<!tpu.dma_semaphore, #tpu.memory_space<semaphore_mem>>
        %dma_start3A_178 = arith.constant 0 : i32
        %dma_start3A_179 = arith.constant 0 : i32
        %dma_start3A_180 = tpu.memref_slice %arg19[%dma_start3A_178, %dma_start3A_179] : memref<10240x16xf32, #tpu.memory_space<vmem_shared>> -> memref<10240x16xf32, #tpu.memory_space<vmem_shared>>
        tpu.enqueue_indirect_dma source(%arg10 : memref<128x16xf32, #tpu.memory_space<vmem>>) target(%dma_start3A_180 : memref<10240x16xf32, #tpu.memory_space<vmem_shared>>) offsets(%arg9 : memref<128xi32, #tpu.memory_space<vmem>>) semaphore(%run_scoped3A_177 : memref<!tpu.dma_semaphore, #tpu.memory_space<semaphore_mem>>) {add = true}
        %dma_wait3A_181 = arith.constant 0 : i32
        %dma_wait3A_182 = arith.constant 0 : i32
        %dma_wait3A_183 = tpu.memref_slice %arg19[%dma_wait3A_181, %dma_wait3A_182] : memref<10240x16xf32, #tpu.memory_space<vmem_shared>> -> memref<10240x16xf32, #tpu.memory_space<vmem_shared>>
        tpu.wait_indirect_dma semaphore(%run_scoped3A_177 : memref<!tpu.dma_semaphore, #tpu.memory_space<semaphore_mem>>) src(%arg10 : memref<128x16xf32, #tpu.memory_space<vmem>>) dst(%dma_wait3A_183 : memref<10240x16xf32, #tpu.memory_space<vmem_shared>>)
        tpu.yield
      }) : () -> ()
    } else {
    }
    %barrier3A_164 = arith.constant 0 : index
    tpu.barrier barrier_id(%barrier3A_164)
    %mul3A_165 = arith.constant 640 : i32
    %mul3A_166 = arith.muli %arg1, %mul3A_165 : i32
    "tpu.region"() ({
      %run_scoped3A_167 = tpu.sem_alloc : memref<!tpu.dma_semaphore, #tpu.memory_space<semaphore_mem>>
      %dma_start3A_168 = arith.constant 0 : i32
      %dma_start3A_169 = tpu.memref_slice %arg5[%arg0, %mul3A_166, %dma_start3A_168] : memref<2x10240x16xf32, #tpu.memory_space<hbm>> -> memref<1x640x16xf32, #tpu.memory_space<hbm>>
      %dma_start3A_170 = tpu.memref_squeeze %dma_start3A_169 : memref<1x640x16xf32, #tpu.memory_space<hbm>> -> memref<640x16xf32, #tpu.memory_space<hbm>>
      %dma_start3A_171 = arith.constant 0 : i32
      %dma_start3A_172 = tpu.memref_slice %arg19[%mul3A_166, %dma_start3A_171] : memref<10240x16xf32, #tpu.memory_space<vmem_shared>> -> memref<640x16xf32, #tpu.memory_space<vmem_shared>>
      tpu.enqueue_dma source(%dma_start3A_172 : memref<640x16xf32, #tpu.memory_space<vmem_shared>>) target(%dma_start3A_170 : memref<640x16xf32, #tpu.memory_space<hbm>>) target_semaphore(%run_scoped3A_167 : memref<!tpu.dma_semaphore, #tpu.memory_space<semaphore_mem>>)
      %dma_wait3A_173 = arith.constant 0 : i32
      %dma_wait3A_174 = tpu.memref_slice %arg5[%arg0, %mul3A_166, %dma_wait3A_173] : memref<2x10240x16xf32, #tpu.memory_space<hbm>> -> memref<1x640x16xf32, #tpu.memory_space<hbm>>
      %dma_wait3A_175 = tpu.memref_squeeze %dma_wait3A_174 : memref<1x640x16xf32, #tpu.memory_space<hbm>> -> memref<640x16xf32, #tpu.memory_space<hbm>>
      %dma_wait3A_176 = arith.constant 0 : i32
      %dma_wait3A_177 = tpu.memref_slice %arg19[%mul3A_166, %dma_wait3A_176] : memref<10240x16xf32, #tpu.memory_space<vmem_shared>> -> memref<640x16xf32, #tpu.memory_space<vmem_shared>>
      tpu.wait_dma2 semaphore(%run_scoped3A_167 : memref<!tpu.dma_semaphore, #tpu.memory_space<semaphore_mem>>) src(%dma_wait3A_177 : memref<640x16xf32, #tpu.memory_space<vmem_shared>>) dst(%dma_wait3A_175 : memref<640x16xf32, #tpu.memory_space<hbm>>)
      tpu.yield
    }) : () -> ()
    return
  }
}

module attributes {stable_mosaic.version = 14 : i64} {
  func.func @_tc1_body(%arg0: memref<10000x128xf32, #tpu.memory_space<vmem>>, %arg1: memref<128x16xf32, #tpu.memory_space<vmem>>, %arg2: memref<2x10240xf32, #tpu.memory_space<vmem>>, %arg3: memref<10000xf32, #tpu.memory_space<vmem>>, %arg4: memref<10000x16xf32, #tpu.memory_space<vmem>>) attributes {dimension_semantics = [], scalar_prefetch = 0 : i64, scratch_operands = 0 : i64, tpu.core_type = #tpu.core_type<tc>} {
    %get3A = arith.constant 0 : index
    %get3A_0 = arith.constant 0 : index
    %get3A_1 = vector.load %arg2[%get3A, %get3A_0] : memref<2x10240xf32, #tpu.memory_space<vmem>>, vector<1x10000xf32>
    %get3A_2 = vector.shape_cast %get3A_1 : vector<1x10000xf32> to vector<10000xf32>
    %add3A = arith.constant 1.000000e+00 : f32
    %add3A_3 = vector.broadcast %add3A : f32 to vector<10000xf32>
    %add3A_4 = arith.addf %add3A_3, %get3A_2 : vector<10000xf32>
    %get3A_5 = arith.constant 1 : index
    %get3A_6 = arith.constant 0 : index
    %get3A_7 = vector.load %arg2[%get3A_5, %get3A_6] : memref<2x10240xf32, #tpu.memory_space<vmem>>, vector<1x10000xf32>
    %get3A_8 = vector.shape_cast %get3A_7 : vector<1x10000xf32> to vector<10000xf32>
    %add3A_9 = arith.addf %add3A_4, %get3A_8 : vector<10000xf32>
    %rsqrt3A = math.rsqrt %add3A_9 : vector<10000xf32>
    %get3A_10 = arith.constant 0 : index
    %get3A_11 = arith.constant 0 : index
    %get3A_12 = vector.load %arg0[%get3A_10, %get3A_11] : memref<10000x128xf32, #tpu.memory_space<vmem>>, vector<10000x128xf32>
    %get3A_13 = arith.constant 0 : index
    %get3A_14 = arith.constant 0 : index
    %get3A_15 = vector.load %arg1[%get3A_13, %get3A_14] : memref<128x16xf32, #tpu.memory_space<vmem>>, vector<128x16xf32>
    %dot_general3A = arith.constant dense<0.000000e+00> : vector<10000x16xf32>
    %dot_general3A_16 = tpu.matmul %get3A_12, %get3A_15, %dot_general3A {dimension_numbers = #tpu.dot_dimension_numbers<[1], [0], [0], [1], [0, 0, 1, 1], [], []>, transpose_lhs_hint = false} : vector<10000x128xf32>, vector<128x16xf32>, vector<10000x16xf32> -> vector<10000x16xf32>
    %swap3A = arith.constant 0 : index
    %swap3A_17 = vector.load %arg3[%swap3A] : memref<10000xf32, #tpu.memory_space<vmem>>, vector<10000xf32>
    tpu.vector_store %arg3[%swap3A], %rsqrt3A {strides = array<i32>} : memref<10000xf32, #tpu.memory_space<vmem>>, vector<10000xf32>,
    %broadcast_in_dim3A = vector.shape_cast %rsqrt3A : vector<10000xf32> to vector<10000x1xf32>
    %mul3A = vector.broadcast %broadcast_in_dim3A : vector<10000x1xf32> to vector<10000x16xf32>
    %mul3A_18 = arith.mulf %dot_general3A_16, %mul3A : vector<10000x16xf32>
    %swap3A_19 = arith.constant 0 : index
    %swap3A_20 = arith.constant 0 : index
    %swap3A_21 = vector.load %arg4[%swap3A_19, %swap3A_20] : memref<10000x16xf32, #tpu.memory_space<vmem>>, vector<10000x16xf32>
    tpu.vector_store %arg4[%swap3A_19, %swap3A_20], %mul3A_18 {strides = array<i32>} : memref<10000x16xf32, #tpu.memory_space<vmem>>, vector<10000x16xf32>,
    return
  }
}

module attributes {stable_mosaic.version = 14 : i64} {
  func.func @_tc2_body(%arg0: memref<10000xf32, #tpu.memory_space<vmem>>, %arg1: memref<10000x16xf32, #tpu.memory_space<vmem>>, %arg2: memref<2x10240x16xf32, #tpu.memory_space<vmem>>, %arg3: memref<16xf32, #tpu.memory_space<vmem>>, %arg4: memref<16x16xf32, #tpu.memory_space<vmem>>, %arg5: memref<10000x16xf32, #tpu.memory_space<vmem>>) attributes {dimension_semantics = [], scalar_prefetch = 0 : i64, scratch_operands = 0 : i64, tpu.core_type = #tpu.core_type<tc>} {
    %get3A = arith.constant 0 : index
    %get3A_0 = vector.load %arg0[%get3A] : memref<10000xf32, #tpu.memory_space<vmem>>, vector<10000xf32>
    %get3A_1 = arith.constant 0 : index
    %get3A_2 = arith.constant 0 : index
    %get3A_3 = arith.constant 0 : index
    %get3A_4 = vector.load %arg2[%get3A_1, %get3A_2, %get3A_3] : memref<2x10240x16xf32, #tpu.memory_space<vmem>>, vector<1x10000x16xf32>
    %get3A_5 = vector.shape_cast %get3A_4 : vector<1x10000x16xf32> to vector<10000x16xf32>
    %get3A_6 = arith.constant 1 : index
    %get3A_7 = arith.constant 0 : index
    %get3A_8 = arith.constant 0 : index
    %get3A_9 = vector.load %arg2[%get3A_6, %get3A_7, %get3A_8] : memref<2x10240x16xf32, #tpu.memory_space<vmem>>, vector<1x10000x16xf32>
    %get3A_10 = vector.shape_cast %get3A_9 : vector<1x10000x16xf32> to vector<10000x16xf32>
    %add3A = arith.addf %get3A_5, %get3A_10 : vector<10000x16xf32>
    %get3A_11 = arith.constant 0 : index
    %get3A_12 = arith.constant 0 : index
    %get3A_13 = vector.load %arg1[%get3A_11, %get3A_12] : memref<10000x16xf32, #tpu.memory_space<vmem>>, vector<10000x16xf32>
    %add3A_14 = arith.addf %add3A, %get3A_13 : vector<10000x16xf32>
    %broadcast_in_dim3A = vector.shape_cast %get3A_0 : vector<10000xf32> to vector<10000x1xf32>
    %mul3A = vector.broadcast %broadcast_in_dim3A : vector<10000x1xf32> to vector<10000x16xf32>
    %mul3A_15 = arith.mulf %add3A_14, %mul3A : vector<10000x16xf32>
    %get3A_16 = arith.constant 0 : index
    %get3A_17 = vector.load %arg3[%get3A_16] : memref<16xf32, #tpu.memory_space<vmem>>, vector<16xf32>
    %broadcast_in_dim3A_18 = vector.shape_cast %get3A_17 : vector<16xf32> to vector<1x16xf32>
    %add3A_19 = vector.broadcast %broadcast_in_dim3A_18 : vector<1x16xf32> to vector<10000x16xf32>
    %add3A_20 = arith.addf %mul3A_15, %add3A_19 : vector<10000x16xf32>
    %max3A = arith.constant 0.000000e+00 : f32
    %max3A_21 = vector.broadcast %max3A : f32 to vector<10000x16xf32>
    %max3A_22 = arith.maximumf %add3A_20, %max3A_21 : vector<10000x16xf32>
    %get3A_23 = arith.constant 0 : index
    %get3A_24 = arith.constant 0 : index
    %get3A_25 = vector.load %arg4[%get3A_23, %get3A_24] : memref<16x16xf32, #tpu.memory_space<vmem>>, vector<16x16xf32>
    %dot_general3A = arith.constant dense<0.000000e+00> : vector<10000x16xf32>
    %dot_general3A_26 = tpu.matmul %max3A_22, %get3A_25, %dot_general3A {dimension_numbers = #tpu.dot_dimension_numbers<[1], [0], [0], [1], [0, 0, 1, 1], [], []>, transpose_lhs_hint = false} : vector<10000x16xf32>, vector<16x16xf32>, vector<10000x16xf32> -> vector<10000x16xf32>
    %broadcast_in_dim3A_27 = vector.shape_cast %get3A_0 : vector<10000xf32> to vector<10000x1xf32>
    %mul3A_28 = vector.broadcast %broadcast_in_dim3A_27 : vector<10000x1xf32> to vector<10000x16xf32>
    %mul3A_29 = arith.mulf %dot_general3A_26, %mul3A_28 : vector<10000x16xf32>
    %swap3A = arith.constant 0 : index
    %swap3A_30 = arith.constant 0 : index
    %swap3A_31 = vector.load %arg5[%swap3A, %swap3A_30] : memref<10000x16xf32, #tpu.memory_space<vmem>>, vector<10000x16xf32>
    tpu.vector_store %arg5[%swap3A, %swap3A_30], %mul3A_29 {strides = array<i32>} : memref<10000x16xf32, #tpu.memory_space<vmem>>, vector<10000x16xf32>,
    return
  }
}

module attributes {stable_mosaic.version = 14 : i64} {
  func.func @_tc3_body(%arg0: memref<10000xf32, #tpu.memory_space<vmem>>, %arg1: memref<10000x16xf32, #tpu.memory_space<vmem>>, %arg2: memref<2x10240x16xf32, #tpu.memory_space<vmem>>, %arg3: memref<16xf32, #tpu.memory_space<vmem>>, %arg4: memref<10000x7xf32, #tpu.memory_space<vmem>>) attributes {dimension_semantics = [], scalar_prefetch = 0 : i64, scratch_operands = 0 : i64, tpu.core_type = #tpu.core_type<tc>} {
    %get3A = arith.constant 0 : index
    %get3A_0 = vector.load %arg0[%get3A] : memref<10000xf32, #tpu.memory_space<vmem>>, vector<10000xf32>
    %get3A_1 = arith.constant 0 : index
    %get3A_2 = arith.constant 0 : index
    %get3A_3 = arith.constant 0 : index
    %get3A_4 = vector.load %arg2[%get3A_1, %get3A_2, %get3A_3] : memref<2x10240x16xf32, #tpu.memory_space<vmem>>, vector<1x10000x16xf32>
    %get3A_5 = vector.shape_cast %get3A_4 : vector<1x10000x16xf32> to vector<10000x16xf32>
    %get3A_6 = arith.constant 1 : index
    %get3A_7 = arith.constant 0 : index
    %get3A_8 = arith.constant 0 : index
    %get3A_9 = vector.load %arg2[%get3A_6, %get3A_7, %get3A_8] : memref<2x10240x16xf32, #tpu.memory_space<vmem>>, vector<1x10000x16xf32>
    %get3A_10 = vector.shape_cast %get3A_9 : vector<1x10000x16xf32> to vector<10000x16xf32>
    %add3A = arith.addf %get3A_5, %get3A_10 : vector<10000x16xf32>
    %get3A_11 = arith.constant 0 : index
    %get3A_12 = arith.constant 0 : index
    %get3A_13 = vector.load %arg1[%get3A_11, %get3A_12] : memref<10000x16xf32, #tpu.memory_space<vmem>>, vector<10000x16xf32>
    %add3A_14 = arith.addf %add3A, %get3A_13 : vector<10000x16xf32>
    %broadcast_in_dim3A = vector.shape_cast %get3A_0 : vector<10000xf32> to vector<10000x1xf32>
    %mul3A = vector.broadcast %broadcast_in_dim3A : vector<10000x1xf32> to vector<10000x16xf32>
    %mul3A_15 = arith.mulf %add3A_14, %mul3A : vector<10000x16xf32>
    %get3A_16 = arith.constant 0 : index
    %get3A_17 = vector.load %arg3[%get3A_16] : memref<16xf32, #tpu.memory_space<vmem>>, vector<16xf32>
    %broadcast_in_dim3A_18 = vector.shape_cast %get3A_17 : vector<16xf32> to vector<1x16xf32>
    %add3A_19 = vector.broadcast %broadcast_in_dim3A_18 : vector<1x16xf32> to vector<10000x16xf32>
    %add3A_20 = arith.addf %mul3A_15, %add3A_19 : vector<10000x16xf32>
    %iota3A = tpu.iota {dimensions = array<i32: 1>} : vector<10000x16xi32>
    %lt3A = arith.constant 7 : i32
    %lt3A_21 = vector.broadcast %lt3A : i32 to vector<10000x16xi32>
    %lt3A_22 = arith.cmpi slt, %iota3A, %lt3A_21 : vector<10000x16xi32>
    %jit3A = arith.constant -1.000000e+30 : f32
    %broadcast_in_dim3A_23 = vector.broadcast %jit3A : f32 to vector<10000x16xf32>
    %select_n3A = arith.select %lt3A_22, %add3A_20, %broadcast_in_dim3A_23 : vector<10000x16xi1>, vector<10000x16xf32>
    %reduce_max3A = arith.constant dense<0xFF800000> : vector<10000xf32>
    %reduce_max3A_24 = vector.multi_reduction <maximumf>, %select_n3A, %reduce_max3A [1] : vector<10000x16xf32> to vector<10000xf32>
    %broadcast_in_dim3A_25 = vector.shape_cast %reduce_max3A_24 : vector<10000xf32> to vector<10000x1xf32>
    %sub3A = vector.broadcast %broadcast_in_dim3A_25 : vector<10000x1xf32> to vector<10000x16xf32>
    %sub3A_26 = arith.subf %select_n3A, %sub3A : vector<10000x16xf32>
    %exp3A = math.exp %sub3A_26 : vector<10000x16xf32>
    %reduce_sum3A = arith.constant dense<0.000000e+00> : vector<10000xf32>
    %reduce_sum3A_27 = vector.multi_reduction <add>, %exp3A, %reduce_sum3A [1] : vector<10000x16xf32> to vector<10000xf32>
    %broadcast_in_dim3A_28 = vector.shape_cast %reduce_sum3A_27 : vector<10000xf32> to vector<10000x1xf32>
    %log3A = math.log %broadcast_in_dim3A_28 : vector<10000x1xf32>
    %sub3A_29 = vector.broadcast %broadcast_in_dim3A_25 : vector<10000x1xf32> to vector<10000x16xf32>
    %sub3A_30 = arith.subf %select_n3A, %sub3A_29 : vector<10000x16xf32>
    %sub3A_31 = vector.broadcast %log3A : vector<10000x1xf32> to vector<10000x16xf32>
    %sub3A_32 = arith.subf %sub3A_30, %sub3A_31 : vector<10000x16xf32>
    %slice3A = vector.extract_strided_slice %sub3A_32 {offsets = [0, 0], sizes = [10000, 7], strides = [1, 1]} : vector<10000x16xf32> to vector<10000x7xf32>
    %swap3A = arith.constant 0 : index
    %swap3A_33 = arith.constant 0 : index
    %swap3A_34 = vector.load %arg4[%swap3A, %swap3A_33] : memref<10000x7xf32, #tpu.memory_space<vmem>>, vector<10000x7xf32>
    tpu.vector_store %arg4[%swap3A, %swap3A_33], %slice3A {strides = array<i32>} : memref<10000x7xf32, #tpu.memory_space<vmem>>, vector<10000x7xf32>,
    return
  }
}

</mosaic_0001>

<sc_bundles>
// kernel: kernel.11.cloned.1.call-start
scs
__scs_entry_jumppad:
0x0: {  	(pc) =	sbr.rel $0x88, $3  }
0x1: {  	(tag) =	ssettag $0x0;
	lr =	simm.s32 $0x1  }
0x2: {  	[smem:$0x3F9B] =	sst lr;
	_ =	strace $0xD0000000  }
0x3: {  	_ = 	snop  }
0x4: {  	_ = 	snop  }
0x5: {  	_ = 	snop  }
0x6: {  	_ = 	snop  }
0x7: {  	_ = 	snop  }
__scs_overlays_trampoline_lowered:
0x8: {  	[smem:$0x3FAA] =	sst s0  }
0x9: {  	[smem:$0x3FAB] =	sst s1  }
0xa: {  	[smem:$0x3FAC] =	sst s2  }
0xb: {  	[smem:$0x3FAD] =	sst s3  }
0xc: {  	[smem:$0x3FAE] =	sst s4  }
0xd: {  	[smem:$0x3FAF] =	sst s5  }
0xe: {  	[smem:$0x3FB0] =	sst s6  }
0xf: {  	[smem:$0x3FB1] =	sst s7  }
0x10: {  	[smem:$0x3FB2] =	sst s8  }
0x11: {  	[smem:$0x3FB3] =	sst s9;
	s0 =	simm.s32 @!p0 $0x0  }
0x12: {  	s1 =	sld [smem:$0x3F99];
	s0 =	simm.s32 @p0 $0x1  }
0x13: {  	[smem:$0x3FB4] =	sst s0;
	s0 =	simm.s32 @!p1 $0x0  }
0x14: {  	s2 =	sld [smem:$0x3F98];
	s0 =	simm.s32 @p1 $0x1  }
0x15: {  	[smem:$0x3FB5] =	sst s0;
	s0 =	simm.s32 @!p2 $0x0  }
0x16: {  	s3 =	sld [smem:$0x3FDB];
	s0 =	simm.s32 @p2 $0x1  }
0x17: {  	s4 =	simm.s32 $0x1BF5;
	[smem:$0x3FB7] =	sst s0  }
0x18: {  	s0 =	sld [smem:$0x3F9A];
	_ =	swait.ge [sflag:s4], $0x0  }
0x19: {  	s7 =	sld [smem:$0x3F9B]  }
0x1a: {  	s8 =	sadd.s32 $0xFFFFE003, lr  }
0x1b: {  	s9 =	sadd.s32 $0xFFFFFEF7, lr;
	s5 =	simm.s32 $0xFFFFFFFF;
	p2 =	slt.u32 s8, $0xFFFFF086  }
0x1c: {  	p1 =	slt.u32 s9, $0xF7A;
	s5 =	simm.s32 @!p2 $0x0  }
0x1d: {  	s5 =	simm.s32 @p1 $0x1;
	p0 =	seq.s32 s7, s2  }
0x1e: {  	s7 =	smul.u32 @!p0 $0xF7A, s2;
	p2 =	seq.s32 @!p0 s5, $0x0  }
0x1f: {  	s9 =	smul.u32 $0xF7A, s1;
	s8 =	simm.s32 @!p0 $0x1BF5;
	p2 =	por !p2, p0  }
0x20: {  	[sflag:s8] =	ssyncset.s32 @!p0 $0xFFFFF086;
	s6 =	sadd.s32 @!p0 s3, s7;
	s7 =	simm.s32 @!p0 $0x108  }
0x21: {  	s3 =	sadd.s32 s3, s9;
	s6 =	sadd.s32 @!p0 $0x88, s6;
	s7 =	simm.s32 @p2 $0x1082  }
0x22: {  	[simem:s7], [sflag:s8] =	dma.local @!p0 [hbm:s6], $0xF7A  }
0x23: {  	s9 =	sor.u32 $0xD0000000, s2;
	s6 =	simm.s32 $0x108;
	_ =	swait.ge @!p0 [sflag:s8], $0x0  }
0x24: {  	s3 =	sadd.s32 $0x88, s3;
	s6 =	simm.s32 @!p1 $0x1082;
	[sflag:s4] =	ssyncset.s32 $0xFFFFF086  }
0x25: {  	[simem:s6], [sflag:s4] =	dma.local [hbm:s3], $0xF7A  }
0x26: {  	[smem:$0x3F9B] =	sst s1;
	(tag) =	ssettag s2;
	_ =	strace s9  }
0x27: {  	s1 =	sld [smem:$0x3FAB]  }
0x28: {  	s2 =	sld [smem:$0x3FAC]  }
0x29: {  	s4 =	sld [smem:$0x3FAE]  }
0x2a: {  	p0 =	seq.s32 s5, $0x0;
	s5 =	sld [smem:$0x3FAF]  }
0x2b: {  	s6 =	sld [smem:$0x3FB0]  }
0x2c: {  	s7 =	sld [smem:$0x3FB1]  }
0x2d: {  	s3 =	simm.s32 $0x108;
	s8 =	sld [smem:$0x3FB2]  }
0x2e: {  	s3 =	simm.s32 @!p0 $0x1082;
	s9 =	sld [smem:$0x3FB3]  }
0x2f: {  	lr =	sadd.s32 s0, s3;
	s0 =	sld [smem:$0x3FAA]  }
0x30: {  	s3 =	sld [smem:$0x3FAD]  }
0x31: {  	[smem:$0x3FB6] =	sst s10  }
0x32: {  	s10 =	sld [smem:$0x3FB4];
	_ =	sdelay $0x3  }
0x33: {  	p0 =	seq.s32 s10, $0x1;
	s10 =	sld [smem:$0x3FB6];
	_ =	sdelay $0x3  }
0x34: {  	[smem:$0x3FB6] =	sst s10  }
0x35: {  	s10 =	sld [smem:$0x3FB5];
	_ =	sdelay $0x3  }
0x36: {  	p1 =	seq.s32 s10, $0x1;
	s10 =	sld [smem:$0x3FB6];
	_ =	sdelay $0x3  }
0x37: {  	[smem:$0x3FB6] =	sst s10  }
0x38: {  	s10 =	sld [smem:$0x3FB7]  }
0x39: {  	_ = 	snop;
	(pc) =	sbr.ind lr, $3  }
0x3a: {  	_ = 	snop  }
0x3b: {  	_ = 	snop  }
0x3c: {  	p2 =	seq.s32 s10, $0x1;
	s10 =	sld [smem:$0x3FB6]  }
0x3d: {  	_ =	shalt  }
0x3e: {  	_ =	shalt  }
0x3f: {  	_ =	shalt  }
0x40: {  	_ =	shalt  }
0x41: {  	_ =	shalt  }
0x42: {  	_ =	shalt  }
0x43: {  	_ =	shalt  }
0x44: {  	_ =	shalt  }
0x45: {  	_ =	shalt  }
0x46: {  	_ =	shalt  }
0x47: {  	_ =	shalt  }
0x48: {  	_ =	shalt  }
0x49: {  	_ =	shalt  }
0x4a: {  	_ =	shalt  }
0x4b: {  	_ =	shalt  }
0x4c: {  	_ =	shalt  }
0x4d: {  	_ =	shalt  }
0x4e: {  	_ =	shalt  }
0x4f: {  	_ =	shalt  }
0x50: {  	_ =	shalt  }
0x51: {  	_ =	shalt  }
0x52: {  	_ =	shalt  }
0x53: {  	_ =	shalt  }
0x54: {  	_ =	shalt  }
0x55: {  	_ =	shalt  }
0x56: {  	_ =	shalt  }
0x57: {  	_ =	shalt  }
0x58: {  	_ =	shalt  }
0x59: {  	_ =	shalt  }
0x5a: {  	_ =	shalt  }
0x5b: {  	_ =	shalt  }
0x5c: {  	_ =	shalt  }
0x5d: {  	_ =	shalt  }
0x5e: {  	_ =	shalt  }
0x5f: {  	_ =	shalt  }
0x60: {  	_ =	shalt  }
0x61: {  	_ =	shalt  }
0x62: {  	_ =	shalt  }
0x63: {  	_ =	shalt  }
0x64: {  	_ =	shalt  }
0x65: {  	_ =	shalt  }
0x66: {  	_ =	shalt  }
0x67: {  	_ =	shalt  }
0x68: {  	_ =	shalt  }
0x69: {  	_ =	shalt  }
0x6a: {  	_ =	shalt  }
0x6b: {  	_ =	shalt  }
0x6c: {  	_ =	shalt  }
0x6d: {  	_ =	shalt  }
0x6e: {  	_ =	shalt  }
0x6f: {  	_ =	shalt  }
0x70: {  	_ =	shalt  }
0x71: {  	_ =	shalt  }
0x72: {  	_ =	shalt  }
0x73: {  	_ =	shalt  }
0x74: {  	_ =	shalt  }
0x75: {  	_ =	shalt  }
0x76: {  	_ =	shalt  }
0x77: {  	_ =	shalt  }
0x78: {  	_ =	shalt  }
0x79: {  	_ =	shalt  }
0x7a: {  	_ =	shalt  }
0x7b: {  	_ =	shalt  }
0x7c: {  	_ =	shalt  }
0x7d: {  	_ =	shalt  }
0x7e: {  	_ =	shalt  }
0x7f: {  	_ =	shalt  }
0x80: {  	_ =	shalt  }
0x81: {  	_ =	shalt  }
0x82: {  	_ =	shalt  }
0x83: {  	_ =	shalt  }
0x84: {  	_ =	shalt  }
0x85: {  	_ =	shalt  }
0x86: {  	_ =	shalt  }
0x87: {  	_ =	shalt  }
.Lfunc_end0:
.L_simem_size_0:
called_computation.1_lowered:
.L_overlay_start_0:
0x88: {  	s2 =	sld [smem:$0x3FD9]  }
0x89: {  	s3 =	sld [smem:$0x3FFE];
	_ =	sdelay $0x1  }
0x8a: {  	s1 =	srdreg.scid  }
0x8b: {  	s0 =	sand.u32 $0x1, s1  }
0x8c: {  	s16 =	sshll.u32 s0, $0xA;
	s2 =	sadd.s32 s3, s2  }
0x8d: {  	s2 =	sadd.s32 s2, s16  }
0x8e: {  	[smem:$0x3FC2] =	sst s2  }
0x8f: {  	_ = 	snop  }
0x90: {  	(tm) =	ssettm $0x1  }
0x91: {  	s17 =	sld [smem:$0x3FFB];
	_ =	sdelay $0x3  }
0x92: {  	_ =	strace s17  }
0x93: {  	s2 =	sld [smem:$0x3FFC];
	_ =	sdelay $0x3  }
0x94: {  	_ =	strace s2  }
0x95: {  	s2 =	sld [smem:$0x3FFD];
	_ =	sdelay $0x3  }
0x96: {  	_ =	strace s2  }
0x97: {  	_ =	strace $0x8FFFFFFF  }
0x98: {  	s18 =	sld [smem:$0x3FDB];
	_ =	sdelay $0x1  }
0x99: {  	s19 =	simm.s32 $_scs_section_size  }
0x9a: {  	s4 =	simm.s32 $_size__tile_overlayer_lowered;
	s5 =	simm.s32 $_tile_overlayer_lowered  }
0x9b: {  	s22 =	simm.s32 $0x1BFF;
	s21 =	sshll.u32 s5, $0x1;
	s2 =	sadd.s32 s19, s18  }
0x9c: {  	s6 =	simm.s32 $0x0;
	s20 =	sshll.u32 s4, $0x1;
	s4 =	sadd.s32 s21, s2  }
0x9d: {  	[timem:s6], [sflag:s22] =	dma.local [hbm:s4], s20  }
0x9e: {  	_ =	swait.ge [sflag:s22], s20  }
0x9f: {  	s3 =	ssub.s32 $0x0, s20;
	[sflag:s22] =	ssyncset.done $0x0  }
0xa0: {  	[sflag:s22] =	ssyncadd.s32 s3;
	_ =	sdelay $0x1  }
0xa1: {  	s23 =	simm.s32 $0x1B8B  }
0xa2: {  	_ =	swait.ge [sflag:s23], $0x1  }
0xa3: {  	[sflag:s23] =	ssyncset.done $0x0  }
0xa4: {  	s25 =	simm.s32 $0x1B8E;
	s24 =	sld [smem:$0x3FFE];
	[sflag:s23] =	ssyncadd.s32 $0xFFFFFFFF  }
0xa5: {  	s26 =	simm.s32 $execute0_lowered;
	[smem:$0x3FD2] =	sst s25  }
0xa6: {  	s4 =	sshll.u32 s26, $0x1;
	_ =	strace $0x80000049;
	[dreg:$0x1] =	wrdreg $0xFFFFFFFF  }
0xa7: {  	s28 =	simm.s32 $_size_execute0_lowered;
	s2 =	sadd.s32 s2, s4;
	[dreg:$0x0] =	wrdreg $0x0  }
0xa8: {  	s4 =	sshll.u32 s28, $0x1;
	[dreg:$0x2] =	wrdreg s2  }
0xa9: {  	[dreg:$0x3] =	wrdreg s4  }
0xaa: {  	[dreg:$0x4] =	wrdreg $0xC0  }
0xab: {  	_ =	task [dreg:s6], $0x5FFFF  }
0xac: {  	[dreg:$0x1] =	wrdreg $0xFFFFFFFF  }
0xad: {  	[dreg:$0x0] =	wrdreg $0x60  }
0xae: {  	[dreg:$0x2] =	wrdreg s24  }
0xaf: {  	[dreg:$0x3] =	wrdreg $0xBF000  }
0xb0: {  	[dreg:$0x4] =	wrdreg $0x97000  }
0xb1: {  	[dreg:$0x5] =	wrdreg $0x9  }
0xb2: {  	_ =	task.clear_ibuf [dreg:s6], $0x6FFFF;
	_ =	strace $0x90000049  }
0xb3: {  	s29 =	simm.s32 $0x9;
	_ =	strace $0x8000004B  }
0xb4: {  	_ =	swait.ge [sflag:s29], $0x1  }
0xb5: {  	[sflag:s29] =	ssyncadd.s32 $0xFFFFFFFF  }
0xb6: {  	_ =	strace $0x9000004B  }
0xb7: {  	_ =	sfence  }
0xb8: {  	s30 =	sld [smem:$0x0];
	_ =	sdelay $0x2  }
0xb9: {  	s31 =	sshll.u32 s1, $0xD;
	s1 =	sshrl.u32 s1, $0x2  }
0xba: {  	s3 =	sand.u32 $0x4000, s31;
	s1 =	sadd.s32 s1, s30  }
0xbb: {  	s0 =	sor.u32 s3, s0;
	s1 =	sshll.u32 s1, $0x11  }
0xbc: {  	s0 =	sor.u32 s1, s0  }
0xbd: {  	s0 =	sadd.s32 $0x8F2B, s0  }
0xbe: {  	[sflag:s0] =	ssyncadd.remote.s32 $0x1  }
0xbf: {  	_ =	sfence.sel $0xFFFF  }
0xc0: {  	[dreg:$0x0] =	wrdreg $0xFFFFFFFF;
	(pc) =	sbr.abs _section_cstart, $3  }
0xc1: {  	[dreg:$0x1] =	wrdreg $0xFFFFFFFF  }
0xc2: {  	_ =	task.clear_ibuf [dreg:s6], $0x2FFFF;
	_ =	strace $0x9FFFFFFF  }
0xc3: {  	(tm) =	ssettm $0x7FFFFFFF  }
tec
execute0_lowered:
.L_overlay_start_1:
0x0: {  	(tag) =	ssettag $0x1  }
0x1: {  	s0 =	rddreg [dreg:$0x0]  }
0x2: {  	s2 =	rddreg [dreg:$0x1]  }
0x3: {  	s3 =	rddreg [dreg:$0x2];
	s23 =	stileid.u32;
	s5 =	simm.s32 $0x0  }
0x4: {  	s4 =	srdreg.scid;
	s28 =	simm.s32 $0x5700;
	s30 =	simm.s32 $0x5F00  }
0x5: {  	s29 =	simm.s32 $0x6F00;
	s31 =	simm.s32 $0x7F00;
	s1 =	smul.u32 $0x2800, s23  }
0x6: {  	[smem:$0x7FF] =	sst s5;
	s4 =	sand.u32 $0x1, s4;
	s7 =	sadd.s32 $0x1600, s0  }
0x7: {  	s11 =	sadd.s32 $0xB400, s0;
	s15 =	smul.u32 $0xA000, s23;
	s16 =	sshll.u32 s23, $0x4  }
0x8: {  	p0 =	seq.s32 s23, $0xF;
	_ =	strace $0x8000004A;
	s6 =	smul.u32 $0x28000, s4  }
0x9: {  	s8 =	sshll.u32 s4, $0x4;
	s4 =	ssub.s32 $0x2, s4;
	s12 =	sshrl.u32 s1, $0x3  }
0xa: {  	s8 =	sor.u32 s23, s8;
	s9 =	sshrl.u32 s4, $0x1;
	s20 =	sadd.s32 s1, s3  }
0xb: {  	s5 =	sadd.s32 s12, s0;
	s6 =	sadd.s32 s1, s6;
	s10 =	smul.u32 $0x4E0, s8  }
0xc: {  	s4 =	ssub.s32 s4, s9;
	s12 =	sadd.s32 $0x25800, s2;
	s9 =	sshrl.u32 s15, $0x2  }
0xd: {  	p1 =	sgt.u32 s8, $0x3;
	s8 =	simm.s32 $0xB;
	s5 =	sadd.s32 $0x15200, s5  }
0xe: {  	s15 =	simm.s32 $0xE;
	s21 =	smax.u32 s4, $0x1;
	[dreg:$0x6] =	wrdreg s5  }
0xf: {  	s6 =	sshrl.u32 s6, $0x3;
	s9 =	sadd.s32 s9, s3;
	[dreg:$0xc] =	wrdreg s21  }
0x10: {  	s4 =	simm.s32 $0x2;
	s13 =	sadd.s32 s7, s10;
	[dreg:$0x8] =	wrdreg s9  }
0x11: {  	s6 =	sadd.s32 s6, s0;
	s14 =	sadd.s32 s11, s10;
	[dreg:$0x4] =	wrdreg s13  }
0x12: {  	s10 =	sadd.s32 s1, s2;
	s0 =	sadd.s32 $0x19D00, s0;
	[dreg:$0x5] =	wrdreg s14  }
0x13: {  	s5 =	sor.u32 $0x9C00, s16;
	s22 =	sadd.s32 $0x800, s9;
	[dreg:$0x7] =	wrdreg s0  }
0x14: {  	s24 =	sadd.s32 $0x1000, s9;
	s25 =	sadd.s32 $0x1800, s9;
	[dreg:$0xd] =	wrdreg s22  }
0x15: {  	s26 =	sadd.s32 $0x2000, s9;
	s1 =	sshrl.u32 @p0 s12, $0x3;
	[dreg:$0xe] =	wrdreg s24  }
0x16: {  	s12 =	simm.s32 $0x6;
	s16 =	simm.s32 $0x8;
	[dreg:$0xf] =	wrdreg s25  }
0x17: {  	s21 =	simm.s32 $0x0;
	s17 =	sadd.s32 s7, s5;
	[dreg:$0x10] =	wrdreg s26  }
0x18: {  	s18 =	sadd.s32 s11, s5;
	s19 =	sadd.s32 $0x1A200, s6;
	[dreg:$0x11] =	wrdreg s1  }
0x19: {  	s1 =	sshrl.u32 @!p0 s10, $0x3;
	s22 =	simm.s32 $0x12;
	s24 =	simm.s32 $0x80  }
0x1a: {  	s0 =	sshrl.u32 s20, $0x3;
	s26 =	simm.s32 $0x4F00;
	s5 =	simm.s32 $0x3  }
0x1b: {  	s6 =	simm.s32 $0xA;
	s7 =	simm.s32 $0x4;
	[dreg:$0x9] =	wrdreg s17  }
.Ltmp0:
0x1c: {  	s10 =	simm.s32 $0x5;
	[dreg:$0xa] =	wrdreg s18;
	(pc) =	sbr.rel .LBB2_1-.Ltmp0, $4  }
0x1d: {  	s11 =	simm.s32 $0xC;
	s13 =	simm.s32 $0xD;
	[dreg:$0xb] =	wrdreg s19  }
0x1e: {  	s14 =	simm.s32 $0x7;
	s20 =	simm.s32 $0x10;
	[dreg:$0x12] =	wrdreg s1  }
0x1f: {  	[dreg:$0x13] =	wrdreg s0;
	s0 =	simm.s32 $0x6700;
	s18 =	simm.s32 $0x7700  }
0x20: {  	v0 =	vimm.f32 $0.0e+00;
	s1 =	simm.s32 $0x8700;
	s17 =	simm.s32 $0xF;
	s19 =	simm.s32 $0x9  }
.LBB2_6:
0x21: {  	_ =	swait.ge [sflag:s4], $0x800  }
0x22: {  	[sflag:s4] =	ssyncset.done $0x0  }
0x23: {  	s9 =	simm.s32 $0x4B00;
	[sflag:s4] =	ssyncadd.s32 $0xFFFFF800  }
0x24: {  	[spmem:s3] =	stream.indirect.scatter.add.f32 [tilespmem:s26], [sflag:$0x12], $0x10, s9, s24, $0xb8;
	[tilespmem:$0xE700] =	vst v63  }
0x25: {  	_ =	swait.ge [sflag:s22], $0x800  }
0x26: {  	[sflag:s22] =	ssyncset.done $0x0  }
0x27: {  	[sflag:s22] =	ssyncadd.s32 $0xFFFFF800  }
0x28: {  	_ =	swait.ge [sflag:s5], $0x800  }
0x29: {  	[sflag:s5] =	ssyncset.done $0x0  }
0x2a: {  	s25 =	simm.s32 $0x4B80;
	[sflag:s5] =	ssyncadd.s32 $0xFFFFF800  }
0x2b: {  	[spmem:s3] =	stream.indirect.scatter.add.f32 [tilespmem:s28], [sflag:$0x12], $0x10, s25, s24, $0xb8;
	[tilespmem:$0xE700] =	vst v63  }
0x2c: {  	_ =	swait.ge [sflag:s22], $0x800  }
0x2d: {  	[sflag:s22] =	ssyncset.done $0x0  }
0x2e: {  	[sflag:s22] =	ssyncadd.s32 $0xFFFFF800  }
0x2f: {  	_ =	swait.ge [sflag:s7], $0x800  }
0x30: {  	[sflag:s7] =	ssyncset.done $0x0  }
0x31: {  	s21 =	simm.s32 $0x4C00;
	[sflag:s7] =	ssyncadd.s32 $0xFFFFF800  }
0x32: {  	[spmem:s3] =	stream.indirect.scatter.add.f32 [tilespmem:s30], [sflag:$0x12], $0x10, s21, s24, $0xb8;
	[tilespmem:$0xE700] =	vst v63  }
0x33: {  	_ =	swait.ge [sflag:s22], $0x800  }
0x34: {  	[sflag:s22] =	ssyncset.done $0x0  }
0x35: {  	[sflag:s22] =	ssyncadd.s32 $0xFFFFF800  }
0x36: {  	_ =	swait.ge [sflag:s10], $0x800  }
0x37: {  	[sflag:s10] =	ssyncset.done $0x0  }
0x38: {  	s23 =	simm.s32 $0x4C80;
	[sflag:s10] =	ssyncadd.s32 $0xFFFFF800  }
0x39: {  	[spmem:s3] =	stream.indirect.scatter.add.f32 [tilespmem:s0], [sflag:$0x12], $0x10, s23, s24, $0xb8;
	[tilespmem:$0xE700] =	vst v63  }
0x3a: {  	_ =	swait.ge [sflag:s22], $0x800  }
0x3b: {  	[sflag:s22] =	ssyncset.done $0x0  }
0x3c: {  	[sflag:s22] =	ssyncadd.s32 $0xFFFFF800  }
0x3d: {  	_ =	swait.ge [sflag:s12], $0x800  }
0x3e: {  	[sflag:s12] =	ssyncset.done $0x0  }
0x3f: {  	s25 =	simm.s32 $0x4D00;
	[sflag:s12] =	ssyncadd.s32 $0xFFFFF800  }
0x40: {  	[spmem:s3] =	stream.indirect.scatter.add.f32 [tilespmem:s29], [sflag:$0x12], $0x10, s25, s24, $0xb8;
	[tilespmem:$0xE700] =	vst v63  }
0x41: {  	_ =	swait.ge [sflag:s22], $0x800  }
0x42: {  	[sflag:s22] =	ssyncset.done $0x0  }
0x43: {  	[sflag:s22] =	ssyncadd.s32 $0xFFFFF800  }
0x44: {  	_ =	swait.ge [sflag:s14], $0x800  }
0x45: {  	[sflag:s14] =	ssyncset.done $0x0  }
0x46: {  	s21 =	simm.s32 $0x4D80;
	[sflag:s14] =	ssyncadd.s32 $0xFFFFF800  }
0x47: {  	[spmem:s3] =	stream.indirect.scatter.add.f32 [tilespmem:s18], [sflag:$0x12], $0x10, s21, s24, $0xb8;
	[tilespmem:$0xE700] =	vst v63  }
0x48: {  	_ =	swait.ge [sflag:s22], $0x800  }
0x49: {  	[sflag:s22] =	ssyncset.done $0x0  }
0x4a: {  	s23 =	simm.s32 $0x11;
	[sflag:s22] =	ssyncadd.s32 $0xFFFFF800  }
0x4b: {  	_ =	swait.ge [sflag:s23], $0x800  }
0x4c: {  	s25 =	simm.s32 @!p1 $0x12;
	s21 =	simm.s32 @!p1 $0x0;
	[sflag:s23] =	ssyncset.done $0x0  }
0x4d: {  	s9 =	rddreg [dreg:$0x9];
	[sflag:s23] =	ssyncadd.s32 $0xFFFFF800;
	s23 =	simm.s32 @!p1 $0x4E00  }
0x4e: {  	[tilespmem:s23], [sflag:$0x12] =	stream.linear.gather @!p1 [hbm4b:s9+s21], $0x80, $0x38;
	[tilespmem:$0xE700] =	vst v63  }
0x4f: {  	_ =	swait.ge @!p1 [sflag:s25], $0x80  }
0x50: {  	[sflag:s25] =	ssyncset.done @!p1 $0x0  }
0x51: {  	s23 =	simm.s32 @!p1 $0x4E80;
	s9 =	rddreg [dreg:$0xa];
	[sflag:s25] =	ssyncadd.s32 @!p1 $0xFFFFFF80  }
0x52: {  	[tilespmem:s23], [sflag:$0x12] =	stream.linear.gather @!p1 [hbm4b:s9+s21], $0x80, $0x38;
	[tilespmem:$0xE700] =	vst v63  }
0x53: {  	_ =	swait.ge @!p1 [sflag:s25], $0x80  }
0x54: {  	s23 =	simm.s32 @!p1 $0x80;
	[sflag:s25] =	ssyncset.done @!p1 $0x0  }
0x55: {  	s21 =	simm.s32 @!p1 $0x4F00;
	s9 =	simm.s32 @!p1 $0x4E00;
	[sflag:s25] =	ssyncadd.s32 @!p1 $0xFFFFFF80  }
0x56: {  	[tilespmem:s21], [sflag:$0x2] =	stream.indirect.gather @!p1 [spmem:s2], $0x10, s9, s23, $0xb8;
	[tilespmem:$0xE700] =	vst v63  }
0x57: {  	s9 =	simm.s32 @!p1 $0x2  }
0x58: {  	_ =	swait.ge @!p1 [sflag:s9], $0x800  }
0x59: {  	[sflag:s9] =	ssyncset.done @!p1 $0x0  }
0x5a: {  	[sflag:s9] =	ssyncadd.s32 @!p1 $0xFFFFF800;
	s9 =	simm.s32 @!p1 $0x4E80  }
0x5b: {  	[spmem:s3] =	stream.indirect.scatter.add.f32 @!p1 [tilespmem:s21], [sflag:$0x12], $0x10, s9, s23, $0xb8;
	[tilespmem:$0xE700] =	vst v63  }
0x5c: {  	_ =	swait.ge @!p1 [sflag:s25], $0x800  }
0x5d: {  	[sflag:s25] =	ssyncset.done @!p1 $0x0  }
0x5e: {  	[sflag:s25] =	ssyncadd.s32 @!p1 $0xFFFFF800  }
0x5f: {  	s23 =	stileid.u32;
	[bflag:$0x0] =	sbarrier.arrive $0xFFFF  }
0x60: {  	s25 =	sshll.u32 s23, $0x6;
	s21 =	rddreg [dreg:$0xb]  }
0x61: {  	s9 =	sor.u32 $0x1C12, s25;
	s25 =	rddreg [dreg:$0x13]  }
0x62: {  	[hbm:s21], [sflag:s9] =	dma.local [spmem:s25], $0x500  }
0x63: {  	_ =	swait.ge [sflag:s22], $0x500  }
0x64: {  	s9 =	rddreg [dreg:$0x14]  }
0x65: {  	s25 =	rddreg [dreg:$0xc];
	s21 =	sadd.s32 $0x1, s9  }
0x66: {  	p2 =	sne.s32 s21, s25  }
.Ltmp1:
0x67: {  	_ = 	snop;
	(pc) =	sbr.rel @!p2 .LBB2_7-.Ltmp1, $3  }
0x68: {  	_ =	sdelay $0x1  }
0x69: {  	[sflag:s22] =	ssyncset.done $0x0  }
0x6a: {  	[sflag:s22] =	ssyncadd.s32 $0xFFFFFB00  }
.LBB2_1:
0x6b: {  	[dreg:$0x14] =	wrdreg s21  }
0x6c: {  	s9 =	simm.s32 $0x0;
	s25 =	rddreg [dreg:$0x4]  }
0x6d: {  	[tilespmem:s9], [sflag:$0x1] =	stream.linear.gather [hbm4b:s25+s9], $0x2700, $0x38;
	[tilespmem:$0xE700] =	vst v63  }
0x6e: {  	s21 =	rddreg [dreg:$0x5];
	s25 =	simm.s32 $0x2700  }
0x6f: {  	[tilespmem:s25], [sflag:$0x1] =	stream.linear.gather [hbm4b:s21+s9], $0x2700, $0x38;
	[tilespmem:$0xE700] =	vst v63  }
0x70: {  	s9 =	rddreg [dreg:$0x7]  }
0x71: {  	s21 =	simm.s32 @p0 $0x1FC1;
	s25 =	rddreg [dreg:$0x11]  }
0x72: {  	[spmem:s25], [sflag:s21] =	dma.local @p0 [hbm:s9], $0x320  }
0x73: {  	s21 =	sshll.u32 @!p0 s23, $0x6;
	s9 =	rddreg [dreg:$0x6]  }
0x74: {  	s21 =	sor.u32 @!p0 $0x1C01, s21;
	s23 =	rddreg [dreg:$0x12]  }
0x75: {  	[spmem:s23], [sflag:s21] =	dma.local @!p0 [hbm:s9], $0x500  }
0x76: {  	s21 =	simm.s32 @!p0 $0x0  }
0x77: {  	s21 =	simm.s32 @p0 $0x0  }
.LBB2_2:
0x78: {  	p2 =	seq.s32 s21, $0x1FC0  }
.Ltmp2:
0x79: {  	_ = 	snop;
	(pc) =	sbr.rel @!p2 .LBB2_2-.Ltmp2, $3  }
0x7a: {  	_ =	sdelay $0x1  }
0x7b: {  	s25 =	sshra.s32 s21, $0x2  }
0x7c: {  	s21 =	sadd.s32 $0x40, s21;
	[tilespmem:s25+$0x8F00] =	vst v0  }
0x7d: {  	s9 =	rddreg [dreg:$0x8];
	s21 =	simm.s32 $0x8F00  }
0x7e: {  	[spmem:s9] =	stream.linear.scatter [tilespmem:s21], [sflag:$0x12], $0x800, $0x38;
	[tilespmem:$0xE700] =	vst v63  }
0x7f: {  	_ =	swait.ge [sflag:s22], $0x800  }
0x80: {  	[sflag:s22] =	ssyncset.done $0x0  }
0x81: {  	s23 =	rddreg [dreg:$0xd];
	[sflag:s22] =	ssyncadd.s32 $0xFFFFF800  }
0x82: {  	[spmem:s23] =	stream.linear.scatter [tilespmem:s21], [sflag:$0x12], $0x800, $0x38;
	[tilespmem:$0xE700] =	vst v63  }
0x83: {  	_ =	swait.ge [sflag:s22], $0x800  }
0x84: {  	[sflag:s22] =	ssyncset.done $0x0  }
0x85: {  	s25 =	rddreg [dreg:$0xe];
	[sflag:s22] =	ssyncadd.s32 $0xFFFFF800  }
0x86: {  	[spmem:s25] =	stream.linear.scatter [tilespmem:s21], [sflag:$0x12], $0x800, $0x38;
	[tilespmem:$0xE700] =	vst v63  }
0x87: {  	_ =	swait.ge [sflag:s22], $0x800  }
0x88: {  	[sflag:s22] =	ssyncset.done $0x0  }
0x89: {  	s23 =	rddreg [dreg:$0xf];
	[sflag:s22] =	ssyncadd.s32 $0xFFFFF800  }
0x8a: {  	[spmem:s23] =	stream.linear.scatter [tilespmem:s21], [sflag:$0x12], $0x800, $0x38;
	[tilespmem:$0xE700] =	vst v63  }
0x8b: {  	_ =	swait.ge [sflag:s22], $0x800  }
0x8c: {  	[sflag:s22] =	ssyncset.done $0x0  }
0x8d: {  	s25 =	rddreg [dreg:$0x10];
	[sflag:s22] =	ssyncadd.s32 $0xFFFFF800  }
0x8e: {  	[spmem:s25] =	stream.linear.scatter [tilespmem:s21], [sflag:$0x12], $0x800, $0x38;
	[tilespmem:$0xE700] =	vst v63  }
0x8f: {  	_ =	swait.ge [sflag:s22], $0x800  }
0x90: {  	[sflag:s22] =	ssyncset.done $0x0  }
0x91: {  	s21 =	simm.s32 $0x1;
	[sflag:s22] =	ssyncadd.s32 $0xFFFFF800  }
0x92: {  	_ =	swait.ge [sflag:s21], $0x2700  }
0x93: {  	[sflag:s21] =	ssyncset.done $0x0  }
0x94: {  	[sflag:s21] =	ssyncadd.s32 $0xFFFFD900  }
0x95: {  	_ =	swait.ge [sflag:s21], $0x2700  }
0x96: {  	[sflag:s21] =	ssyncset.done $0x0  }
0x97: {  	[sflag:s21] =	ssyncadd.s32 $0xFFFFD900;
	s21 =	simm.s32 @p0 $0x1  }
0x98: {  	_ =	swait.ge @p0 [sflag:s21], $0x320  }
0x99: {  	[sflag:s21] =	ssyncset.done @p0 $0x0  }
0x9a: {  	[sflag:s21] =	ssyncadd.s32 @p0 $0xFFFFFCE0;
	s21 =	simm.s32 @!p0 $0x1  }
0x9b: {  	_ =	swait.ge @!p0 [sflag:s21], $0x500  }
0x9c: {  	[sflag:s21] =	ssyncset.done @!p0 $0x0  }
0x9d: {  	[sflag:s21] =	ssyncadd.s32 @!p0 $0xFFFFFB00  }
0x9e: {  	s25 =	simm.s32 $0x0;
	[bflag:$0x0] =	sbarrier.arrive $0xFFFF  }
0x9f: {  	[tilespmem:s26], [sflag:$0x2] =	stream.indirect.gather [spmem:s2], $0x10, s25, s24, $0xb8;
	[tilespmem:$0xE700] =	vst v63  }
0xa0: {  	_ = 	snop  }
0xa1: {  	[tilespmem:s28], [sflag:$0x3] =	stream.indirect.gather [spmem:s2], $0x10, s24, s24, $0xb8;
	[tilespmem:$0xE700] =	vst v63  }
0xa2: {  	s23 =	simm.s32 $0x100  }
0xa3: {  	[tilespmem:s30], [sflag:$0x4] =	stream.indirect.gather [spmem:s2], $0x10, s23, s24, $0xb8;
	[tilespmem:$0xE700] =	vst v63  }
0xa4: {  	s21 =	simm.s32 $0x180  }
0xa5: {  	[tilespmem:s0], [sflag:$0x5] =	stream.indirect.gather [spmem:s2], $0x10, s21, s24, $0xb8;
	[tilespmem:$0xE700] =	vst v63  }
0xa6: {  	s23 =	simm.s32 $0x200  }
0xa7: {  	[tilespmem:s29], [sflag:$0x6] =	stream.indirect.gather [spmem:s2], $0x10, s23, s24, $0xb8;
	[tilespmem:$0xE700] =	vst v63  }
0xa8: {  	s21 =	simm.s32 $0x280  }
0xa9: {  	[tilespmem:s18], [sflag:$0x7] =	stream.indirect.gather [spmem:s2], $0x10, s21, s24, $0xb8;
	[tilespmem:$0xE700] =	vst v63  }
0xaa: {  	s23 =	simm.s32 $0x300  }
0xab: {  	[tilespmem:s31], [sflag:$0x8] =	stream.indirect.gather [spmem:s2], $0x10, s23, s24, $0xb8;
	[tilespmem:$0xE700] =	vst v63  }
.LBB2_4:
0xac: {  	_ =	swait.ge [sflag:s4], $0x800  }
0xad: {  	s21 =	sshra.s32 s25, $0x2;
	[sflag:s4] =	ssyncset.done $0x0  }
0xae: {  	p2 =	seq.s32 s25, $0x0;
	s23 =	sadd.s32 $0x2700, s21;
	[sflag:s4] =	ssyncadd.s32 $0xFFFFF800  }
0xaf: {  	[spmem:s3] =	stream.indirect.scatter.add.f32 [tilespmem:s26], [sflag:$0xA], $0x10, s23, s24, $0xb8;
	[tilespmem:$0xE700] =	vst v63  }
0xb0: {  	s23 =	simm.s32 @!p2 $0x11  }
0xb1: {  	_ =	swait.ge @!p2 [sflag:s23], $0x800  }
0xb2: {  	[sflag:s23] =	ssyncset.done @!p2 $0x0  }
0xb3: {  	s9 =	sadd.s32 $0x380, s21;
	[sflag:s23] =	ssyncadd.s32 @!p2 $0xFFFFF800  }
0xb4: {  	[tilespmem:s1], [sflag:$0x9] =	stream.indirect.gather [spmem:s2], $0x10, s9, s24, $0xb8;
	[tilespmem:$0xE700] =	vst v63  }
0xb5: {  	_ =	swait.ge [sflag:s5], $0x800  }
0xb6: {  	[sflag:s5] =	ssyncset.done $0x0  }
0xb7: {  	s9 =	sadd.s32 $0x2780, s21;
	[sflag:s5] =	ssyncadd.s32 $0xFFFFF800  }
0xb8: {  	[spmem:s3] =	stream.indirect.scatter.add.f32 [tilespmem:s28], [sflag:$0xB], $0x10, s9, s24, $0xb8;
	[tilespmem:$0xE700] =	vst v63  }
0xb9: {  	_ =	swait.ge [sflag:s6], $0x800  }
0xba: {  	[sflag:s6] =	ssyncset.done $0x0  }
0xbb: {  	s9 =	sadd.s32 $0x400, s21;
	[sflag:s6] =	ssyncadd.s32 $0xFFFFF800  }
0xbc: {  	[tilespmem:s26], [sflag:$0x2] =	stream.indirect.gather [spmem:s2], $0x10, s9, s24, $0xb8;
	[tilespmem:$0xE700] =	vst v63  }
0xbd: {  	_ =	swait.ge [sflag:s7], $0x800  }
0xbe: {  	[sflag:s7] =	ssyncset.done $0x0  }
0xbf: {  	s9 =	sadd.s32 $0x2800, s21;
	[sflag:s7] =	ssyncadd.s32 $0xFFFFF800  }
0xc0: {  	[spmem:s3] =	stream.indirect.scatter.add.f32 [tilespmem:s30], [sflag:$0xC], $0x10, s9, s24, $0xb8;
	[tilespmem:$0xE700] =	vst v63  }
0xc1: {  	_ =	swait.ge [sflag:s8], $0x800  }
0xc2: {  	[sflag:s8] =	ssyncset.done $0x0  }
0xc3: {  	s9 =	sadd.s32 $0x480, s21;
	[sflag:s8] =	ssyncadd.s32 $0xFFFFF800  }
0xc4: {  	[tilespmem:s28], [sflag:$0x3] =	stream.indirect.gather [spmem:s2], $0x10, s9, s24, $0xb8;
	[tilespmem:$0xE700] =	vst v63  }
0xc5: {  	_ =	swait.ge [sflag:s10], $0x800  }
0xc6: {  	[sflag:s10] =	ssyncset.done $0x0  }
0xc7: {  	s9 =	sadd.s32 $0x2880, s21;
	[sflag:s10] =	ssyncadd.s32 $0xFFFFF800  }
0xc8: {  	[spmem:s3] =	stream.indirect.scatter.add.f32 [tilespmem:s0], [sflag:$0xD], $0x10, s9, s24, $0xb8;
	[tilespmem:$0xE700] =	vst v63  }
0xc9: {  	_ =	swait.ge [sflag:s11], $0x800  }
0xca: {  	[sflag:s11] =	ssyncset.done $0x0  }
0xcb: {  	s9 =	sadd.s32 $0x500, s21;
	[sflag:s11] =	ssyncadd.s32 $0xFFFFF800  }
0xcc: {  	[tilespmem:s30], [sflag:$0x4] =	stream.indirect.gather [spmem:s2], $0x10, s9, s24, $0xb8;
	[tilespmem:$0xE700] =	vst v63  }
0xcd: {  	_ =	swait.ge [sflag:s12], $0x800  }
0xce: {  	[sflag:s12] =	ssyncset.done $0x0  }
0xcf: {  	s9 =	sadd.s32 $0x2900, s21;
	[sflag:s12] =	ssyncadd.s32 $0xFFFFF800  }
0xd0: {  	[spmem:s3] =	stream.indirect.scatter.add.f32 [tilespmem:s29], [sflag:$0xE], $0x10, s9, s24, $0xb8;
	[tilespmem:$0xE700] =	vst v63  }
0xd1: {  	_ =	swait.ge [sflag:s13], $0x800  }
0xd2: {  	[sflag:s13] =	ssyncset.done $0x0  }
0xd3: {  	s9 =	sadd.s32 $0x580, s21;
	[sflag:s13] =	ssyncadd.s32 $0xFFFFF800  }
0xd4: {  	[tilespmem:s0], [sflag:$0x5] =	stream.indirect.gather [spmem:s2], $0x10, s9, s24, $0xb8;
	[tilespmem:$0xE700] =	vst v63  }
0xd5: {  	_ =	swait.ge [sflag:s14], $0x800  }
0xd6: {  	[sflag:s14] =	ssyncset.done $0x0  }
0xd7: {  	s9 =	sadd.s32 $0x2980, s21;
	[sflag:s14] =	ssyncadd.s32 $0xFFFFF800  }
0xd8: {  	[spmem:s3] =	stream.indirect.scatter.add.f32 [tilespmem:s18], [sflag:$0xF], $0x10, s9, s24, $0xb8;
	[tilespmem:$0xE700] =	vst v63  }
0xd9: {  	_ =	swait.ge [sflag:s15], $0x800  }
0xda: {  	[sflag:s15] =	ssyncset.done $0x0  }
0xdb: {  	s9 =	sadd.s32 $0x600, s21;
	[sflag:s15] =	ssyncadd.s32 $0xFFFFF800  }
0xdc: {  	[tilespmem:s29], [sflag:$0x6] =	stream.indirect.gather [spmem:s2], $0x10, s9, s24, $0xb8;
	[tilespmem:$0xE700] =	vst v63  }
0xdd: {  	_ =	swait.ge [sflag:s16], $0x800  }
0xde: {  	[sflag:s16] =	ssyncset.done $0x0  }
0xdf: {  	s9 =	sadd.s32 $0x2A00, s21;
	[sflag:s16] =	ssyncadd.s32 $0xFFFFF800  }
0xe0: {  	[spmem:s3] =	stream.indirect.scatter.add.f32 [tilespmem:s31], [sflag:$0x10], $0x10, s9, s24, $0xb8;
	[tilespmem:$0xE700] =	vst v63  }
0xe1: {  	_ =	swait.ge [sflag:s17], $0x800  }
0xe2: {  	[sflag:s17] =	ssyncset.done $0x0  }
0xe3: {  	s9 =	sadd.s32 $0x680, s21;
	[sflag:s17] =	ssyncadd.s32 $0xFFFFF800  }
0xe4: {  	[tilespmem:s18], [sflag:$0x7] =	stream.indirect.gather [spmem:s2], $0x10, s9, s24, $0xb8;
	[tilespmem:$0xE700] =	vst v63  }
0xe5: {  	_ =	swait.ge [sflag:s19], $0x800  }
0xe6: {  	p2 =	seq.s32 s25, $0x8000;
	[sflag:s19] =	ssyncset.done $0x0  }
.Ltmp3:
0xe7: {  	s9 =	sadd.s32 $0x2A80, s21;
	[sflag:s19] =	ssyncadd.s32 $0xFFFFF800;
	(pc) =	sbr.rel @p2 .LBB2_6-.Ltmp3, $4  }
0xe8: {  	[spmem:s3] =	stream.indirect.scatter.add.f32 [tilespmem:s1], [sflag:$0x11], $0x10, s9, s24, $0xb8;
	[tilespmem:$0xE700] =	vst v63  }
0xe9: {  	_ =	swait.ge [sflag:s20], $0x800  }
0xea: {  	[sflag:s20] =	ssyncset.done $0x0  }
0xeb: {  	[sflag:s20] =	ssyncadd.s32 $0xFFFFF800  }
.Ltmp4:
0xec: {  	(pc) =	sbr.rel .LBB2_4-.Ltmp4, $3  }
0xed: {  	_ =	sdelay $0x1  }
0xee: {  	s21 =	sadd.s32 $0x700, s21;
	s25 =	sadd.s32 $0x1000, s25  }
0xef: {  	[tilespmem:s31], [sflag:$0x8] =	stream.indirect.gather [spmem:s2], $0x10, s21, s24, $0xb8;
	[tilespmem:$0xE700] =	vst v63  }
.LBB2_7:
0xf0: {  	_ =	sfence.sel $0x180000  }
0xf1: {  	[bflag:$0x0] =	sbarrier.arrive $0xFFFF  }
0xf2: {  	_ =	strace $0x9000004A  }
0xf3: {  	[bflag:$0x2] =	sbarrier.arrive $0xFFFF  }
0xf4: {  	p0 =	sne.s32 s23, $0x0;
	s0 =	rddreg [dreg:$0x3]  }
0xf5: {  	s0 =	sadd.s32 @!p0 $0x100000, s0  }
0xf6: {  	[sflag:s0] =	ssyncadd.tile.s32 @!p0 $0x1;
	_ =	shalt  }
.Lfunc_end2:
_tile_overlayer_lowered:
.L_overlay_start_2:
0xf7: {  	(tag) =	ssettag $0x2  }
0xf8: {  	s0 =	rddreg [dreg:$0x0];
	s2 =	stileid.u32  }
0xf9: {  	s1 =	rddreg [dreg:$0x1];
	p0 =	sne.s32 s2, $0x0  }
0xfa: {  	s3 =	rddreg [dreg:$0x2];
	[bflag:$0x3] =	sbarrier.arrive $0xFFFF;
	s2 =	simm.s32 @!p0 $0x1C12  }
0xfb: {  	[timem:s3], [sflag:s2] =	dma.local @!p0 [hbm:s0], s1  }
0xfc: {  	s0 =	simm.s32 @!p0 $0x12  }
0xfd: {  	_ =	swait.ge @!p0 [sflag:s0], s1  }
0xfe: {  	s1 =	ssub.s32 @!p0 $0x0, s1;
	[sflag:s0] =	ssyncset.done @!p0 $0x0  }
0xff: {  	[sflag:s0] =	ssyncadd.s32 @!p0 s1  }
0x100: {  	[bflag:$0x3] =	sbarrier.arrive $0xFFFF  }
0x101: {  	_ =	shalt  }

// kernel: kernel.14.cloned.1.call-start
scs
__scs_entry_jumppad:
0x0: {  	(pc) =	sbr.rel $0x88, $3  }
0x1: {  	(tag) =	ssettag $0x0;
	lr =	simm.s32 $0x1  }
0x2: {  	[smem:$0x3F9B] =	sst lr;
	_ =	strace $0xD0000000  }
0x3: {  	_ = 	snop  }
0x4: {  	_ = 	snop  }
0x5: {  	_ = 	snop  }
0x6: {  	_ = 	snop  }
0x7: {  	_ = 	snop  }
__scs_overlays_trampoline_lowered:
0x8: {  	[smem:$0x3FAA] =	sst s0  }
0x9: {  	[smem:$0x3FAB] =	sst s1  }
0xa: {  	[smem:$0x3FAC] =	sst s2  }
0xb: {  	[smem:$0x3FAD] =	sst s3  }
0xc: {  	[smem:$0x3FAE] =	sst s4  }
0xd: {  	[smem:$0x3FAF] =	sst s5  }
0xe: {  	[smem:$0x3FB0] =	sst s6  }
0xf: {  	[smem:$0x3FB1] =	sst s7  }
0x10: {  	[smem:$0x3FB2] =	sst s8  }
0x11: {  	[smem:$0x3FB3] =	sst s9;
	s0 =	simm.s32 @!p0 $0x0  }
0x12: {  	s1 =	sld [smem:$0x3F99];
	s0 =	simm.s32 @p0 $0x1  }
0x13: {  	[smem:$0x3FB4] =	sst s0;
	s0 =	simm.s32 @!p1 $0x0  }
0x14: {  	s2 =	sld [smem:$0x3F98];
	s0 =	simm.s32 @p1 $0x1  }
0x15: {  	[smem:$0x3FB5] =	sst s0;
	s0 =	simm.s32 @!p2 $0x0  }
0x16: {  	s3 =	sld [smem:$0x3FDB];
	s0 =	simm.s32 @p2 $0x1  }
0x17: {  	s4 =	simm.s32 $0x1BF5;
	[smem:$0x3FB7] =	sst s0  }
0x18: {  	s0 =	sld [smem:$0x3F9A];
	_ =	swait.ge [sflag:s4], $0x0  }
0x19: {  	s7 =	sld [smem:$0x3F9B]  }
0x1a: {  	s8 =	sadd.s32 $0xFFFFE003, lr  }
0x1b: {  	s9 =	sadd.s32 $0xFFFFFEF7, lr;
	s5 =	simm.s32 $0xFFFFFFFF;
	p2 =	slt.u32 s8, $0xFFFFF086  }
0x1c: {  	p1 =	slt.u32 s9, $0xF7A;
	s5 =	simm.s32 @!p2 $0x0  }
0x1d: {  	s5 =	simm.s32 @p1 $0x1;
	p0 =	seq.s32 s7, s2  }
0x1e: {  	s7 =	smul.u32 @!p0 $0xF7A, s2;
	p2 =	seq.s32 @!p0 s5, $0x0  }
0x1f: {  	s9 =	smul.u32 $0xF7A, s1;
	s8 =	simm.s32 @!p0 $0x1BF5;
	p2 =	por !p2, p0  }
0x20: {  	[sflag:s8] =	ssyncset.s32 @!p0 $0xFFFFF086;
	s6 =	sadd.s32 @!p0 s3, s7;
	s7 =	simm.s32 @!p0 $0x108  }
0x21: {  	s3 =	sadd.s32 s3, s9;
	s6 =	sadd.s32 @!p0 $0x88, s6;
	s7 =	simm.s32 @p2 $0x1082  }
0x22: {  	[simem:s7], [sflag:s8] =	dma.local @!p0 [hbm:s6], $0xF7A  }
0x23: {  	s9 =	sor.u32 $0xD0000000, s2;
	s6 =	simm.s32 $0x108;
	_ =	swait.ge @!p0 [sflag:s8], $0x0  }
0x24: {  	s3 =	sadd.s32 $0x88, s3;
	s6 =	simm.s32 @!p1 $0x1082;
	[sflag:s4] =	ssyncset.s32 $0xFFFFF086  }
0x25: {  	[simem:s6], [sflag:s4] =	dma.local [hbm:s3], $0xF7A  }
0x26: {  	[smem:$0x3F9B] =	sst s1;
	(tag) =	ssettag s2;
	_ =	strace s9  }
0x27: {  	s1 =	sld [smem:$0x3FAB]  }
0x28: {  	s2 =	sld [smem:$0x3FAC]  }
0x29: {  	s4 =	sld [smem:$0x3FAE]  }
0x2a: {  	p0 =	seq.s32 s5, $0x0;
	s5 =	sld [smem:$0x3FAF]  }
0x2b: {  	s6 =	sld [smem:$0x3FB0]  }
0x2c: {  	s7 =	sld [smem:$0x3FB1]  }
0x2d: {  	s3 =	simm.s32 $0x108;
	s8 =	sld [smem:$0x3FB2]  }
0x2e: {  	s3 =	simm.s32 @!p0 $0x1082;
	s9 =	sld [smem:$0x3FB3]  }
0x2f: {  	lr =	sadd.s32 s0, s3;
	s0 =	sld [smem:$0x3FAA]  }
0x30: {  	s3 =	sld [smem:$0x3FAD]  }
0x31: {  	[smem:$0x3FB6] =	sst s10  }
0x32: {  	s10 =	sld [smem:$0x3FB4];
	_ =	sdelay $0x3  }
0x33: {  	p0 =	seq.s32 s10, $0x1;
	s10 =	sld [smem:$0x3FB6];
	_ =	sdelay $0x3  }
0x34: {  	[smem:$0x3FB6] =	sst s10  }
0x35: {  	s10 =	sld [smem:$0x3FB5];
	_ =	sdelay $0x3  }
0x36: {  	p1 =	seq.s32 s10, $0x1;
	s10 =	sld [smem:$0x3FB6];
	_ =	sdelay $0x3  }
0x37: {  	[smem:$0x3FB6] =	sst s10  }
0x38: {  	s10 =	sld [smem:$0x3FB7]  }
0x39: {  	_ = 	snop;
	(pc) =	sbr.ind lr, $3  }
0x3a: {  	_ = 	snop  }
0x3b: {  	_ = 	snop  }
0x3c: {  	p2 =	seq.s32 s10, $0x1;
	s10 =	sld [smem:$0x3FB6]  }
0x3d: {  	_ =	shalt  }
0x3e: {  	_ =	shalt  }
0x3f: {  	_ =	shalt  }
0x40: {  	_ =	shalt  }
0x41: {  	_ =	shalt  }
0x42: {  	_ =	shalt  }
0x43: {  	_ =	shalt  }
0x44: {  	_ =	shalt  }
0x45: {  	_ =	shalt  }
0x46: {  	_ =	shalt  }
0x47: {  	_ =	shalt  }
0x48: {  	_ =	shalt  }
0x49: {  	_ =	shalt  }
0x4a: {  	_ =	shalt  }
0x4b: {  	_ =	shalt  }
0x4c: {  	_ =	shalt  }
0x4d: {  	_ =	shalt  }
0x4e: {  	_ =	shalt  }
0x4f: {  	_ =	shalt  }
0x50: {  	_ =	shalt  }
0x51: {  	_ =	shalt  }
0x52: {  	_ =	shalt  }
0x53: {  	_ =	shalt  }
0x54: {  	_ =	shalt  }
0x55: {  	_ =	shalt  }
0x56: {  	_ =	shalt  }
0x57: {  	_ =	shalt  }
0x58: {  	_ =	shalt  }
0x59: {  	_ =	shalt  }
0x5a: {  	_ =	shalt  }
0x5b: {  	_ =	shalt  }
0x5c: {  	_ =	shalt  }
0x5d: {  	_ =	shalt  }
0x5e: {  	_ =	shalt  }
0x5f: {  	_ =	shalt  }
0x60: {  	_ =	shalt  }
0x61: {  	_ =	shalt  }
0x62: {  	_ =	shalt  }
0x63: {  	_ =	shalt  }
0x64: {  	_ =	shalt  }
0x65: {  	_ =	shalt  }
0x66: {  	_ =	shalt  }
0x67: {  	_ =	shalt  }
0x68: {  	_ =	shalt  }
0x69: {  	_ =	shalt  }
0x6a: {  	_ =	shalt  }
0x6b: {  	_ =	shalt  }
0x6c: {  	_ =	shalt  }
0x6d: {  	_ =	shalt  }
0x6e: {  	_ =	shalt  }
0x6f: {  	_ =	shalt  }
0x70: {  	_ =	shalt  }
0x71: {  	_ =	shalt  }
0x72: {  	_ =	shalt  }
0x73: {  	_ =	shalt  }
0x74: {  	_ =	shalt  }
0x75: {  	_ =	shalt  }
0x76: {  	_ =	shalt  }
0x77: {  	_ =	shalt  }
0x78: {  	_ =	shalt  }
0x79: {  	_ =	shalt  }
0x7a: {  	_ =	shalt  }
0x7b: {  	_ =	shalt  }
0x7c: {  	_ =	shalt  }
0x7d: {  	_ =	shalt  }
0x7e: {  	_ =	shalt  }
0x7f: {  	_ =	shalt  }
0x80: {  	_ =	shalt  }
0x81: {  	_ =	shalt  }
0x82: {  	_ =	shalt  }
0x83: {  	_ =	shalt  }
0x84: {  	_ =	shalt  }
0x85: {  	_ =	shalt  }
0x86: {  	_ =	shalt  }
0x87: {  	_ =	shalt  }
.Lfunc_end0:
.L_simem_size_0:
called_computation.2_lowered:
.L_overlay_start_0:
0x88: {  	s2 =	sld [smem:$0x3FD9]  }
0x89: {  	s3 =	sld [smem:$0x3FFE];
	_ =	sdelay $0x1  }
0x8a: {  	s1 =	srdreg.scid  }
0x8b: {  	s0 =	sand.u32 $0x1, s1  }
0x8c: {  	s16 =	sshll.u32 s0, $0xA;
	s2 =	sadd.s32 s3, s2  }
0x8d: {  	s2 =	sadd.s32 s2, s16  }
0x8e: {  	[smem:$0x3FC2] =	sst s2  }
0x8f: {  	_ = 	snop  }
0x90: {  	(tm) =	ssettm $0x1  }
0x91: {  	s17 =	sld [smem:$0x3FFB];
	_ =	sdelay $0x3  }
0x92: {  	_ =	strace s17  }
0x93: {  	s2 =	sld [smem:$0x3FFC];
	_ =	sdelay $0x3  }
0x94: {  	_ =	strace s2  }
0x95: {  	s2 =	sld [smem:$0x3FFD];
	_ =	sdelay $0x3  }
0x96: {  	_ =	strace s2  }
0x97: {  	_ =	strace $0x8FFFFFFF  }
0x98: {  	s18 =	sld [smem:$0x3FDB];
	_ =	sdelay $0x1  }
0x99: {  	s19 =	simm.s32 $_scs_section_size  }
0x9a: {  	s4 =	simm.s32 $_size__tile_overlayer_lowered;
	s5 =	simm.s32 $_tile_overlayer_lowered  }
0x9b: {  	s22 =	simm.s32 $0x1BFF;
	s21 =	sshll.u32 s5, $0x1;
	s2 =	sadd.s32 s19, s18  }
0x9c: {  	s6 =	simm.s32 $0x0;
	s20 =	sshll.u32 s4, $0x1;
	s4 =	sadd.s32 s21, s2  }
0x9d: {  	[timem:s6], [sflag:s22] =	dma.local [hbm:s4], s20  }
0x9e: {  	_ =	swait.ge [sflag:s22], s20  }
0x9f: {  	s3 =	ssub.s32 $0x0, s20;
	[sflag:s22] =	ssyncset.done $0x0  }
0xa0: {  	[sflag:s22] =	ssyncadd.s32 s3;
	_ =	sdelay $0x1  }
0xa1: {  	s23 =	simm.s32 $0x1B8B  }
0xa2: {  	_ =	swait.ge [sflag:s23], $0x1  }
0xa3: {  	[sflag:s23] =	ssyncset.done $0x0  }
0xa4: {  	s25 =	simm.s32 $0x1B8E;
	s24 =	sld [smem:$0x3FFE];
	[sflag:s23] =	ssyncadd.s32 $0xFFFFFFFF  }
0xa5: {  	s26 =	simm.s32 $execute0_lowered;
	[smem:$0x3FD2] =	sst s25  }
0xa6: {  	s4 =	sshll.u32 s26, $0x1;
	_ =	strace $0x8000004C;
	[dreg:$0x1] =	wrdreg $0xFFFFFFFF  }
0xa7: {  	s28 =	simm.s32 $_size_execute0_lowered;
	s2 =	sadd.s32 s2, s4;
	[dreg:$0x0] =	wrdreg $0x0  }
0xa8: {  	s4 =	sshll.u32 s28, $0x1;
	[dreg:$0x2] =	wrdreg s2  }
0xa9: {  	[dreg:$0x3] =	wrdreg s4  }
0xaa: {  	[dreg:$0x4] =	wrdreg $0xC0  }
0xab: {  	_ =	task [dreg:s6], $0x5FFFF  }
0xac: {  	[dreg:$0x1] =	wrdreg $0xFFFFFFFF  }
0xad: {  	[dreg:$0x0] =	wrdreg $0x60  }
0xae: {  	[dreg:$0x2] =	wrdreg s24  }
0xaf: {  	[dreg:$0x3] =	wrdreg $0xBF000  }
0xb0: {  	[dreg:$0x4] =	wrdreg $0x97000  }
0xb1: {  	[dreg:$0x5] =	wrdreg $0x9  }
0xb2: {  	_ =	task.clear_ibuf [dreg:s6], $0x6FFFF;
	_ =	strace $0x9000004C  }
0xb3: {  	s29 =	simm.s32 $0x9;
	_ =	strace $0x8000004E  }
0xb4: {  	_ =	swait.ge [sflag:s29], $0x1  }
0xb5: {  	[sflag:s29] =	ssyncadd.s32 $0xFFFFFFFF  }
0xb6: {  	_ =	strace $0x9000004E  }
0xb7: {  	_ =	sfence  }
0xb8: {  	s30 =	sld [smem:$0x0];
	_ =	sdelay $0x2  }
0xb9: {  	s31 =	sshll.u32 s1, $0xD;
	s1 =	sshrl.u32 s1, $0x2  }
0xba: {  	s3 =	sand.u32 $0x4000, s31;
	s1 =	sadd.s32 s1, s30  }
0xbb: {  	s0 =	sor.u32 s3, s0;
	s1 =	sshll.u32 s1, $0x11  }
0xbc: {  	s0 =	sor.u32 s1, s0  }
0xbd: {  	s0 =	sadd.s32 $0x8F2B, s0  }
0xbe: {  	[sflag:s0] =	ssyncadd.remote.s32 $0x1  }
0xbf: {  	_ =	sfence.sel $0xFFFF  }
0xc0: {  	[dreg:$0x0] =	wrdreg $0xFFFFFFFF;
	(pc) =	sbr.abs _section_cstart, $3  }
0xc1: {  	[dreg:$0x1] =	wrdreg $0xFFFFFFFF  }
0xc2: {  	_ =	task.clear_ibuf [dreg:s6], $0x2FFFF;
	_ =	strace $0x9FFFFFFF  }
0xc3: {  	(tm) =	ssettm $0x7FFFFFFF  }
tec
execute0_lowered:
.L_overlay_start_1:
0x0: {  	(tag) =	ssettag $0x1  }
0x1: {  	s0 =	rddreg [dreg:$0x0]  }
0x2: {  	s2 =	rddreg [dreg:$0x1]  }
0x3: {  	s3 =	rddreg [dreg:$0x2];
	s23 =	stileid.u32;
	s5 =	simm.s32 $0x0  }
0x4: {  	s4 =	srdreg.scid;
	s28 =	simm.s32 $0x5700;
	s30 =	simm.s32 $0x5F00  }
0x5: {  	s29 =	simm.s32 $0x6F00;
	s31 =	simm.s32 $0x7F00;
	s1 =	smul.u32 $0x2800, s23  }
0x6: {  	[smem:$0x7FF] =	sst s5;
	s4 =	sand.u32 $0x1, s4;
	s7 =	sadd.s32 $0x1600, s0  }
0x7: {  	s11 =	sadd.s32 $0xB400, s0;
	s15 =	smul.u32 $0xA000, s23;
	s16 =	sshll.u32 s23, $0x4  }
0x8: {  	p0 =	seq.s32 s23, $0xF;
	_ =	strace $0x8000004D;
	s6 =	smul.u32 $0x28000, s4  }
0x9: {  	s8 =	sshll.u32 s4, $0x4;
	s4 =	ssub.s32 $0x2, s4;
	s12 =	sshrl.u32 s1, $0x3  }
0xa: {  	s8 =	sor.u32 s23, s8;
	s9 =	sshrl.u32 s4, $0x1;
	s20 =	sadd.s32 s1, s3  }
0xb: {  	s5 =	sadd.s32 s12, s0;
	s6 =	sadd.s32 s1, s6;
	s10 =	smul.u32 $0x4E0, s8  }
0xc: {  	s4 =	ssub.s32 s4, s9;
	s12 =	sadd.s32 $0x25800, s2;
	s9 =	sshrl.u32 s15, $0x2  }
0xd: {  	p1 =	sgt.u32 s8, $0x3;
	s8 =	simm.s32 $0xB;
	s5 =	sadd.s32 $0x15200, s5  }
0xe: {  	s15 =	simm.s32 $0xE;
	s21 =	smax.u32 s4, $0x1;
	[dreg:$0x6] =	wrdreg s5  }
0xf: {  	s6 =	sshrl.u32 s6, $0x3;
	s9 =	sadd.s32 s9, s3;
	[dreg:$0xc] =	wrdreg s21  }
0x10: {  	s4 =	simm.s32 $0x2;
	s13 =	sadd.s32 s7, s10;
	[dreg:$0x8] =	wrdreg s9  }
0x11: {  	s6 =	sadd.s32 s6, s0;
	s14 =	sadd.s32 s11, s10;
	[dreg:$0x4] =	wrdreg s13  }
0x12: {  	s10 =	sadd.s32 s1, s2;
	s0 =	sadd.s32 $0x19D00, s0;
	[dreg:$0x5] =	wrdreg s14  }
0x13: {  	s5 =	sor.u32 $0x9C00, s16;
	s22 =	sadd.s32 $0x800, s9;
	[dreg:$0x7] =	wrdreg s0  }
0x14: {  	s24 =	sadd.s32 $0x1000, s9;
	s25 =	sadd.s32 $0x1800, s9;
	[dreg:$0xd] =	wrdreg s22  }
0x15: {  	s26 =	sadd.s32 $0x2000, s9;
	s1 =	sshrl.u32 @p0 s12, $0x3;
	[dreg:$0xe] =	wrdreg s24  }
0x16: {  	s12 =	simm.s32 $0x6;
	s16 =	simm.s32 $0x8;
	[dreg:$0xf] =	wrdreg s25  }
0x17: {  	s21 =	simm.s32 $0x0;
	s17 =	sadd.s32 s7, s5;
	[dreg:$0x10] =	wrdreg s26  }
0x18: {  	s18 =	sadd.s32 s11, s5;
	s19 =	sadd.s32 $0x1A200, s6;
	[dreg:$0x11] =	wrdreg s1  }
0x19: {  	s1 =	sshrl.u32 @!p0 s10, $0x3;
	s22 =	simm.s32 $0x12;
	s24 =	simm.s32 $0x80  }
0x1a: {  	s0 =	sshrl.u32 s20, $0x3;
	s26 =	simm.s32 $0x4F00;
	s5 =	simm.s32 $0x3  }
0x1b: {  	s6 =	simm.s32 $0xA;
	s7 =	simm.s32 $0x4;
	[dreg:$0x9] =	wrdreg s17  }
.Ltmp0:
0x1c: {  	s10 =	simm.s32 $0x5;
	[dreg:$0xa] =	wrdreg s18;
	(pc) =	sbr.rel .LBB2_1-.Ltmp0, $4  }
0x1d: {  	s11 =	simm.s32 $0xC;
	s13 =	simm.s32 $0xD;
	[dreg:$0xb] =	wrdreg s19  }
0x1e: {  	s14 =	simm.s32 $0x7;
	s20 =	simm.s32 $0x10;
	[dreg:$0x12] =	wrdreg s1  }
0x1f: {  	[dreg:$0x13] =	wrdreg s0;
	s0 =	simm.s32 $0x6700;
	s18 =	simm.s32 $0x7700  }
0x20: {  	v0 =	vimm.f32 $0.0e+00;
	s1 =	simm.s32 $0x8700;
	s17 =	simm.s32 $0xF;
	s19 =	simm.s32 $0x9  }
.LBB2_6:
0x21: {  	_ =	swait.ge [sflag:s4], $0x800  }
0x22: {  	[sflag:s4] =	ssyncset.done $0x0  }
0x23: {  	s9 =	simm.s32 $0x4B00;
	[sflag:s4] =	ssyncadd.s32 $0xFFFFF800  }
0x24: {  	[spmem:s3] =	stream.indirect.scatter.add.f32 [tilespmem:s26], [sflag:$0x12], $0x10, s9, s24, $0xb8;
	[tilespmem:$0xE700] =	vst v63  }
0x25: {  	_ =	swait.ge [sflag:s22], $0x800  }
0x26: {  	[sflag:s22] =	ssyncset.done $0x0  }
0x27: {  	[sflag:s22] =	ssyncadd.s32 $0xFFFFF800  }
0x28: {  	_ =	swait.ge [sflag:s5], $0x800  }
0x29: {  	[sflag:s5] =	ssyncset.done $0x0  }
0x2a: {  	s25 =	simm.s32 $0x4B80;
	[sflag:s5] =	ssyncadd.s32 $0xFFFFF800  }
0x2b: {  	[spmem:s3] =	stream.indirect.scatter.add.f32 [tilespmem:s28], [sflag:$0x12], $0x10, s25, s24, $0xb8;
	[tilespmem:$0xE700] =	vst v63  }
0x2c: {  	_ =	swait.ge [sflag:s22], $0x800  }
0x2d: {  	[sflag:s22] =	ssyncset.done $0x0  }
0x2e: {  	[sflag:s22] =	ssyncadd.s32 $0xFFFFF800  }
0x2f: {  	_ =	swait.ge [sflag:s7], $0x800  }
0x30: {  	[sflag:s7] =	ssyncset.done $0x0  }
0x31: {  	s21 =	simm.s32 $0x4C00;
	[sflag:s7] =	ssyncadd.s32 $0xFFFFF800  }
0x32: {  	[spmem:s3] =	stream.indirect.scatter.add.f32 [tilespmem:s30], [sflag:$0x12], $0x10, s21, s24, $0xb8;
	[tilespmem:$0xE700] =	vst v63  }
0x33: {  	_ =	swait.ge [sflag:s22], $0x800  }
0x34: {  	[sflag:s22] =	ssyncset.done $0x0  }
0x35: {  	[sflag:s22] =	ssyncadd.s32 $0xFFFFF800  }
0x36: {  	_ =	swait.ge [sflag:s10], $0x800  }
0x37: {  	[sflag:s10] =	ssyncset.done $0x0  }
0x38: {  	s23 =	simm.s32 $0x4C80;
	[sflag:s10] =	ssyncadd.s32 $0xFFFFF800  }
0x39: {  	[spmem:s3] =	stream.indirect.scatter.add.f32 [tilespmem:s0], [sflag:$0x12], $0x10, s23, s24, $0xb8;
	[tilespmem:$0xE700] =	vst v63  }
0x3a: {  	_ =	swait.ge [sflag:s22], $0x800  }
0x3b: {  	[sflag:s22] =	ssyncset.done $0x0  }
0x3c: {  	[sflag:s22] =	ssyncadd.s32 $0xFFFFF800  }
0x3d: {  	_ =	swait.ge [sflag:s12], $0x800  }
0x3e: {  	[sflag:s12] =	ssyncset.done $0x0  }
0x3f: {  	s25 =	simm.s32 $0x4D00;
	[sflag:s12] =	ssyncadd.s32 $0xFFFFF800  }
0x40: {  	[spmem:s3] =	stream.indirect.scatter.add.f32 [tilespmem:s29], [sflag:$0x12], $0x10, s25, s24, $0xb8;
	[tilespmem:$0xE700] =	vst v63  }
0x41: {  	_ =	swait.ge [sflag:s22], $0x800  }
0x42: {  	[sflag:s22] =	ssyncset.done $0x0  }
0x43: {  	[sflag:s22] =	ssyncadd.s32 $0xFFFFF800  }
0x44: {  	_ =	swait.ge [sflag:s14], $0x800  }
0x45: {  	[sflag:s14] =	ssyncset.done $0x0  }
0x46: {  	s21 =	simm.s32 $0x4D80;
	[sflag:s14] =	ssyncadd.s32 $0xFFFFF800  }
0x47: {  	[spmem:s3] =	stream.indirect.scatter.add.f32 [tilespmem:s18], [sflag:$0x12], $0x10, s21, s24, $0xb8;
	[tilespmem:$0xE700] =	vst v63  }
0x48: {  	_ =	swait.ge [sflag:s22], $0x800  }
0x49: {  	[sflag:s22] =	ssyncset.done $0x0  }
0x4a: {  	s23 =	simm.s32 $0x11;
	[sflag:s22] =	ssyncadd.s32 $0xFFFFF800  }
0x4b: {  	_ =	swait.ge [sflag:s23], $0x800  }
0x4c: {  	s25 =	simm.s32 @!p1 $0x12;
	s21 =	simm.s32 @!p1 $0x0;
	[sflag:s23] =	ssyncset.done $0x0  }
0x4d: {  	s9 =	rddreg [dreg:$0x9];
	[sflag:s23] =	ssyncadd.s32 $0xFFFFF800;
	s23 =	simm.s32 @!p1 $0x4E00  }
0x4e: {  	[tilespmem:s23], [sflag:$0x12] =	stream.linear.gather @!p1 [hbm4b:s9+s21], $0x80, $0x38;
	[tilespmem:$0xE700] =	vst v63  }
0x4f: {  	_ =	swait.ge @!p1 [sflag:s25], $0x80  }
0x50: {  	[sflag:s25] =	ssyncset.done @!p1 $0x0  }
0x51: {  	s23 =	simm.s32 @!p1 $0x4E80;
	s9 =	rddreg [dreg:$0xa];
	[sflag:s25] =	ssyncadd.s32 @!p1 $0xFFFFFF80  }
0x52: {  	[tilespmem:s23], [sflag:$0x12] =	stream.linear.gather @!p1 [hbm4b:s9+s21], $0x80, $0x38;
	[tilespmem:$0xE700] =	vst v63  }
0x53: {  	_ =	swait.ge @!p1 [sflag:s25], $0x80  }
0x54: {  	s23 =	simm.s32 @!p1 $0x80;
	[sflag:s25] =	ssyncset.done @!p1 $0x0  }
0x55: {  	s21 =	simm.s32 @!p1 $0x4F00;
	s9 =	simm.s32 @!p1 $0x4E00;
	[sflag:s25] =	ssyncadd.s32 @!p1 $0xFFFFFF80  }
0x56: {  	[tilespmem:s21], [sflag:$0x2] =	stream.indirect.gather @!p1 [spmem:s2], $0x10, s9, s23, $0xb8;
	[tilespmem:$0xE700] =	vst v63  }
0x57: {  	s9 =	simm.s32 @!p1 $0x2  }
0x58: {  	_ =	swait.ge @!p1 [sflag:s9], $0x800  }
0x59: {  	[sflag:s9] =	ssyncset.done @!p1 $0x0  }
0x5a: {  	[sflag:s9] =	ssyncadd.s32 @!p1 $0xFFFFF800;
	s9 =	simm.s32 @!p1 $0x4E80  }
0x5b: {  	[spmem:s3] =	stream.indirect.scatter.add.f32 @!p1 [tilespmem:s21], [sflag:$0x12], $0x10, s9, s23, $0xb8;
	[tilespmem:$0xE700] =	vst v63  }
0x5c: {  	_ =	swait.ge @!p1 [sflag:s25], $0x800  }
0x5d: {  	[sflag:s25] =	ssyncset.done @!p1 $0x0  }
0x5e: {  	[sflag:s25] =	ssyncadd.s32 @!p1 $0xFFFFF800  }
0x5f: {  	s23 =	stileid.u32;
	[bflag:$0x0] =	sbarrier.arrive $0xFFFF  }
0x60: {  	s25 =	sshll.u32 s23, $0x6;
	s21 =	rddreg [dreg:$0xb]  }
0x61: {  	s9 =	sor.u32 $0x1C12, s25;
	s25 =	rddreg [dreg:$0x13]  }
0x62: {  	[hbm:s21], [sflag:s9] =	dma.local [spmem:s25], $0x500  }
0x63: {  	_ =	swait.ge [sflag:s22], $0x500  }
0x64: {  	s9 =	rddreg [dreg:$0x14]  }
0x65: {  	s25 =	rddreg [dreg:$0xc];
	s21 =	sadd.s32 $0x1, s9  }
0x66: {  	p2 =	sne.s32 s21, s25  }
.Ltmp1:
0x67: {  	_ = 	snop;
	(pc) =	sbr.rel @!p2 .LBB2_7-.Ltmp1, $3  }
0x68: {  	_ =	sdelay $0x1  }
0x69: {  	[sflag:s22] =	ssyncset.done $0x0  }
0x6a: {  	[sflag:s22] =	ssyncadd.s32 $0xFFFFFB00  }
.LBB2_1:
0x6b: {  	[dreg:$0x14] =	wrdreg s21  }
0x6c: {  	s9 =	simm.s32 $0x0;
	s25 =	rddreg [dreg:$0x4]  }
0x6d: {  	[tilespmem:s9], [sflag:$0x1] =	stream.linear.gather [hbm4b:s25+s9], $0x2700, $0x38;
	[tilespmem:$0xE700] =	vst v63  }
0x6e: {  	s21 =	rddreg [dreg:$0x5];
	s25 =	simm.s32 $0x2700  }
0x6f: {  	[tilespmem:s25], [sflag:$0x1] =	stream.linear.gather [hbm4b:s21+s9], $0x2700, $0x38;
	[tilespmem:$0xE700] =	vst v63  }
0x70: {  	s9 =	rddreg [dreg:$0x7]  }
0x71: {  	s21 =	simm.s32 @p0 $0x1FC1;
	s25 =	rddreg [dreg:$0x11]  }
0x72: {  	[spmem:s25], [sflag:s21] =	dma.local @p0 [hbm:s9], $0x320  }
0x73: {  	s21 =	sshll.u32 @!p0 s23, $0x6;
	s9 =	rddreg [dreg:$0x6]  }
0x74: {  	s21 =	sor.u32 @!p0 $0x1C01, s21;
	s23 =	rddreg [dreg:$0x12]  }
0x75: {  	[spmem:s23], [sflag:s21] =	dma.local @!p0 [hbm:s9], $0x500  }
0x76: {  	s21 =	simm.s32 @!p0 $0x0  }
0x77: {  	s21 =	simm.s32 @p0 $0x0  }
.LBB2_2:
0x78: {  	p2 =	seq.s32 s21, $0x1FC0  }
.Ltmp2:
0x79: {  	_ = 	snop;
	(pc) =	sbr.rel @!p2 .LBB2_2-.Ltmp2, $3  }
0x7a: {  	_ =	sdelay $0x1  }
0x7b: {  	s25 =	sshra.s32 s21, $0x2  }
0x7c: {  	s21 =	sadd.s32 $0x40, s21;
	[tilespmem:s25+$0x8F00] =	vst v0  }
0x7d: {  	s9 =	rddreg [dreg:$0x8];
	s21 =	simm.s32 $0x8F00  }
0x7e: {  	[spmem:s9] =	stream.linear.scatter [tilespmem:s21], [sflag:$0x12], $0x800, $0x38;
	[tilespmem:$0xE700] =	vst v63  }
0x7f: {  	_ =	swait.ge [sflag:s22], $0x800  }
0x80: {  	[sflag:s22] =	ssyncset.done $0x0  }
0x81: {  	s23 =	rddreg [dreg:$0xd];
	[sflag:s22] =	ssyncadd.s32 $0xFFFFF800  }
0x82: {  	[spmem:s23] =	stream.linear.scatter [tilespmem:s21], [sflag:$0x12], $0x800, $0x38;
	[tilespmem:$0xE700] =	vst v63  }
0x83: {  	_ =	swait.ge [sflag:s22], $0x800  }
0x84: {  	[sflag:s22] =	ssyncset.done $0x0  }
0x85: {  	s25 =	rddreg [dreg:$0xe];
	[sflag:s22] =	ssyncadd.s32 $0xFFFFF800  }
0x86: {  	[spmem:s25] =	stream.linear.scatter [tilespmem:s21], [sflag:$0x12], $0x800, $0x38;
	[tilespmem:$0xE700] =	vst v63  }
0x87: {  	_ =	swait.ge [sflag:s22], $0x800  }
0x88: {  	[sflag:s22] =	ssyncset.done $0x0  }
0x89: {  	s23 =	rddreg [dreg:$0xf];
	[sflag:s22] =	ssyncadd.s32 $0xFFFFF800  }
0x8a: {  	[spmem:s23] =	stream.linear.scatter [tilespmem:s21], [sflag:$0x12], $0x800, $0x38;
	[tilespmem:$0xE700] =	vst v63  }
0x8b: {  	_ =	swait.ge [sflag:s22], $0x800  }
0x8c: {  	[sflag:s22] =	ssyncset.done $0x0  }
0x8d: {  	s25 =	rddreg [dreg:$0x10];
	[sflag:s22] =	ssyncadd.s32 $0xFFFFF800  }
0x8e: {  	[spmem:s25] =	stream.linear.scatter [tilespmem:s21], [sflag:$0x12], $0x800, $0x38;
	[tilespmem:$0xE700] =	vst v63  }
0x8f: {  	_ =	swait.ge [sflag:s22], $0x800  }
0x90: {  	[sflag:s22] =	ssyncset.done $0x0  }
0x91: {  	s21 =	simm.s32 $0x1;
	[sflag:s22] =	ssyncadd.s32 $0xFFFFF800  }
0x92: {  	_ =	swait.ge [sflag:s21], $0x2700  }
0x93: {  	[sflag:s21] =	ssyncset.done $0x0  }
0x94: {  	[sflag:s21] =	ssyncadd.s32 $0xFFFFD900  }
0x95: {  	_ =	swait.ge [sflag:s21], $0x2700  }
0x96: {  	[sflag:s21] =	ssyncset.done $0x0  }
0x97: {  	[sflag:s21] =	ssyncadd.s32 $0xFFFFD900;
	s21 =	simm.s32 @p0 $0x1  }
0x98: {  	_ =	swait.ge @p0 [sflag:s21], $0x320  }
0x99: {  	[sflag:s21] =	ssyncset.done @p0 $0x0  }
0x9a: {  	[sflag:s21] =	ssyncadd.s32 @p0 $0xFFFFFCE0;
	s21 =	simm.s32 @!p0 $0x1  }
0x9b: {  	_ =	swait.ge @!p0 [sflag:s21], $0x500  }
0x9c: {  	[sflag:s21] =	ssyncset.done @!p0 $0x0  }
0x9d: {  	[sflag:s21] =	ssyncadd.s32 @!p0 $0xFFFFFB00  }
0x9e: {  	s25 =	simm.s32 $0x0;
	[bflag:$0x0] =	sbarrier.arrive $0xFFFF  }
0x9f: {  	[tilespmem:s26], [sflag:$0x2] =	stream.indirect.gather [spmem:s2], $0x10, s25, s24, $0xb8;
	[tilespmem:$0xE700] =	vst v63  }
0xa0: {  	_ = 	snop  }
0xa1: {  	[tilespmem:s28], [sflag:$0x3] =	stream.indirect.gather [spmem:s2], $0x10, s24, s24, $0xb8;
	[tilespmem:$0xE700] =	vst v63  }
0xa2: {  	s23 =	simm.s32 $0x100  }
0xa3: {  	[tilespmem:s30], [sflag:$0x4] =	stream.indirect.gather [spmem:s2], $0x10, s23, s24, $0xb8;
	[tilespmem:$0xE700] =	vst v63  }
0xa4: {  	s21 =	simm.s32 $0x180  }
0xa5: {  	[tilespmem:s0], [sflag:$0x5] =	stream.indirect.gather [spmem:s2], $0x10, s21, s24, $0xb8;
	[tilespmem:$0xE700] =	vst v63  }
0xa6: {  	s23 =	simm.s32 $0x200  }
0xa7: {  	[tilespmem:s29], [sflag:$0x6] =	stream.indirect.gather [spmem:s2], $0x10, s23, s24, $0xb8;
	[tilespmem:$0xE700] =	vst v63  }
0xa8: {  	s21 =	simm.s32 $0x280  }
0xa9: {  	[tilespmem:s18], [sflag:$0x7] =	stream.indirect.gather [spmem:s2], $0x10, s21, s24, $0xb8;
	[tilespmem:$0xE700] =	vst v63  }
0xaa: {  	s23 =	simm.s32 $0x300  }
0xab: {  	[tilespmem:s31], [sflag:$0x8] =	stream.indirect.gather [spmem:s2], $0x10, s23, s24, $0xb8;
	[tilespmem:$0xE700] =	vst v63  }
.LBB2_4:
0xac: {  	_ =	swait.ge [sflag:s4], $0x800  }
0xad: {  	s21 =	sshra.s32 s25, $0x2;
	[sflag:s4] =	ssyncset.done $0x0  }
0xae: {  	p2 =	seq.s32 s25, $0x0;
	s23 =	sadd.s32 $0x2700, s21;
	[sflag:s4] =	ssyncadd.s32 $0xFFFFF800  }
0xaf: {  	[spmem:s3] =	stream.indirect.scatter.add.f32 [tilespmem:s26], [sflag:$0xA], $0x10, s23, s24, $0xb8;
	[tilespmem:$0xE700] =	vst v63  }
0xb0: {  	s23 =	simm.s32 @!p2 $0x11  }
0xb1: {  	_ =	swait.ge @!p2 [sflag:s23], $0x800  }
0xb2: {  	[sflag:s23] =	ssyncset.done @!p2 $0x0  }
0xb3: {  	s9 =	sadd.s32 $0x380, s21;
	[sflag:s23] =	ssyncadd.s32 @!p2 $0xFFFFF800  }
0xb4: {  	[tilespmem:s1], [sflag:$0x9] =	stream.indirect.gather [spmem:s2], $0x10, s9, s24, $0xb8;
	[tilespmem:$0xE700] =	vst v63  }
0xb5: {  	_ =	swait.ge [sflag:s5], $0x800  }
0xb6: {  	[sflag:s5] =	ssyncset.done $0x0  }
0xb7: {  	s9 =	sadd.s32 $0x2780, s21;
	[sflag:s5] =	ssyncadd.s32 $0xFFFFF800  }
0xb8: {  	[spmem:s3] =	stream.indirect.scatter.add.f32 [tilespmem:s28], [sflag:$0xB], $0x10, s9, s24, $0xb8;
	[tilespmem:$0xE700] =	vst v63  }
0xb9: {  	_ =	swait.ge [sflag:s6], $0x800  }
0xba: {  	[sflag:s6] =	ssyncset.done $0x0  }
0xbb: {  	s9 =	sadd.s32 $0x400, s21;
	[sflag:s6] =	ssyncadd.s32 $0xFFFFF800  }
0xbc: {  	[tilespmem:s26], [sflag:$0x2] =	stream.indirect.gather [spmem:s2], $0x10, s9, s24, $0xb8;
	[tilespmem:$0xE700] =	vst v63  }
0xbd: {  	_ =	swait.ge [sflag:s7], $0x800  }
0xbe: {  	[sflag:s7] =	ssyncset.done $0x0  }
0xbf: {  	s9 =	sadd.s32 $0x2800, s21;
	[sflag:s7] =	ssyncadd.s32 $0xFFFFF800  }
0xc0: {  	[spmem:s3] =	stream.indirect.scatter.add.f32 [tilespmem:s30], [sflag:$0xC], $0x10, s9, s24, $0xb8;
	[tilespmem:$0xE700] =	vst v63  }
0xc1: {  	_ =	swait.ge [sflag:s8], $0x800  }
0xc2: {  	[sflag:s8] =	ssyncset.done $0x0  }
0xc3: {  	s9 =	sadd.s32 $0x480, s21;
	[sflag:s8] =	ssyncadd.s32 $0xFFFFF800  }
0xc4: {  	[tilespmem:s28], [sflag:$0x3] =	stream.indirect.gather [spmem:s2], $0x10, s9, s24, $0xb8;
	[tilespmem:$0xE700] =	vst v63  }
0xc5: {  	_ =	swait.ge [sflag:s10], $0x800  }
0xc6: {  	[sflag:s10] =	ssyncset.done $0x0  }
0xc7: {  	s9 =	sadd.s32 $0x2880, s21;
	[sflag:s10] =	ssyncadd.s32 $0xFFFFF800  }
0xc8: {  	[spmem:s3] =	stream.indirect.scatter.add.f32 [tilespmem:s0], [sflag:$0xD], $0x10, s9, s24, $0xb8;
	[tilespmem:$0xE700] =	vst v63  }
0xc9: {  	_ =	swait.ge [sflag:s11], $0x800  }
0xca: {  	[sflag:s11] =	ssyncset.done $0x0  }
0xcb: {  	s9 =	sadd.s32 $0x500, s21;
	[sflag:s11] =	ssyncadd.s32 $0xFFFFF800  }
0xcc: {  	[tilespmem:s30], [sflag:$0x4] =	stream.indirect.gather [spmem:s2], $0x10, s9, s24, $0xb8;
	[tilespmem:$0xE700] =	vst v63  }
0xcd: {  	_ =	swait.ge [sflag:s12], $0x800  }
0xce: {  	[sflag:s12] =	ssyncset.done $0x0  }
0xcf: {  	s9 =	sadd.s32 $0x2900, s21;
	[sflag:s12] =	ssyncadd.s32 $0xFFFFF800  }
0xd0: {  	[spmem:s3] =	stream.indirect.scatter.add.f32 [tilespmem:s29], [sflag:$0xE], $0x10, s9, s24, $0xb8;
	[tilespmem:$0xE700] =	vst v63  }
0xd1: {  	_ =	swait.ge [sflag:s13], $0x800  }
0xd2: {  	[sflag:s13] =	ssyncset.done $0x0  }
0xd3: {  	s9 =	sadd.s32 $0x580, s21;
	[sflag:s13] =	ssyncadd.s32 $0xFFFFF800  }
0xd4: {  	[tilespmem:s0], [sflag:$0x5] =	stream.indirect.gather [spmem:s2], $0x10, s9, s24, $0xb8;
	[tilespmem:$0xE700] =	vst v63  }
0xd5: {  	_ =	swait.ge [sflag:s14], $0x800  }
0xd6: {  	[sflag:s14] =	ssyncset.done $0x0  }
0xd7: {  	s9 =	sadd.s32 $0x2980, s21;
	[sflag:s14] =	ssyncadd.s32 $0xFFFFF800  }
0xd8: {  	[spmem:s3] =	stream.indirect.scatter.add.f32 [tilespmem:s18], [sflag:$0xF], $0x10, s9, s24, $0xb8;
	[tilespmem:$0xE700] =	vst v63  }
0xd9: {  	_ =	swait.ge [sflag:s15], $0x800  }
0xda: {  	[sflag:s15] =	ssyncset.done $0x0  }
0xdb: {  	s9 =	sadd.s32 $0x600, s21;
	[sflag:s15] =	ssyncadd.s32 $0xFFFFF800  }
0xdc: {  	[tilespmem:s29], [sflag:$0x6] =	stream.indirect.gather [spmem:s2], $0x10, s9, s24, $0xb8;
	[tilespmem:$0xE700] =	vst v63  }
0xdd: {  	_ =	swait.ge [sflag:s16], $0x800  }
0xde: {  	[sflag:s16] =	ssyncset.done $0x0  }
0xdf: {  	s9 =	sadd.s32 $0x2A00, s21;
	[sflag:s16] =	ssyncadd.s32 $0xFFFFF800  }
0xe0: {  	[spmem:s3] =	stream.indirect.scatter.add.f32 [tilespmem:s31], [sflag:$0x10], $0x10, s9, s24, $0xb8;
	[tilespmem:$0xE700] =	vst v63  }
0xe1: {  	_ =	swait.ge [sflag:s17], $0x800  }
0xe2: {  	[sflag:s17] =	ssyncset.done $0x0  }
0xe3: {  	s9 =	sadd.s32 $0x680, s21;
	[sflag:s17] =	ssyncadd.s32 $0xFFFFF800  }
0xe4: {  	[tilespmem:s18], [sflag:$0x7] =	stream.indirect.gather [spmem:s2], $0x10, s9, s24, $0xb8;
	[tilespmem:$0xE700] =	vst v63  }
0xe5: {  	_ =	swait.ge [sflag:s19], $0x800  }
0xe6: {  	p2 =	seq.s32 s25, $0x8000;
	[sflag:s19] =	ssyncset.done $0x0  }
.Ltmp3:
0xe7: {  	s9 =	sadd.s32 $0x2A80, s21;
	[sflag:s19] =	ssyncadd.s32 $0xFFFFF800;
	(pc) =	sbr.rel @p2 .LBB2_6-.Ltmp3, $4  }
0xe8: {  	[spmem:s3] =	stream.indirect.scatter.add.f32 [tilespmem:s1], [sflag:$0x11], $0x10, s9, s24, $0xb8;
	[tilespmem:$0xE700] =	vst v63  }
0xe9: {  	_ =	swait.ge [sflag:s20], $0x800  }
0xea: {  	[sflag:s20] =	ssyncset.done $0x0  }
0xeb: {  	[sflag:s20] =	ssyncadd.s32 $0xFFFFF800  }
.Ltmp4:
0xec: {  	(pc) =	sbr.rel .LBB2_4-.Ltmp4, $3  }
0xed: {  	_ =	sdelay $0x1  }
0xee: {  	s21 =	sadd.s32 $0x700, s21;
	s25 =	sadd.s32 $0x1000, s25  }
0xef: {  	[tilespmem:s31], [sflag:$0x8] =	stream.indirect.gather [spmem:s2], $0x10, s21, s24, $0xb8;
	[tilespmem:$0xE700] =	vst v63  }
.LBB2_7:
0xf0: {  	_ =	sfence.sel $0x180000  }
0xf1: {  	[bflag:$0x0] =	sbarrier.arrive $0xFFFF  }
0xf2: {  	_ =	strace $0x9000004D  }
0xf3: {  	[bflag:$0x2] =	sbarrier.arrive $0xFFFF  }
0xf4: {  	p0 =	sne.s32 s23, $0x0;
	s0 =	rddreg [dreg:$0x3]  }
0xf5: {  	s0 =	sadd.s32 @!p0 $0x100000, s0  }
0xf6: {  	[sflag:s0] =	ssyncadd.tile.s32 @!p0 $0x1;
	_ =	shalt  }
.Lfunc_end2:
_tile_overlayer_lowered:
.L_overlay_start_2:
0xf7: {  	(tag) =	ssettag $0x2  }
0xf8: {  	s0 =	rddreg [dreg:$0x0];
	s2 =	stileid.u32  }
0xf9: {  	s1 =	rddreg [dreg:$0x1];
	p0 =	sne.s32 s2, $0x0  }
0xfa: {  	s3 =	rddreg [dreg:$0x2];
	[bflag:$0x3] =	sbarrier.arrive $0xFFFF;
	s2 =	simm.s32 @!p0 $0x1C12  }
0xfb: {  	[timem:s3], [sflag:s2] =	dma.local @!p0 [hbm:s0], s1  }
0xfc: {  	s0 =	simm.s32 @!p0 $0x12  }
0xfd: {  	_ =	swait.ge @!p0 [sflag:s0], s1  }
0xfe: {  	s1 =	ssub.s32 @!p0 $0x0, s1;
	[sflag:s0] =	ssyncset.done @!p0 $0x0  }
0xff: {  	[sflag:s0] =	ssyncadd.s32 @!p0 s1  }
0x100: {  	[bflag:$0x3] =	sbarrier.arrive $0xFFFF  }
0x101: {  	_ =	shalt  }

// kernel: kernel.8.cloned.1.call-start
scs
__scs_entry_jumppad:
0x0: {  	(pc) =	sbr.rel $0x88, $3  }
0x1: {  	(tag) =	ssettag $0x0;
	lr =	simm.s32 $0x1  }
0x2: {  	[smem:$0x3F9B] =	sst lr;
	_ =	strace $0xD0000000  }
0x3: {  	_ = 	snop  }
0x4: {  	_ = 	snop  }
0x5: {  	_ = 	snop  }
0x6: {  	_ = 	snop  }
0x7: {  	_ = 	snop  }
__scs_overlays_trampoline_lowered:
0x8: {  	[smem:$0x3FAA] =	sst s0  }
0x9: {  	[smem:$0x3FAB] =	sst s1  }
0xa: {  	[smem:$0x3FAC] =	sst s2  }
0xb: {  	[smem:$0x3FAD] =	sst s3  }
0xc: {  	[smem:$0x3FAE] =	sst s4  }
0xd: {  	[smem:$0x3FAF] =	sst s5  }
0xe: {  	[smem:$0x3FB0] =	sst s6  }
0xf: {  	[smem:$0x3FB1] =	sst s7  }
0x10: {  	[smem:$0x3FB2] =	sst s8  }
0x11: {  	[smem:$0x3FB3] =	sst s9;
	s0 =	simm.s32 @!p0 $0x0  }
0x12: {  	s1 =	sld [smem:$0x3F99];
	s0 =	simm.s32 @p0 $0x1  }
0x13: {  	[smem:$0x3FB4] =	sst s0;
	s0 =	simm.s32 @!p1 $0x0  }
0x14: {  	s2 =	sld [smem:$0x3F98];
	s0 =	simm.s32 @p1 $0x1  }
0x15: {  	[smem:$0x3FB5] =	sst s0;
	s0 =	simm.s32 @!p2 $0x0  }
0x16: {  	s3 =	sld [smem:$0x3FDB];
	s0 =	simm.s32 @p2 $0x1  }
0x17: {  	s4 =	simm.s32 $0x1BF5;
	[smem:$0x3FB7] =	sst s0  }
0x18: {  	s0 =	sld [smem:$0x3F9A];
	_ =	swait.ge [sflag:s4], $0x0  }
0x19: {  	s7 =	sld [smem:$0x3F9B]  }
0x1a: {  	s8 =	sadd.s32 $0xFFFFE003, lr  }
0x1b: {  	s9 =	sadd.s32 $0xFFFFFEF7, lr;
	s5 =	simm.s32 $0xFFFFFFFF;
	p2 =	slt.u32 s8, $0xFFFFF086  }
0x1c: {  	p1 =	slt.u32 s9, $0xF7A;
	s5 =	simm.s32 @!p2 $0x0  }
0x1d: {  	s5 =	simm.s32 @p1 $0x1;
	p0 =	seq.s32 s7, s2  }
0x1e: {  	s7 =	smul.u32 @!p0 $0xF7A, s2;
	p2 =	seq.s32 @!p0 s5, $0x0  }
0x1f: {  	s9 =	smul.u32 $0xF7A, s1;
	s8 =	simm.s32 @!p0 $0x1BF5;
	p2 =	por !p2, p0  }
0x20: {  	[sflag:s8] =	ssyncset.s32 @!p0 $0xFFFFF086;
	s6 =	sadd.s32 @!p0 s3, s7;
	s7 =	simm.s32 @!p0 $0x108  }
0x21: {  	s3 =	sadd.s32 s3, s9;
	s6 =	sadd.s32 @!p0 $0x88, s6;
	s7 =	simm.s32 @p2 $0x1082  }
0x22: {  	[simem:s7], [sflag:s8] =	dma.local @!p0 [hbm:s6], $0xF7A  }
0x23: {  	s9 =	sor.u32 $0xD0000000, s2;
	s6 =	simm.s32 $0x108;
	_ =	swait.ge @!p0 [sflag:s8], $0x0  }
0x24: {  	s3 =	sadd.s32 $0x88, s3;
	s6 =	simm.s32 @!p1 $0x1082;
	[sflag:s4] =	ssyncset.s32 $0xFFFFF086  }
0x25: {  	[simem:s6], [sflag:s4] =	dma.local [hbm:s3], $0xF7A  }
0x26: {  	[smem:$0x3F9B] =	sst s1;
	(tag) =	ssettag s2;
	_ =	strace s9  }
0x27: {  	s1 =	sld [smem:$0x3FAB]  }
0x28: {  	s2 =	sld [smem:$0x3FAC]  }
0x29: {  	s4 =	sld [smem:$0x3FAE]  }
0x2a: {  	p0 =	seq.s32 s5, $0x0;
	s5 =	sld [smem:$0x3FAF]  }
0x2b: {  	s6 =	sld [smem:$0x3FB0]  }
0x2c: {  	s7 =	sld [smem:$0x3FB1]  }
0x2d: {  	s3 =	simm.s32 $0x108;
	s8 =	sld [smem:$0x3FB2]  }
0x2e: {  	s3 =	simm.s32 @!p0 $0x1082;
	s9 =	sld [smem:$0x3FB3]  }
0x2f: {  	lr =	sadd.s32 s0, s3;
	s0 =	sld [smem:$0x3FAA]  }
0x30: {  	s3 =	sld [smem:$0x3FAD]  }
0x31: {  	[smem:$0x3FB6] =	sst s10  }
0x32: {  	s10 =	sld [smem:$0x3FB4];
	_ =	sdelay $0x3  }
0x33: {  	p0 =	seq.s32 s10, $0x1;
	s10 =	sld [smem:$0x3FB6];
	_ =	sdelay $0x3  }
0x34: {  	[smem:$0x3FB6] =	sst s10  }
0x35: {  	s10 =	sld [smem:$0x3FB5];
	_ =	sdelay $0x3  }
0x36: {  	p1 =	seq.s32 s10, $0x1;
	s10 =	sld [smem:$0x3FB6];
	_ =	sdelay $0x3  }
0x37: {  	[smem:$0x3FB6] =	sst s10  }
0x38: {  	s10 =	sld [smem:$0x3FB7]  }
0x39: {  	_ = 	snop;
	(pc) =	sbr.ind lr, $3  }
0x3a: {  	_ = 	snop  }
0x3b: {  	_ = 	snop  }
0x3c: {  	p2 =	seq.s32 s10, $0x1;
	s10 =	sld [smem:$0x3FB6]  }
0x3d: {  	_ =	shalt  }
0x3e: {  	_ =	shalt  }
0x3f: {  	_ =	shalt  }
0x40: {  	_ =	shalt  }
0x41: {  	_ =	shalt  }
0x42: {  	_ =	shalt  }
0x43: {  	_ =	shalt  }
0x44: {  	_ =	shalt  }
0x45: {  	_ =	shalt  }
0x46: {  	_ =	shalt  }
0x47: {  	_ =	shalt  }
0x48: {  	_ =	shalt  }
0x49: {  	_ =	shalt  }
0x4a: {  	_ =	shalt  }
0x4b: {  	_ =	shalt  }
0x4c: {  	_ =	shalt  }
0x4d: {  	_ =	shalt  }
0x4e: {  	_ =	shalt  }
0x4f: {  	_ =	shalt  }
0x50: {  	_ =	shalt  }
0x51: {  	_ =	shalt  }
0x52: {  	_ =	shalt  }
0x53: {  	_ =	shalt  }
0x54: {  	_ =	shalt  }
0x55: {  	_ =	shalt  }
0x56: {  	_ =	shalt  }
0x57: {  	_ =	shalt  }
0x58: {  	_ =	shalt  }
0x59: {  	_ =	shalt  }
0x5a: {  	_ =	shalt  }
0x5b: {  	_ =	shalt  }
0x5c: {  	_ =	shalt  }
0x5d: {  	_ =	shalt  }
0x5e: {  	_ =	shalt  }
0x5f: {  	_ =	shalt  }
0x60: {  	_ =	shalt  }
0x61: {  	_ =	shalt  }
0x62: {  	_ =	shalt  }
0x63: {  	_ =	shalt  }
0x64: {  	_ =	shalt  }
0x65: {  	_ =	shalt  }
0x66: {  	_ =	shalt  }
0x67: {  	_ =	shalt  }
0x68: {  	_ =	shalt  }
0x69: {  	_ =	shalt  }
0x6a: {  	_ =	shalt  }
0x6b: {  	_ =	shalt  }
0x6c: {  	_ =	shalt  }
0x6d: {  	_ =	shalt  }
0x6e: {  	_ =	shalt  }
0x6f: {  	_ =	shalt  }
0x70: {  	_ =	shalt  }
0x71: {  	_ =	shalt  }
0x72: {  	_ =	shalt  }
0x73: {  	_ =	shalt  }
0x74: {  	_ =	shalt  }
0x75: {  	_ =	shalt  }
0x76: {  	_ =	shalt  }
0x77: {  	_ =	shalt  }
0x78: {  	_ =	shalt  }
0x79: {  	_ =	shalt  }
0x7a: {  	_ =	shalt  }
0x7b: {  	_ =	shalt  }
0x7c: {  	_ =	shalt  }
0x7d: {  	_ =	shalt  }
0x7e: {  	_ =	shalt  }
0x7f: {  	_ =	shalt  }
0x80: {  	_ =	shalt  }
0x81: {  	_ =	shalt  }
0x82: {  	_ =	shalt  }
0x83: {  	_ =	shalt  }
0x84: {  	_ =	shalt  }
0x85: {  	_ =	shalt  }
0x86: {  	_ =	shalt  }
0x87: {  	_ =	shalt  }
.Lfunc_end0:
.L_simem_size_0:
called_computation_lowered:
.L_overlay_start_0:
0x88: {  	s2 =	sld [smem:$0x3FD9]  }
0x89: {  	s3 =	sld [smem:$0x3FFE];
	_ =	sdelay $0x1  }
0x8a: {  	s1 =	srdreg.scid  }
0x8b: {  	s0 =	sand.u32 $0x1, s1  }
0x8c: {  	s17 =	sshll.u32 s0, $0xA;
	s2 =	sadd.s32 s3, s2  }
0x8d: {  	s2 =	sadd.s32 s2, s17  }
0x8e: {  	[smem:$0x3FC2] =	sst s2  }
0x8f: {  	_ = 	snop  }
0x90: {  	s2 =	sld [smem:$0x3FD0];
	(tm) =	ssettm $0x1  }
0x91: {  	s18 =	sld [smem:$0x3FFB];
	_ =	sdelay $0x3  }
0x92: {  	_ =	strace s18  }
0x93: {  	s3 =	sld [smem:$0x3FFC];
	_ =	sdelay $0x3  }
0x94: {  	_ =	strace s3  }
0x95: {  	s3 =	sld [smem:$0x3FFD];
	_ =	sdelay $0x3  }
0x96: {  	_ =	strace s3  }
0x97: {  	_ =	strace $0x8FFFFFFF  }
0x98: {  	s19 =	sld [smem:$0x3FDB];
	_ =	sdelay $0x1  }
0x99: {  	s4 =	simm.s32 $_scs_section_size  }
0x9a: {  	s5 =	simm.s32 $_size__tile_overlayer_lowered;
	s6 =	simm.s32 $_tile_overlayer_lowered  }
0x9b: {  	s22 =	simm.s32 $0x1BFF;
	s21 =	sshll.u32 s6, $0x1;
	s3 =	sadd.s32 s4, s19  }
0x9c: {  	s7 =	simm.s32 $0x0;
	s20 =	sshll.u32 s5, $0x1;
	s5 =	sadd.s32 s21, s3  }
0x9d: {  	[timem:s7], [sflag:s22] =	dma.local [hbm:s5], s20  }
0x9e: {  	_ =	swait.ge [sflag:s22], s20  }
0x9f: {  	s4 =	ssub.s32 $0x0, s20;
	[sflag:s22] =	ssyncset.done $0x0  }
0xa0: {  	[sflag:s22] =	ssyncadd.s32 s4;
	_ =	sdelay $0x1  }
0xa1: {  	s23 =	simm.s32 $0x1B8B  }
0xa2: {  	_ =	swait.ge [sflag:s23], $0x1  }
0xa3: {  	[sflag:s23] =	ssyncset.done $0x0  }
0xa4: {  	s25 =	simm.s32 $0x1B8E;
	s24 =	sld [smem:$0x3FFE];
	[sflag:s23] =	ssyncadd.s32 $0xFFFFFFFF  }
0xa5: {  	s26 =	simm.s32 $execute0_lowered;
	[smem:$0x3FD2] =	sst s25  }
0xa6: {  	s5 =	sshll.u32 s26, $0x1;
	_ =	strace $0x80000046;
	[dreg:$0x1] =	wrdreg $0xFFFFFFFF  }
0xa7: {  	s28 =	simm.s32 $_size_execute0_lowered;
	s3 =	sadd.s32 s3, s5;
	[dreg:$0x0] =	wrdreg $0x0  }
0xa8: {  	s5 =	sshll.u32 s28, $0x1;
	[dreg:$0x2] =	wrdreg s3  }
0xa9: {  	[dreg:$0x3] =	wrdreg s5  }
0xaa: {  	[dreg:$0x4] =	wrdreg $0xC0  }
0xab: {  	_ =	task [dreg:s7], $0x5FFFF  }
0xac: {  	[dreg:$0x1] =	wrdreg $0xFFFFFFFF  }
0xad: {  	[dreg:$0x0] =	wrdreg $0x60  }
0xae: {  	[dreg:$0x2] =	wrdreg s24  }
0xaf: {  	[dreg:$0x3] =	wrdreg s2  }
0xb0: {  	[dreg:$0x4] =	wrdreg $0x28500  }
0xb1: {  	[dreg:$0x5] =	wrdreg $0x9  }
0xb2: {  	_ =	task.clear_ibuf [dreg:s7], $0x6FFFF;
	_ =	strace $0x90000046  }
0xb3: {  	s29 =	simm.s32 $0x9;
	_ =	strace $0x80000048  }
0xb4: {  	_ =	swait.ge [sflag:s29], $0x1  }
0xb5: {  	[sflag:s29] =	ssyncadd.s32 $0xFFFFFFFF  }
0xb6: {  	_ =	strace $0x90000048  }
0xb7: {  	_ =	sfence  }
0xb8: {  	s30 =	sld [smem:$0x0];
	_ =	sdelay $0x2  }
0xb9: {  	s31 =	sshll.u32 s1, $0xD;
	s1 =	sshrl.u32 s1, $0x2  }
0xba: {  	s3 =	sand.u32 $0x4000, s31;
	s1 =	sadd.s32 s1, s30  }
0xbb: {  	s0 =	sor.u32 s3, s0;
	s1 =	sshll.u32 s1, $0x11  }
0xbc: {  	s0 =	sor.u32 s1, s0  }
0xbd: {  	s0 =	sadd.s32 $0x8F2B, s0  }
0xbe: {  	[sflag:s0] =	ssyncadd.remote.s32 $0x1  }
0xbf: {  	_ =	sfence.sel $0xFFFF  }
0xc0: {  	[dreg:$0x0] =	wrdreg $0xFFFFFFFF;
	(pc) =	sbr.abs _section_cstart, $3  }
0xc1: {  	[dreg:$0x1] =	wrdreg $0xFFFFFFFF  }
0xc2: {  	_ =	task.clear_ibuf [dreg:s7], $0x2FFFF;
	_ =	strace $0x9FFFFFFF  }
0xc3: {  	(tm) =	ssettm $0x7FFFFFFF  }
tec
execute0_lowered:
.L_overlay_start_1:
0x0: {  	(tag) =	ssettag $0x1  }
0x1: {  	s0 =	srdreg.scid  }
0x2: {  	s1 =	rddreg [dreg:$0x0];
	s10 =	stileid.u32  }
0x3: {  	s7 =	rddreg [dreg:$0x1];
	s3 =	simm.s32 $0x0;
	s16 =	simm.s32 $0x2800  }
0x4: {  	s17 =	simm.s32 $0x6;
	s18 =	simm.s32 $0x1;
	s19 =	simm.s32 $0x80  }
0x5: {  	s20 =	simm.s32 $0x2780;
	s23 =	simm.s32 $0x2;
	s28 =	simm.s32 $0x5  }
0x6: {  	s29 =	simm.s32 $0x2600;
	s30 =	simm.s32 $0x2680;
	s31 =	simm.s32 $0x0  }
0x7: {  	s0 =	sand.u32 $0x1, s0;
	s5 =	smul.u32 $0xA00, s10;
	[smem:$0x7FF] =	sst s3  }
0x8: {  	s1 =	sadd.s32 $0xB400, s1;
	s9 =	smul.u32 $0x280, s10;
	s25 =	sshll.u32 s10, $0x4  }
0x9: {  	s2 =	sshll.u32 s0, $0x4;
	s6 =	ssub.s32 $0x2, s0;
	s0 =	smul.u32 $0x2800, s0  }
0xa: {  	s24 =	sor.u32 s10, s2;
	s2 =	rddreg [dreg:$0x2];
	s8 =	sshrl.u32 s6, $0x1  }
0xb: {  	_ =	strace $0x80000047;
	s5 =	sshrl.u32 s5, $0x2;
	s4 =	smul.u32 $0x4E0, s24  }
0xc: {  	s8 =	ssub.s32 s6, s8;
	s0 =	sadd.s32 s9, s0;
	s5 =	sadd.s32 s5, s2  }
0xd: {  	s26 =	sadd.s32 s9, s2;
	p0 =	sgt.u32 s24, $0x3;
	s24 =	simm.s32 $0x3  }
0xe: {  	s0 =	sshrl.u32 s0, $0x3;
	s8 =	smax.u32 s8, $0x1;
	s9 =	sadd.s32 $0x50, s5  }
0xf: {  	s10 =	sadd.s32 $0xA0, s5;
	s11 =	sadd.s32 $0xF0, s5;
	s12 =	sadd.s32 $0x140, s5  }
0x10: {  	s13 =	sadd.s32 $0x190, s5;
	s14 =	sadd.s32 $0x1E0, s5;
	s15 =	sadd.s32 $0x230, s5  }
0x11: {  	s4 =	sadd.s32 s1, s4;
	s1 =	sadd.s32 s25, s1;
	s7 =	sadd.s32 s7, s0  }
0x12: {  	v0 =	vimm.f32 $1.000000000e+00;
	v1 =	vimm.f32 $0.0e+00;
	s25 =	sshrl.u32 s26, $0x3;
	s26 =	simm.s32 $0x4;
	s6 =	sadd.s32 $0x9C00, s1  }
.LBB2_1:
0x13: {  	[tilespmem:s3], [sflag:$0x1] =	stream.linear.gather [hbm4b:s4+s3], $0x2700, $0x38;
	[tilespmem:$0x2AD0] =	vst v63  }
0x14: {  	[tilespmem:$0x2780] =	vst v0  }
0x15: {  	[tilespmem:$0x2790] =	vst v0  }
0x16: {  	[tilespmem:$0x27A0] =	vst v0  }
0x17: {  	[tilespmem:$0x27B0] =	vst v0  }
0x18: {  	[tilespmem:$0x27C0] =	vst v0  }
0x19: {  	[tilespmem:$0x27D0] =	vst v0  }
0x1a: {  	[tilespmem:$0x27E0] =	vst v0  }
0x1b: {  	[tilespmem:$0x27F0] =	vst v0  }
0x1c: {  	[tilespmem:$0x2800] =	vst v1  }
0x1d: {  	[tilespmem:$0x2810] =	vst v1  }
0x1e: {  	[tilespmem:$0x2820] =	vst v1  }
0x1f: {  	[tilespmem:$0x2830] =	vst v1  }
0x20: {  	[tilespmem:$0x2840] =	vst v1  }
0x21: {  	[spmem:s5] =	stream.linear.scatter [tilespmem:s16], [sflag:$0x6], $0x50, $0x38;
	[tilespmem:$0x2AD0] =	vst v63  }
0x22: {  	_ =	swait.ge [sflag:s17], $0x50  }
0x23: {  	[sflag:s17] =	ssyncset.done $0x0  }
0x24: {  	[sflag:s17] =	ssyncadd.s32 $0xFFFFFFB0  }
0x25: {  	[spmem:s9] =	stream.linear.scatter [tilespmem:s16], [sflag:$0x6], $0x50, $0x38;
	[tilespmem:$0x2AD0] =	vst v63  }
0x26: {  	_ =	swait.ge [sflag:s17], $0x50  }
0x27: {  	[sflag:s17] =	ssyncset.done $0x0  }
0x28: {  	[sflag:s17] =	ssyncadd.s32 $0xFFFFFFB0  }
0x29: {  	[spmem:s10] =	stream.linear.scatter [tilespmem:s16], [sflag:$0x6], $0x50, $0x38;
	[tilespmem:$0x2AD0] =	vst v63  }
0x2a: {  	_ =	swait.ge [sflag:s17], $0x50  }
0x2b: {  	[sflag:s17] =	ssyncset.done $0x0  }
0x2c: {  	[sflag:s17] =	ssyncadd.s32 $0xFFFFFFB0  }
0x2d: {  	[spmem:s11] =	stream.linear.scatter [tilespmem:s16], [sflag:$0x6], $0x50, $0x38;
	[tilespmem:$0x2AD0] =	vst v63  }
0x2e: {  	_ =	swait.ge [sflag:s17], $0x50  }
0x2f: {  	[sflag:s17] =	ssyncset.done $0x0  }
0x30: {  	[sflag:s17] =	ssyncadd.s32 $0xFFFFFFB0  }
0x31: {  	[spmem:s12] =	stream.linear.scatter [tilespmem:s16], [sflag:$0x6], $0x50, $0x38;
	[tilespmem:$0x2AD0] =	vst v63  }
0x32: {  	_ =	swait.ge [sflag:s17], $0x50  }
0x33: {  	[sflag:s17] =	ssyncset.done $0x0  }
0x34: {  	[sflag:s17] =	ssyncadd.s32 $0xFFFFFFB0  }
0x35: {  	[spmem:s13] =	stream.linear.scatter [tilespmem:s16], [sflag:$0x6], $0x50, $0x38;
	[tilespmem:$0x2AD0] =	vst v63  }
0x36: {  	_ =	swait.ge [sflag:s17], $0x50  }
0x37: {  	[sflag:s17] =	ssyncset.done $0x0  }
0x38: {  	[sflag:s17] =	ssyncadd.s32 $0xFFFFFFB0  }
0x39: {  	[spmem:s14] =	stream.linear.scatter [tilespmem:s16], [sflag:$0x6], $0x50, $0x38;
	[tilespmem:$0x2AD0] =	vst v63  }
0x3a: {  	_ =	swait.ge [sflag:s17], $0x50  }
0x3b: {  	[sflag:s17] =	ssyncset.done $0x0  }
0x3c: {  	[sflag:s17] =	ssyncadd.s32 $0xFFFFFFB0  }
0x3d: {  	[spmem:s15] =	stream.linear.scatter [tilespmem:s16], [sflag:$0x6], $0x50, $0x38;
	[tilespmem:$0x2AD0] =	vst v63  }
0x3e: {  	_ =	swait.ge [sflag:s17], $0x50  }
0x3f: {  	[sflag:s17] =	ssyncset.done $0x0  }
0x40: {  	[sflag:s17] =	ssyncadd.s32 $0xFFFFFFB0  }
0x41: {  	_ =	swait.ge [sflag:s18], $0x2700  }
0x42: {  	[sflag:s18] =	ssyncset.done $0x0  }
0x43: {  	[sflag:s18] =	ssyncadd.s32 $0xFFFFD900  }
0x44: {  	[bflag:$0x0] =	sbarrier.arrive $0xFFFF  }
0x45: {  	[spmem:s2] =	stream.indirect.scatter.add.f32 [tilespmem:s20], [sflag:$0x2], $0x1, s3, s19, $0xb8;
	[tilespmem:$0x2AD0] =	vst v63  }
0x46: {  	_ = 	snop  }
0x47: {  	[spmem:s2] =	stream.indirect.scatter.add.f32 [tilespmem:s20], [sflag:$0x3], $0x1, s19, s19, $0xb8;
	[tilespmem:$0x2AD0] =	vst v63  }
0x48: {  	s0 =	simm.s32 $0x100  }
0x49: {  	[spmem:s2] =	stream.indirect.scatter.add.f32 [tilespmem:s20], [sflag:$0x4], $0x1, s0, s19, $0xb8;
	[tilespmem:$0x2AD0] =	vst v63  }
0x4a: {  	s22 =	simm.s32 $0x180  }
0x4b: {  	[spmem:s2] =	stream.indirect.scatter.add.f32 [tilespmem:s20], [sflag:$0x5], $0x1, s22, s19, $0xb8;
	[tilespmem:$0x2AD0] =	vst v63  }
0x4c: {  	_ =	swait.ge [sflag:s23], $0x80  }
0x4d: {  	[sflag:s23] =	ssyncset.done $0x0  }
0x4e: {  	s1 =	simm.s32 $0x200;
	[sflag:s23] =	ssyncadd.s32 $0xFFFFFF80  }
0x4f: {  	[spmem:s2] =	stream.indirect.scatter.add.f32 [tilespmem:s20], [sflag:$0x2], $0x1, s1, s19, $0xb8;
	[tilespmem:$0x2AD0] =	vst v63  }
0x50: {  	_ =	swait.ge [sflag:s24], $0x80  }
0x51: {  	[sflag:s24] =	ssyncset.done $0x0  }
0x52: {  	s21 =	simm.s32 $0x280;
	[sflag:s24] =	ssyncadd.s32 $0xFFFFFF80  }
0x53: {  	[spmem:s2] =	stream.indirect.scatter.add.f32 [tilespmem:s20], [sflag:$0x3], $0x1, s21, s19, $0xb8;
	[tilespmem:$0x2AD0] =	vst v63  }
0x54: {  	_ =	swait.ge [sflag:s26], $0x80  }
0x55: {  	[sflag:s26] =	ssyncset.done $0x0  }
0x56: {  	s22 =	simm.s32 $0x300;
	[sflag:s26] =	ssyncadd.s32 $0xFFFFFF80  }
0x57: {  	[spmem:s2] =	stream.indirect.scatter.add.f32 [tilespmem:s20], [sflag:$0x4], $0x1, s22, s19, $0xb8;
	[tilespmem:$0x2AD0] =	vst v63  }
0x58: {  	_ =	swait.ge [sflag:s28], $0x80  }
0x59: {  	[sflag:s28] =	ssyncset.done $0x0  }
0x5a: {  	s0 =	simm.s32 $0x380;
	s1 =	simm.s32 $0xFFFF7800;
	[sflag:s28] =	ssyncadd.s32 $0xFFFFFF80  }
.LBB2_2:
0x5b: {  	[spmem:s2] =	stream.indirect.scatter.add.f32 [tilespmem:s20], [sflag:$0x5], $0x1, s0, s19, $0xb8;
	[tilespmem:$0x2AD0] =	vst v63  }
0x5c: {  	s0 =	smov.u32 s1  }
0x5d: {  	p1 =	sne.s32 s1, $0xFFFFF800;
	s1 =	sadd.s32 $0x800, s1;
	_ =	swait.ge [sflag:s23], $0x80  }
0x5e: {  	s0 =	sshra.s32 s0, $0x2;
	[sflag:s23] =	ssyncset.done $0x0  }
0x5f: {  	s21 =	sadd.s32 $0x2600, s0;
	[sflag:s23] =	ssyncadd.s32 $0xFFFFFF80  }
0x60: {  	[spmem:s2] =	stream.indirect.scatter.add.f32 [tilespmem:s20], [sflag:$0x2], $0x1, s21, s19, $0xb8;
	[tilespmem:$0x2AD0] =	vst v63  }
0x61: {  	_ =	swait.ge [sflag:s24], $0x80  }
0x62: {  	[sflag:s24] =	ssyncset.done $0x0  }
0x63: {  	s21 =	sadd.s32 $0x2680, s0;
	[sflag:s24] =	ssyncadd.s32 $0xFFFFFF80  }
0x64: {  	[spmem:s2] =	stream.indirect.scatter.add.f32 [tilespmem:s20], [sflag:$0x3], $0x1, s21, s19, $0xb8;
	[tilespmem:$0x2AD0] =	vst v63  }
0x65: {  	_ =	swait.ge [sflag:s26], $0x80  }
0x66: {  	[sflag:s26] =	ssyncset.done $0x0  }
.Ltmp0:
0x67: {  	s21 =	sadd.s32 $0x2700, s0;
	[sflag:s26] =	ssyncadd.s32 $0xFFFFFF80;
	(pc) =	sbr.rel @p1 .LBB2_2-.Ltmp0, $4  }
0x68: {  	[spmem:s2] =	stream.indirect.scatter.add.f32 [tilespmem:s20], [sflag:$0x4], $0x1, s21, s19, $0xb8;
	[tilespmem:$0x2AD0] =	vst v63  }
0x69: {  	_ =	swait.ge [sflag:s28], $0x80  }
0x6a: {  	[sflag:s28] =	ssyncset.done $0x0  }
0x6b: {  	s0 =	sadd.s32 $0x2780, s0;
	[sflag:s28] =	ssyncadd.s32 $0xFFFFFF80  }
0x6c: {  	[spmem:s2] =	stream.indirect.scatter.add.f32 [tilespmem:s20], [sflag:$0x5], $0x1, s0, s19, $0xb8;
	[tilespmem:$0x2AD0] =	vst v63  }
0x6d: {  	_ = 	snop  }
0x6e: {  	[spmem:s2] =	stream.indirect.scatter.add.f32 [tilespmem:s20], [sflag:$0x6], $0x1, s29, s19, $0xb8;
	[tilespmem:$0x2AD0] =	vst v63  }
0x6f: {  	_ =	swait.ge [sflag:s17], $0x80  }
0x70: {  	[sflag:s17] =	ssyncset.done $0x0  }
0x71: {  	[sflag:s17] =	ssyncadd.s32 $0xFFFFFF80  }
0x72: {  	[spmem:s2] =	stream.indirect.scatter.add.f32 [tilespmem:s20], [sflag:$0x6], $0x1, s30, s19, $0xb8;
	[tilespmem:$0x2AD0] =	vst v63  }
0x73: {  	_ =	swait.ge [sflag:s17], $0x80  }
0x74: {  	[sflag:s17] =	ssyncset.done $0x0  }
0x75: {  	[sflag:s17] =	ssyncadd.s32 $0xFFFFFF80  }
0x76: {  	_ =	swait.ge [sflag:s23], $0x80  }
0x77: {  	[sflag:s23] =	ssyncset.done $0x0  }
0x78: {  	[sflag:s23] =	ssyncadd.s32 $0xFFFFFF80  }
0x79: {  	_ =	swait.ge [sflag:s24], $0x80  }
0x7a: {  	[sflag:s24] =	ssyncset.done $0x0  }
0x7b: {  	[sflag:s24] =	ssyncadd.s32 $0xFFFFFF80  }
0x7c: {  	_ =	swait.ge [sflag:s26], $0x80  }
0x7d: {  	[sflag:s26] =	ssyncset.done $0x0  }
0x7e: {  	[sflag:s26] =	ssyncadd.s32 $0xFFFFFF80  }
0x7f: {  	_ =	swait.ge [sflag:s28], $0x80  }
0x80: {  	[sflag:s28] =	ssyncset.done $0x0  }
0x81: {  	s0 =	simm.s32 @!p0 $0x0;
	s1 =	simm.s32 @!p0 $0x2700;
	[sflag:s28] =	ssyncadd.s32 $0xFFFFFF80  }
0x82: {  	[tilespmem:s1], [sflag:$0x6] =	stream.linear.gather @!p0 [hbm4b:s6+s0], $0x80, $0x38;
	[tilespmem:$0x2AD0] =	vst v63  }
0x83: {  	s0 =	simm.s32 @!p0 $0x6  }
0x84: {  	_ =	swait.ge @!p0 [sflag:s0], $0x80  }
0x85: {  	[sflag:s0] =	ssyncset.done @!p0 $0x0  }
0x86: {  	s21 =	simm.s32 @!p0 $0x80;
	s22 =	simm.s32 @!p0 $0x2780;
	[sflag:s0] =	ssyncadd.s32 @!p0 $0xFFFFFF80  }
0x87: {  	[spmem:s2] =	stream.indirect.scatter.add.f32 @!p0 [tilespmem:s22], [sflag:$0x6], $0x1, s1, s21, $0xb8;
	[tilespmem:$0x2AD0] =	vst v63  }
0x88: {  	_ =	swait.ge @!p0 [sflag:s0], $0x80  }
0x89: {  	s31 =	sadd.s32 $0x1, s31;
	s22 =	stileid.u32;
	[sflag:s0] =	ssyncset.done @!p0 $0x0  }
0x8a: {  	p1 =	sne.s32 s31, s8;
	[sflag:s0] =	ssyncadd.s32 @!p0 $0xFFFFFF80;
	s0 =	sshll.u32 s22, $0x6  }
.Ltmp1:
0x8b: {  	[bflag:$0x0] =	sbarrier.arrive $0xFFFF;
	s0 =	sor.u32 $0x1C06, s0;
	(pc) =	sbr.rel @p1 .LBB2_1-.Ltmp1, $4  }
0x8c: {  	[hbm:s7], [sflag:s0] =	dma.local [spmem:s25], $0x50  }
0x8d: {  	_ =	swait.ge [sflag:s17], $0x50  }
0x8e: {  	[sflag:s17] =	ssyncset.done $0x0  }
0x8f: {  	[sflag:s17] =	ssyncadd.s32 $0xFFFFFFB0  }
0x90: {  	_ =	sfence.sel $0x180000  }
0x91: {  	[bflag:$0x0] =	sbarrier.arrive $0xFFFF  }
0x92: {  	_ =	strace $0x90000047  }
0x93: {  	s0 =	stileid.u32;
	[bflag:$0x2] =	sbarrier.arrive $0xFFFF  }
0x94: {  	p0 =	sne.s32 s0, $0x0;
	s0 =	rddreg [dreg:$0x3]  }
0x95: {  	s0 =	sadd.s32 @!p0 $0x100000, s0  }
0x96: {  	[sflag:s0] =	ssyncadd.tile.s32 @!p0 $0x1;
	_ =	shalt  }
.Lfunc_end2:
_tile_overlayer_lowered:
.L_overlay_start_2:
0x97: {  	(tag) =	ssettag $0x2  }
0x98: {  	s0 =	rddreg [dreg:$0x0];
	s2 =	stileid.u32  }
0x99: {  	s1 =	rddreg [dreg:$0x1];
	p0 =	sne.s32 s2, $0x0  }
0x9a: {  	s3 =	rddreg [dreg:$0x2];
	[bflag:$0x3] =	sbarrier.arrive $0xFFFF;
	s2 =	simm.s32 @!p0 $0x1C06  }
0x9b: {  	[timem:s3], [sflag:s2] =	dma.local @!p0 [hbm:s0], s1  }
0x9c: {  	s0 =	simm.s32 @!p0 $0x6  }
0x9d: {  	_ =	swait.ge @!p0 [sflag:s0], s1  }
0x9e: {  	s1 =	ssub.s32 @!p0 $0x0, s1;
	[sflag:s0] =	ssyncset.done @!p0 $0x0  }
0x9f: {  	[sflag:s0] =	ssyncadd.s32 @!p0 s1  }
0xa0: {  	[bflag:$0x3] =	sbarrier.arrive $0xFFFF  }
0xa1: {  	_ =	shalt  }

</sc_bundles>
